<compile_context>
chip_gen: v7x
topology: tpu7x:2x2x1
jax: 0.10.2.dev20260603
libtpu: 0.0.44.dev20260713+nightly
codegen_flags: <defaults>
</compile_context>

<pallas_src>
import functools

import jax
import jax.numpy as jnp
from jax import lax
from jax.experimental import pallas as pl
from jax.experimental.pallas import tpu as pltpu
from jax.experimental.pallas import tpu_sc as plsc

N = 100000
E = 3200000
G = 256
EROWS = E // 128
NPAD = 100096
ZCH = NPAD // 16
NBW = 3136
F32 = jnp.float32
I32 = jnp.int32

_MESH = plsc.VectorSubcoreMesh(core_axis_name="c", subcore_axis_name="s")
_SC_PARAMS = pltpu.CompilerParams(needs_layout_passes=False,
                                 use_tc_tiling_on_sc=False)


def _iota16():
    return lax.iota(I32, 16)


def _dinv_body(degp_ref, dinv_ref):
    d0 = degp_ref[pl.ds(0, NPAD)]
    d1 = degp_ref[pl.ds(NPAD, NPAD)]
    dinv_ref[...] = lax.rsqrt(d0 + d1 + 1.0)


@functools.partial(
    pl.kernel,
    out_type=jax.ShapeDtypeStruct((2 * NPAD,), F32),
    mesh=_MESH,
    compiler_params=_SC_PARAMS,
    scratch_types=[
        pltpu.VMEM((16, 128), I32),
        pltpu.VMEM((16, 128), I32),
        pltpu.VMEM((128,), F32),
        pltpu.VMEM((ZCH,), F32),
        pltpu.VMEM_SHARED((NPAD,), F32),
        pltpu.SemaphoreType.DMA,
        pltpu.SemaphoreType.DMA,
    ],
)
def _deg_kernel(e2d, degp, idx0, idx1, ones, zbuf, deg_sh, sem0, sem1):
    c = lax.axis_index("c")
    s = lax.axis_index("s")

    def _z(t, _):
        zbuf[pl.ds(t * 16, 16)] = jnp.zeros((16,), F32)
        return 0

    lax.fori_loop(0, ZCH // 16, _z, 0)
    for k in range(8):
        ones[pl.ds(k * 16, 16)] = jnp.full((16,), 1.0, F32)
    pltpu.sync_copy(zbuf, deg_sh.at[pl.ds(s * ZCH, ZCH)])
    plsc.subcore_barrier()

    extra = 10 + c
    start_o = c * 1562 + s * 97 + jnp.minimum(s, extra)
    cnt_o = 97 + (s < extra).astype(I32)
    sets = [(idx0, sem0), (idx1, sem1)]

    def _j0(b):
        r0_o = jnp.minimum(start_o + b * 2, start_o + cnt_o - 2)
        return (start_o + b * 2 - r0_o) * 8, r0_o * 8

    def _stage_fire(b, st):
        idx, sem = st
        j0, r0 = _j0(b)
        pltpu.sync_copy(e2d.at[pl.ds(EROWS + r0, 16)], idx)

        def _row(j, _):
            pltpu.async_copy(ones, deg_sh.at[idx.at[j]], sem, add=True)
            return 0

        lax.fori_loop(j0, 16, _row, 0)

    def _drain(b, st):
        idx, sem = st
        j0, _ = _j0(b)

        def _row(j, _):
            pltpu.make_async_copy(ones, deg_sh.at[idx.at[j]], sem).wait()
            return 0

        lax.fori_loop(j0, 16, _row, 0)

    _stage_fire(jnp.int32(0), sets[0])
    _stage_fire(jnp.int32(1), sets[1])

    def _pair(bb, _):
        for p in range(2):
            b = bb * 2 + p
            _drain(b, sets[p])

            @pl.when(b + 2 < 49)
            def _():
                _stage_fire(b + 2, sets[p])
        return 0

    lax.fori_loop(0, 24, _pair, 0)
    _drain(jnp.int32(48), sets[0])
    plsc.subcore_barrier()
    pltpu.sync_copy(deg_sh.at[pl.ds(s * ZCH, ZCH)], zbuf)
    pltpu.sync_copy(zbuf, degp.at[pl.ds(c * NPAD + s * ZCH, ZCH)])


@functools.partial(
    pl.kernel,
    out_type=jax.ShapeDtypeStruct((N, 8), F32),
    mesh=_MESH,
    compiler_params=_SC_PARAMS,
    scratch_types=[
        pltpu.VMEM((NBW,), F32),
        pltpu.VMEM((NBW, 3), F32),
        pltpu.VMEM((NBW,), I32),
        pltpu.VMEM((NBW, 8), F32),
    ],
)
def _table_kernel(dinv_hbm, x, batch, tout, dv, xb, bb, tb):
    c = lax.axis_index("c")
    s = lax.axis_index("s")
    w = s * 2 + c
    base = jnp.minimum(w * NBW, N - NBW)
    i16 = _iota16()
    pltpu.sync_copy(dinv_hbm.at[pl.ds(base, NBW)], dv)
    pltpu.sync_copy(x.at[pl.ds(base, NBW)], xb)
    pltpu.sync_copy(batch.at[pl.ds(base, NBW)], bb)

    def _step(t, _):
        rows = i16 + t * 16
        dinv = dv[pl.ds(t * 16, 16)]
        bf = plsc.load_gather(bb, [rows]).astype(F32)
        for col in range(3):
            xc = plsc.load_gather(xb, [rows, jnp.full((16,), col, I32)])
            plsc.store_scatter(tb, [rows, jnp.full((16,), col, I32)],
                               xc * dinv)
        plsc.store_scatter(tb, [rows, jnp.full((16,), 3, I32)], dinv)
        plsc.store_scatter(tb, [rows, jnp.full((16,), 4, I32)], bf)
        return 0

    lax.fori_loop(0, NBW // 16, _step, 0)
    pltpu.sync_copy(tb, tout.at[pl.ds(base, NBW)])


@functools.partial(
    pl.kernel,
    out_type=jax.ShapeDtypeStruct((32, 64, 256), F32),
    mesh=_MESH,
    compiler_params=_SC_PARAMS,
    scratch_types=[
        pltpu.VMEM((16, 128), I32),
        pltpu.VMEM((16, 128), I32),
        pltpu.VMEM((16, 128), I32),
        pltpu.VMEM((16, 128), I32),
        pltpu.VMEM((2048, 8), F32),
        pltpu.VMEM((2048, 8), F32),
        pltpu.VMEM((2048, 8), F32),
        pltpu.VMEM((2048, 8), F32),
        pltpu.VMEM((64, 256), F32),
        pltpu.VMEM((NBW, 8), F32),
        pltpu.SemaphoreType.DMA,
        pltpu.SemaphoreType.DMA,
    ],
)
def _acc_kernel(tin, e2d, parts, sidx0, sidx1, didx0, didx1, srows0, srows1,
                drows0, drows1, acc, nb, sem0, sem1):
    c = lax.axis_index("c")
    s = lax.axis_index("s")
    w = s * 2 + c
    i16 = _iota16()
    c3 = jnp.full((16,), 3, I32)
    c4 = jnp.full((16,), 4, I32)
    rv = [i16 + (col * 16) for col in range(4)]
    onesf = jnp.full((16,), 1.0, F32)
    sets = [(sidx0, didx0, srows0, drows0, sem0),
            (sidx1, didx1, srows1, drows1, sem1)]

    def _za(t, _):
        r = t // 16
        k = t % 16
        acc[r, pl.ds(k * 16, 16)] = jnp.zeros((16,), F32)
        return 0

    lax.fori_loop(0, 64 * 16, _za, 0)

    start_o = w * 97 + jnp.minimum(w, 21)
    cnt_o = 97 + (w < 21).astype(I32)
    nblk = 49

    def _j0(b):
        r0_o = jnp.minimum(start_o + b * 2, start_o + cnt_o - 2)
        return (start_o + b * 2 - r0_o) * 8, r0_o * 8

    def _stage_fire(b, st):
        sidx, didx, srows, drows, sem = st
        j0, r0 = _j0(b)
        pltpu.sync_copy(e2d.at[pl.ds(r0, 16)], sidx)
        pltpu.sync_copy(e2d.at[pl.ds(EROWS + r0, 16)], didx)

        def _fire(j, _):
            pltpu.async_copy(tin.at[sidx.at[j]],
                             srows.at[pl.ds(j * 128, 128)], sem)
            pltpu.async_copy(tin.at[didx.at[j]],
                             drows.at[pl.ds(j * 128, 128)], sem)
            return 0

        lax.fori_loop(j0, 16, _fire, 0)

    def _drain_compute(b, st):
        sidx, didx, srows, drows, sem = st
        j0, _ = _j0(b)

        def _drain(j, _):
            pltpu.make_async_copy(tin.at[sidx.at[j]],
                                  srows.at[pl.ds(j * 128, 128)], sem).wait()
            pltpu.make_async_copy(tin.at[didx.at[j]],
                                  drows.at[pl.ds(j * 128, 128)], sem).wait()
            return 0

        lax.fori_loop(j0, 16, _drain, 0)

        def _vec(t, _):
            rows = i16 + t * 16
            dinv = plsc.load_gather(drows, [rows, c3])
            g = plsc.load_gather(drows, [rows, c4]).astype(I32)
            for col in range(3):
                yc = plsc.load_gather(srows,
                                      [rows, jnp.full((16,), col, I32)])
                plsc.addupdate_scatter(acc, [rv[col], g], yc * dinv)
            return 0

        lax.fori_loop(j0 * 8, 128, _vec, 0)

    _stage_fire(jnp.int32(0), sets[0])
    _stage_fire(jnp.int32(1), sets[1])

    def _pair(bb, _):
        for p in range(2):
            b = bb * 2 + p
            _drain_compute(b, sets[p])

            @pl.when(b + 2 < nblk)
            def _():
                _stage_fire(b + 2, sets[p])
        return 0

    lax.fori_loop(0, nblk // 2, _pair, 0)
    _drain_compute(jnp.int32(nblk - 1), sets[0])

    nbase = jnp.minimum(w * NBW, N - NBW)
    t0 = (w * NBW - nbase) // 16
    pltpu.sync_copy(tin.at[pl.ds(nbase, NBW)], nb)

    def _nstep(t, _):
        rows = i16 + t * 16
        dinv = plsc.load_gather(nb, [rows, c3])
        g = plsc.load_gather(nb, [rows, c4]).astype(I32)
        for col in range(3):
            yc = plsc.load_gather(nb, [rows, jnp.full((16,), col, I32)])
            plsc.addupdate_scatter(acc, [rv[col], g], yc * dinv)
        plsc.addupdate_scatter(acc, [rv[3], g], onesf)
        return 0

    lax.fori_loop(t0, NBW // 16, _nstep, 0)
    pltpu.sync_copy(acc, parts.at[w])


def _final_body(parts_ref, w1_ref, b1_ref, w2_ref, b2_ref, out_ref):
    p = parts_ref[...]
    sums = jnp.sum(p, axis=0)
    s4 = jnp.sum(sums.reshape(4, 16, 256), axis=1)
    a = jnp.dot(w1_ref[...], w2_ref[...],
                preferred_element_type=F32)
    cvec = jnp.dot(b1_ref[...].reshape(1, 128), w2_ref[...],
                   preferred_element_type=F32)
    out = b2_ref[...][None, :]
    for k in range(3):
        out = out + s4[k].reshape(256, 1) * a[k].reshape(1, 5)
    out = out + s4[3].reshape(256, 1) * cvec
    out_ref[...] = out


def kernel(x, edge_index, batch, W1, b1, W2, b2):
    e2d = edge_index.reshape(2 * EROWS, 128)
    degp = _deg_kernel(e2d)
    dinv = pl.pallas_call(
        _dinv_body,
        out_shape=jax.ShapeDtypeStruct((NPAD,), F32),
    )(degp)
    table = _table_kernel(dinv, x, batch)
    parts = _acc_kernel(table, e2d)
    out = pl.pallas_call(
        _final_body,
        out_shape=jax.ShapeDtypeStruct((G, 5), F32),
    )(parts, W1, b1, W2, b2)
    return out

# --- scband reference (transcript-rebuilt; emitter-appended) ---
"""Pipeline reference for scband-gcn-35562329211001 (READ-ONLY COPY).

The authoritative reference and input builder live on the scoring server;
editing this copy changes nothing except your own understanding.
"""

import jax, jax.numpy as jnp
import numpy as np

N = 100000
E = 3200000
F_IN = 3
H = 128
C = 5
G = 256


def setup_inputs(seed: int = 0) -> dict:
    key = jax.random.key(seed)
    k1, k2, k3, k4, k5 = jax.random.split(key, 5)
    x = jax.random.normal(k1, (N, F_IN), dtype=jnp.float32)
    edge_index = jax.random.randint(k2, (2, E), 0, N, dtype=jnp.int32)
    batch = jnp.sort(jax.random.randint(k3, (N,), 0, G, dtype=jnp.int32))
    # GCNConv params (glorot-ish) and final linear params
    W1 = jax.random.normal(k4, (F_IN, H), dtype=jnp.float32) * (1.0 / np.sqrt(F_IN))
    b1 = jnp.zeros((H,), dtype=jnp.float32)
    W2 = jax.random.normal(k5, (H, C), dtype=jnp.float32) * (1.0 / np.sqrt(H))
    b2 = jnp.zeros((C,), dtype=jnp.float32)
    return {"x": x, "edge_index": edge_index, "batch": batch,
            "W1": W1, "b1": b1, "W2": W2, "b2": b2}


def reference(x, edge_index, batch, W1, b1, W2, b2):
    # GCNConv with symmetric normalization and self-loops (PyG semantics),
    # then global_add_pool over `batch`, dropout(p=0) is identity, then Linear.
    src = edge_index[0]
    dst = edge_index[1]
    loop = jnp.arange(N, dtype=src.dtype)
    src2 = jnp.concatenate([src, loop])
    dst2 = jnp.concatenate([dst, loop])
    ones = jnp.ones_like(src2, dtype=jnp.float32)
    deg = jax.ops.segment_sum(ones, dst2, num_segments=N)
    dinv = jax.lax.rsqrt(jnp.maximum(deg, 1.0))  # deg >= 1 due to self-loops
    norm = dinv[src2] * dinv[dst2]
    h = x @ W1
    msg = h[src2] * norm[:, None]
    agg = jax.ops.segment_sum(msg, dst2, num_segments=N) + b1
    pooled = jax.ops.segment_sum(agg, batch, num_segments=G)
    out = pooled @ W2 + b2
    return out

if __name__ == "__main__":
    import jax
    _d = setup_inputs()
    print(jax.jit(kernel)(*tuple(_d.values())))

</pallas_src>

<mosaic_0001>
#map = affine_map<(d0, d1) -> (0, 0)>
#map1 = affine_map<(d0, d1) -> (0, 0, 0)>
module attributes {stable_mosaic.version = 14 : i64} {
  func.func @_acc_kernel(%arg0: i32, %arg1: i32, %arg2: memref<100000x8xf32, #tpu.memory_space<hbm>>, %arg3: memref<50000x128xi32, #tpu.memory_space<hbm>>, %arg4: memref<32x64x256xf32, #tpu.memory_space<hbm>>, %arg5: memref<16x128xi32, #tpu.memory_space<vmem>>, %arg6: memref<16x128xi32, #tpu.memory_space<vmem>>, %arg7: memref<16x128xi32, #tpu.memory_space<vmem>>, %arg8: memref<16x128xi32, #tpu.memory_space<vmem>>, %arg9: memref<2048x8xf32, #tpu.memory_space<vmem>>, %arg10: memref<2048x8xf32, #tpu.memory_space<vmem>>, %arg11: memref<2048x8xf32, #tpu.memory_space<vmem>>, %arg12: memref<2048x8xf32, #tpu.memory_space<vmem>>, %arg13: memref<64x256xf32, #tpu.memory_space<vmem>>, %arg14: memref<3136x8xf32, #tpu.memory_space<vmem>>, %arg15: memref<!tpu.dma_semaphore, #tpu.memory_space<semaphore_mem>>, %arg16: memref<!tpu.dma_semaphore, #tpu.memory_space<semaphore_mem>>) attributes {dimension_semantics = [#tpu.dimension_semantics<core_parallel>, #tpu.dimension_semantics<subcore_parallel>], iteration_bounds = array<i64: 2, 16>, scalar_prefetch = 0 : i64, scratch_operands = 12 : i64, tpu.core_type = #tpu.core_type<sc_vector_subcore>, window_params = [{transform_indices = #map}, {transform_indices = #map}, {transform_indices = #map1}]} {
    %mul3A = arith.constant 2 : i32
    %mul3A_0 = arith.muli %arg1, %mul3A : i32
    %add3A = arith.addi %mul3A_0, %arg0 : i32
    %iota3A = tpu.iota {dimensions = array<i32: 0>} : vector<16xi32>
    %broadcast_in_dim3A = arith.constant 3 : i32
    %broadcast_in_dim3A_1 = vector.broadcast %broadcast_in_dim3A : i32 to vector<16xi32>
    %broadcast_in_dim3A_2 = arith.constant 4 : i32
    %broadcast_in_dim3A_3 = vector.broadcast %broadcast_in_dim3A_2 : i32 to vector<16xi32>
    %add3A_4 = arith.constant 0 : i32
    %add3A_5 = vector.broadcast %add3A_4 : i32 to vector<16xi32>
    %add3A_6 = arith.addi %iota3A, %add3A_5 : vector<16xi32>
    %add3A_7 = arith.constant 16 : i32
    %add3A_8 = vector.broadcast %add3A_7 : i32 to vector<16xi32>
    %add3A_9 = arith.addi %iota3A, %add3A_8 : vector<16xi32>
    %add3A_10 = arith.constant 32 : i32
    %add3A_11 = vector.broadcast %add3A_10 : i32 to vector<16xi32>
    %add3A_12 = arith.addi %iota3A, %add3A_11 : vector<16xi32>
    %add3A_13 = arith.constant 48 : i32
    %add3A_14 = vector.broadcast %add3A_13 : i32 to vector<16xi32>
    %add3A_15 = arith.addi %iota3A, %add3A_14 : vector<16xi32>
    %broadcast_in_dim3A_16 = arith.constant 1.000000e+00 : f32
    %broadcast_in_dim3A_17 = vector.broadcast %broadcast_in_dim3A_16 : f32 to vector<16xf32>
    %scan3A = arith.constant 0 : i32
    %scan3A_18 = arith.constant 0 : i32
    %scan3A_19 = arith.constant 1024 : i32
    %scan3A_20 = arith.addi %scan3A_18, %scan3A_19 : i32
    %scan3A_21 = arith.constant 1 : i32
    %scan3A_22 = scf.for %scan3A_177 = %scan3A_18 to %scan3A_20 step %scan3A_21 iter_args(%scan3A_178 = %scan3A) -> (i32)  : i32 {
      %jit3A_179 = arith.constant 16 : i32
      %div3A_180 = arith.divsi %scan3A_177, %jit3A_179 : i32
      %sign3A_181 = arith.constant 0 : i32
      %sign3A_182 = arith.cmpi sgt, %scan3A_177, %sign3A_181 : i32
      %sign3A_183 = arith.extui %sign3A_182 : i1 to i32
      %sign3A_184 = arith.constant 0 : i32
      %sign3A_185 = arith.cmpi slt, %scan3A_177, %sign3A_184 : i32
      %sign3A_186 = arith.extui %sign3A_185 : i1 to i32
      %sign3A_187 = arith.subi %sign3A_183, %sign3A_186 : i32
      %sign3A_188 = arith.constant 0 : i32
      %sign3A_189 = arith.cmpi sgt, %jit3A_179, %sign3A_188 : i32
      %sign3A_190 = arith.extui %sign3A_189 : i1 to i32
      %sign3A_191 = arith.constant 0 : i32
      %sign3A_192 = arith.cmpi slt, %jit3A_179, %sign3A_191 : i32
      %sign3A_193 = arith.extui %sign3A_192 : i1 to i32
      %sign3A_194 = arith.subi %sign3A_190, %sign3A_193 : i32
      %ne3A_195 = arith.cmpi ne, %sign3A_187, %sign3A_194 : i32
      %rem3A_196 = arith.remsi %scan3A_177, %jit3A_179 : i32
      %ne3A_197 = arith.constant 0 : i32
      %ne3A_198 = arith.cmpi ne, %rem3A_196, %ne3A_197 : i32
      %and3A_199 = arith.andi %ne3A_195, %ne3A_198 : i1
      %sub3A_200 = arith.constant 1 : i32
      %sub3A_201 = arith.subi %div3A_180, %sub3A_200 : i32
      %select_n3A_202 = arith.select %and3A_199, %sub3A_201, %div3A_180 : i32
      %jit3A_203 = arith.constant 16 : i32
      %eq3A = arith.constant 0 : i32
      %eq3A_204 = arith.cmpi eq, %jit3A_203, %eq3A : i32
      %jit3A_205 = arith.constant 1 : i32
      %select_n3A_206 = arith.select %eq3A_204, %jit3A_205, %jit3A_203 : i32
      %rem3A_207 = arith.remsi %scan3A_177, %select_n3A_206 : i32
      %ne3A_208 = arith.constant 0 : i32
      %ne3A_209 = arith.cmpi ne, %rem3A_207, %ne3A_208 : i32
      %lt3A_210 = arith.constant 0 : i32
      %lt3A_211 = arith.cmpi slt, %rem3A_207, %lt3A_210 : i32
      %lt3A_212 = arith.constant 0 : i32
      %lt3A_213 = arith.cmpi slt, %select_n3A_206, %lt3A_212 : i32
      %ne3A_214 = arith.xori %lt3A_211, %lt3A_213 : i1
      %and3A_215 = arith.andi %ne3A_214, %ne3A_209 : i1
      %add3A_216 = arith.addi %rem3A_207, %select_n3A_206 : i32
      %select_n3A_217 = arith.select %and3A_215, %add3A_216, %rem3A_207 : i32
      %broadcast_in_dim3A_218 = arith.constant 0.000000e+00 : f32
      %broadcast_in_dim3A_219 = vector.broadcast %broadcast_in_dim3A_218 : f32 to vector<16xf32>
      %mul3A_220 = arith.constant 16 : i32
      %mul3A_221 = arith.muli %select_n3A_217, %mul3A_220 : i32
      %swap3A = arith.index_cast %select_n3A_202 : i32 to index
      %swap3A_222 = arith.index_cast %mul3A_221 : i32 to index
      %swap3A_223 = tpu.vector_load %arg13[%swap3A, %swap3A_222] {strides = array<i32>} : memref<64x256xf32, #tpu.memory_space<vmem>>, vector<16xf32>,
      tpu.vector_store %arg13[%swap3A, %swap3A_222], %broadcast_in_dim3A_219 {strides = array<i32>} : memref<64x256xf32, #tpu.memory_space<vmem>>, vector<16xf32>,
      %scan3A_224 = arith.constant 0 : i32
      scf.yield %scan3A_224 : i32
    }
    %scan3A_23 = arith.constant 1024 : i32
    %mul3A_24 = arith.constant 97 : i32
    %mul3A_25 = arith.muli %add3A, %mul3A_24 : i32
    %min3A = arith.constant 21 : i32
    %min3A_26 = arith.minsi %add3A, %min3A : i32
    %add3A_27 = arith.addi %mul3A_25, %min3A_26 : i32
    %lt3A = arith.constant 21 : i32
    %lt3A_28 = arith.cmpi slt, %add3A, %lt3A : i32
    %convert_element_type3A = arith.extui %lt3A_28 : i1 to i32
    %add3A_29 = arith.constant 97 : i32
    %add3A_30 = arith.addi %add3A_29, %convert_element_type3A : i32
    %mul3A_31 = arith.constant 0 : i32
    %mul3A_32 = arith.constant 2 : i32
    %mul3A_33 = arith.muli %mul3A_31, %mul3A_32 : i32
    %add3A_34 = arith.addi %add3A_27, %mul3A_33 : i32
    %add3A_35 = arith.addi %add3A_27, %add3A_30 : i32
    %sub3A = arith.constant 2 : i32
    %sub3A_36 = arith.subi %add3A_35, %sub3A : i32
    %min3A_37 = arith.minsi %add3A_34, %sub3A_36 : i32
    %mul3A_38 = arith.constant 0 : i32
    %mul3A_39 = arith.constant 2 : i32
    %mul3A_40 = arith.muli %mul3A_38, %mul3A_39 : i32
    %add3A_41 = arith.addi %add3A_27, %mul3A_40 : i32
    %sub3A_42 = arith.subi %add3A_41, %min3A_37 : i32
    %mul3A_43 = arith.constant 8 : i32
    %mul3A_44 = arith.muli %sub3A_42, %mul3A_43 : i32
    %mul3A_45 = arith.constant 8 : i32
    %mul3A_46 = arith.muli %min3A_37, %mul3A_45 : i32
    "tpu.region"() ({
      %run_scoped3A = tpu.sem_alloc : memref<!tpu.dma_semaphore, #tpu.memory_space<semaphore_mem>>
      %dma_start3A = arith.constant 0 : i32
      %dma_start3A_177 = tpu.memref_slice %arg3[%mul3A_46, %dma_start3A] : memref<50000x128xi32, #tpu.memory_space<hbm>> -> memref<16x128xi32, #tpu.memory_space<hbm>>
      %dma_start3A_178 = arith.constant 0 : i32
      %dma_start3A_179 = tpu.memref_slice %arg3[%mul3A_46, %dma_start3A_178] : memref<50000x128xi32, #tpu.memory_space<hbm>> -> memref<16x128xi32, #tpu.memory_space<hbm>>
      tpu.enqueue_dma source(%dma_start3A_179 : memref<16x128xi32, #tpu.memory_space<hbm>>) target(%arg5 : memref<16x128xi32, #tpu.memory_space<vmem>>) target_semaphore(%run_scoped3A : memref<!tpu.dma_semaphore, #tpu.memory_space<semaphore_mem>>)
      %dma_wait3A = arith.constant 0 : i32
      %dma_wait3A_180 = tpu.memref_slice %arg3[%mul3A_46, %dma_wait3A] : memref<50000x128xi32, #tpu.memory_space<hbm>> -> memref<16x128xi32, #tpu.memory_space<hbm>>
      %dma_wait3A_181 = arith.constant 0 : i32
      %dma_wait3A_182 = tpu.memref_slice %arg3[%mul3A_46, %dma_wait3A_181] : memref<50000x128xi32, #tpu.memory_space<hbm>> -> memref<16x128xi32, #tpu.memory_space<hbm>>
      tpu.wait_dma2 semaphore(%run_scoped3A : memref<!tpu.dma_semaphore, #tpu.memory_space<semaphore_mem>>) src(%dma_wait3A_182 : memref<16x128xi32, #tpu.memory_space<hbm>>) dst(%arg5 : memref<16x128xi32, #tpu.memory_space<vmem>>)
      tpu.yield
    }) : () -> ()
    %add3A_47 = arith.constant 25000 : i32
    %add3A_48 = arith.addi %add3A_47, %mul3A_46 : i32
    "tpu.region"() ({
      %run_scoped3A = tpu.sem_alloc : memref<!tpu.dma_semaphore, #tpu.memory_space<semaphore_mem>>
      %dma_start3A = arith.constant 0 : i32
      %dma_start3A_177 = tpu.memref_slice %arg3[%add3A_48, %dma_start3A] : memref<50000x128xi32, #tpu.memory_space<hbm>> -> memref<16x128xi32, #tpu.memory_space<hbm>>
      %dma_start3A_178 = arith.constant 0 : i32
      %dma_start3A_179 = tpu.memref_slice %arg3[%add3A_48, %dma_start3A_178] : memref<50000x128xi32, #tpu.memory_space<hbm>> -> memref<16x128xi32, #tpu.memory_space<hbm>>
      tpu.enqueue_dma source(%dma_start3A_179 : memref<16x128xi32, #tpu.memory_space<hbm>>) target(%arg7 : memref<16x128xi32, #tpu.memory_space<vmem>>) target_semaphore(%run_scoped3A : memref<!tpu.dma_semaphore, #tpu.memory_space<semaphore_mem>>)
      %dma_wait3A = arith.constant 0 : i32
      %dma_wait3A_180 = tpu.memref_slice %arg3[%add3A_48, %dma_wait3A] : memref<50000x128xi32, #tpu.memory_space<hbm>> -> memref<16x128xi32, #tpu.memory_space<hbm>>
      %dma_wait3A_181 = arith.constant 0 : i32
      %dma_wait3A_182 = tpu.memref_slice %arg3[%add3A_48, %dma_wait3A_181] : memref<50000x128xi32, #tpu.memory_space<hbm>> -> memref<16x128xi32, #tpu.memory_space<hbm>>
      tpu.wait_dma2 semaphore(%run_scoped3A : memref<!tpu.dma_semaphore, #tpu.memory_space<semaphore_mem>>) src(%dma_wait3A_182 : memref<16x128xi32, #tpu.memory_space<hbm>>) dst(%arg7 : memref<16x128xi32, #tpu.memory_space<vmem>>)
      tpu.yield
    }) : () -> ()
    %while3A = arith.constant 16 : i32
    %while3A_49 = arith.constant 0 : i32
    %while3A_50 = arith.subi %while3A, %mul3A_44 : i32
    %while3A_51 = arith.addi %mul3A_44, %while3A_50 : i32
    %while3A_52 = arith.constant 1 : i32
    %while3A_53 = arith.divsi %while3A_50, %while3A_52 : i32
    %while3A_54 = arith.muli %while3A_53, %while3A_52 : i32
    %while3A_55 = arith.addi %mul3A_44, %while3A_54 : i32
    %while3A_56 = arith.constant 1 : i32
    %while3A_57 = scf.for %while3A_177 = %mul3A_44 to %while3A_55 step %while3A_56 iter_args(%while3A_178 = %while3A_49) -> (i32)  : i32 {
      %mul3A_179 = arith.constant 128 : i32
      %mul3A_180 = arith.muli %while3A_177, %mul3A_179 : i32
      %dma_start3A = arith.constant 0 : i32
      %dma_start3A_181 = tpu.memref_slice %arg9[%mul3A_180, %dma_start3A] : memref<2048x8xf32, #tpu.memory_space<vmem>> -> memref<128x8xf32, #tpu.memory_space<vmem>>
      %dma_start3A_182 = arith.constant 0 : i32
      %dma_start3A_183 = tpu.memref_slice %arg5[%while3A_177, %dma_start3A_182] : memref<16x128xi32, #tpu.memory_space<vmem>> -> memref<1x128xi32, #tpu.memory_space<vmem>>
      %dma_start3A_184 = tpu.memref_squeeze %dma_start3A_183 : memref<1x128xi32, #tpu.memory_space<vmem>> -> memref<128xi32, #tpu.memory_space<vmem>>
      %dma_start3A_185 = arith.constant 0 : i32
      %dma_start3A_186 = arith.constant 0 : i32
      %dma_start3A_187 = tpu.memref_slice %arg2[%dma_start3A_185, %dma_start3A_186] : memref<100000x8xf32, #tpu.memory_space<hbm>> -> memref<100000x8xf32, #tpu.memory_space<hbm>>
      tpu.enqueue_indirect_dma source(%dma_start3A_187 : memref<100000x8xf32, #tpu.memory_space<hbm>>) target(%dma_start3A_181 : memref<128x8xf32, #tpu.memory_space<vmem>>) offsets(%dma_start3A_184 : memref<128xi32, #tpu.memory_space<vmem>>) semaphore(%arg15 : memref<!tpu.dma_semaphore, #tpu.memory_space<semaphore_mem>>)
      %mul3A_188 = arith.constant 128 : i32
      %mul3A_189 = arith.muli %while3A_177, %mul3A_188 : i32
      %dma_start3A_190 = arith.constant 0 : i32
      %dma_start3A_191 = tpu.memref_slice %arg11[%mul3A_189, %dma_start3A_190] : memref<2048x8xf32, #tpu.memory_space<vmem>> -> memref<128x8xf32, #tpu.memory_space<vmem>>
      %dma_start3A_192 = arith.constant 0 : i32
      %dma_start3A_193 = tpu.memref_slice %arg7[%while3A_177, %dma_start3A_192] : memref<16x128xi32, #tpu.memory_space<vmem>> -> memref<1x128xi32, #tpu.memory_space<vmem>>
      %dma_start3A_194 = tpu.memref_squeeze %dma_start3A_193 : memref<1x128xi32, #tpu.memory_space<vmem>> -> memref<128xi32, #tpu.memory_space<vmem>>
      %dma_start3A_195 = arith.constant 0 : i32
      %dma_start3A_196 = arith.constant 0 : i32
      %dma_start3A_197 = tpu.memref_slice %arg2[%dma_start3A_195, %dma_start3A_196] : memref<100000x8xf32, #tpu.memory_space<hbm>> -> memref<100000x8xf32, #tpu.memory_space<hbm>>
      tpu.enqueue_indirect_dma source(%dma_start3A_197 : memref<100000x8xf32, #tpu.memory_space<hbm>>) target(%dma_start3A_191 : memref<128x8xf32, #tpu.memory_space<vmem>>) offsets(%dma_start3A_194 : memref<128xi32, #tpu.memory_space<vmem>>) semaphore(%arg15 : memref<!tpu.dma_semaphore, #tpu.memory_space<semaphore_mem>>)
      %while3A_198 = arith.constant 0 : i32
      scf.yield %while3A_198 : i32
    }
    %while3A_58 = arith.constant 1 : i32
    %while3A_59 = scf.for %while3A_177 = %while3A_55 to %while3A_51 step %while3A_58 iter_args(%while3A_178 = %while3A_57) -> (i32)  : i32 {
      %mul3A_179 = arith.constant 128 : i32
      %mul3A_180 = arith.muli %while3A_177, %mul3A_179 : i32
      %dma_start3A = arith.constant 0 : i32
      %dma_start3A_181 = tpu.memref_slice %arg9[%mul3A_180, %dma_start3A] : memref<2048x8xf32, #tpu.memory_space<vmem>> -> memref<128x8xf32, #tpu.memory_space<vmem>>
      %dma_start3A_182 = arith.constant 0 : i32
      %dma_start3A_183 = tpu.memref_slice %arg5[%while3A_177, %dma_start3A_182] : memref<16x128xi32, #tpu.memory_space<vmem>> -> memref<1x128xi32, #tpu.memory_space<vmem>>
      %dma_start3A_184 = tpu.memref_squeeze %dma_start3A_183 : memref<1x128xi32, #tpu.memory_space<vmem>> -> memref<128xi32, #tpu.memory_space<vmem>>
      %dma_start3A_185 = arith.constant 0 : i32
      %dma_start3A_186 = arith.constant 0 : i32
      %dma_start3A_187 = tpu.memref_slice %arg2[%dma_start3A_185, %dma_start3A_186] : memref<100000x8xf32, #tpu.memory_space<hbm>> -> memref<100000x8xf32, #tpu.memory_space<hbm>>
      tpu.enqueue_indirect_dma source(%dma_start3A_187 : memref<100000x8xf32, #tpu.memory_space<hbm>>) target(%dma_start3A_181 : memref<128x8xf32, #tpu.memory_space<vmem>>) offsets(%dma_start3A_184 : memref<128xi32, #tpu.memory_space<vmem>>) semaphore(%arg15 : memref<!tpu.dma_semaphore, #tpu.memory_space<semaphore_mem>>)
      %mul3A_188 = arith.constant 128 : i32
      %mul3A_189 = arith.muli %while3A_177, %mul3A_188 : i32
      %dma_start3A_190 = arith.constant 0 : i32
      %dma_start3A_191 = tpu.memref_slice %arg11[%mul3A_189, %dma_start3A_190] : memref<2048x8xf32, #tpu.memory_space<vmem>> -> memref<128x8xf32, #tpu.memory_space<vmem>>
      %dma_start3A_192 = arith.constant 0 : i32
      %dma_start3A_193 = tpu.memref_slice %arg7[%while3A_177, %dma_start3A_192] : memref<16x128xi32, #tpu.memory_space<vmem>> -> memref<1x128xi32, #tpu.memory_space<vmem>>
      %dma_start3A_194 = tpu.memref_squeeze %dma_start3A_193 : memref<1x128xi32, #tpu.memory_space<vmem>> -> memref<128xi32, #tpu.memory_space<vmem>>
      %dma_start3A_195 = arith.constant 0 : i32
      %dma_start3A_196 = arith.constant 0 : i32
      %dma_start3A_197 = tpu.memref_slice %arg2[%dma_start3A_195, %dma_start3A_196] : memref<100000x8xf32, #tpu.memory_space<hbm>> -> memref<100000x8xf32, #tpu.memory_space<hbm>>
      tpu.enqueue_indirect_dma source(%dma_start3A_197 : memref<100000x8xf32, #tpu.memory_space<hbm>>) target(%dma_start3A_191 : memref<128x8xf32, #tpu.memory_space<vmem>>) offsets(%dma_start3A_194 : memref<128xi32, #tpu.memory_space<vmem>>) semaphore(%arg15 : memref<!tpu.dma_semaphore, #tpu.memory_space<semaphore_mem>>)
      %while3A_198 = arith.constant 0 : i32
      scf.yield %while3A_198 : i32
    }
    %mul3A_60 = arith.constant 1 : i32
    %mul3A_61 = arith.constant 2 : i32
    %mul3A_62 = arith.muli %mul3A_60, %mul3A_61 : i32
    %add3A_63 = arith.addi %add3A_27, %mul3A_62 : i32
    %add3A_64 = arith.addi %add3A_27, %add3A_30 : i32
    %sub3A_65 = arith.constant 2 : i32
    %sub3A_66 = arith.subi %add3A_64, %sub3A_65 : i32
    %min3A_67 = arith.minsi %add3A_63, %sub3A_66 : i32
    %mul3A_68 = arith.constant 1 : i32
    %mul3A_69 = arith.constant 2 : i32
    %mul3A_70 = arith.muli %mul3A_68, %mul3A_69 : i32
    %add3A_71 = arith.addi %add3A_27, %mul3A_70 : i32
    %sub3A_72 = arith.subi %add3A_71, %min3A_67 : i32
    %mul3A_73 = arith.constant 8 : i32
    %mul3A_74 = arith.muli %sub3A_72, %mul3A_73 : i32
    %mul3A_75 = arith.constant 8 : i32
    %mul3A_76 = arith.muli %min3A_67, %mul3A_75 : i32
    "tpu.region"() ({
      %run_scoped3A = tpu.sem_alloc : memref<!tpu.dma_semaphore, #tpu.memory_space<semaphore_mem>>
      %dma_start3A = arith.constant 0 : i32
      %dma_start3A_177 = tpu.memref_slice %arg3[%mul3A_76, %dma_start3A] : memref<50000x128xi32, #tpu.memory_space<hbm>> -> memref<16x128xi32, #tpu.memory_space<hbm>>
      %dma_start3A_178 = arith.constant 0 : i32
      %dma_start3A_179 = tpu.memref_slice %arg3[%mul3A_76, %dma_start3A_178] : memref<50000x128xi32, #tpu.memory_space<hbm>> -> memref<16x128xi32, #tpu.memory_space<hbm>>
      tpu.enqueue_dma source(%dma_start3A_179 : memref<16x128xi32, #tpu.memory_space<hbm>>) target(%arg6 : memref<16x128xi32, #tpu.memory_space<vmem>>) target_semaphore(%run_scoped3A : memref<!tpu.dma_semaphore, #tpu.memory_space<semaphore_mem>>)
      %dma_wait3A = arith.constant 0 : i32
      %dma_wait3A_180 = tpu.memref_slice %arg3[%mul3A_76, %dma_wait3A] : memref<50000x128xi32, #tpu.memory_space<hbm>> -> memref<16x128xi32, #tpu.memory_space<hbm>>
      %dma_wait3A_181 = arith.constant 0 : i32
      %dma_wait3A_182 = tpu.memref_slice %arg3[%mul3A_76, %dma_wait3A_181] : memref<50000x128xi32, #tpu.memory_space<hbm>> -> memref<16x128xi32, #tpu.memory_space<hbm>>
      tpu.wait_dma2 semaphore(%run_scoped3A : memref<!tpu.dma_semaphore, #tpu.memory_space<semaphore_mem>>) src(%dma_wait3A_182 : memref<16x128xi32, #tpu.memory_space<hbm>>) dst(%arg6 : memref<16x128xi32, #tpu.memory_space<vmem>>)
      tpu.yield
    }) : () -> ()
    %add3A_77 = arith.constant 25000 : i32
    %add3A_78 = arith.addi %add3A_77, %mul3A_76 : i32
    "tpu.region"() ({
      %run_scoped3A = tpu.sem_alloc : memref<!tpu.dma_semaphore, #tpu.memory_space<semaphore_mem>>
      %dma_start3A = arith.constant 0 : i32
      %dma_start3A_177 = tpu.memref_slice %arg3[%add3A_78, %dma_start3A] : memref<50000x128xi32, #tpu.memory_space<hbm>> -> memref<16x128xi32, #tpu.memory_space<hbm>>
      %dma_start3A_178 = arith.constant 0 : i32
      %dma_start3A_179 = tpu.memref_slice %arg3[%add3A_78, %dma_start3A_178] : memref<50000x128xi32, #tpu.memory_space<hbm>> -> memref<16x128xi32, #tpu.memory_space<hbm>>
      tpu.enqueue_dma source(%dma_start3A_179 : memref<16x128xi32, #tpu.memory_space<hbm>>) target(%arg8 : memref<16x128xi32, #tpu.memory_space<vmem>>) target_semaphore(%run_scoped3A : memref<!tpu.dma_semaphore, #tpu.memory_space<semaphore_mem>>)
      %dma_wait3A = arith.constant 0 : i32
      %dma_wait3A_180 = tpu.memref_slice %arg3[%add3A_78, %dma_wait3A] : memref<50000x128xi32, #tpu.memory_space<hbm>> -> memref<16x128xi32, #tpu.memory_space<hbm>>
      %dma_wait3A_181 = arith.constant 0 : i32
      %dma_wait3A_182 = tpu.memref_slice %arg3[%add3A_78, %dma_wait3A_181] : memref<50000x128xi32, #tpu.memory_space<hbm>> -> memref<16x128xi32, #tpu.memory_space<hbm>>
      tpu.wait_dma2 semaphore(%run_scoped3A : memref<!tpu.dma_semaphore, #tpu.memory_space<semaphore_mem>>) src(%dma_wait3A_182 : memref<16x128xi32, #tpu.memory_space<hbm>>) dst(%arg8 : memref<16x128xi32, #tpu.memory_space<vmem>>)
      tpu.yield
    }) : () -> ()
    %while3A_79 = arith.constant 16 : i32
    %while3A_80 = arith.constant 0 : i32
    %while3A_81 = arith.subi %while3A_79, %mul3A_74 : i32
    %while3A_82 = arith.addi %mul3A_74, %while3A_81 : i32
    %while3A_83 = arith.constant 1 : i32
    %while3A_84 = arith.divsi %while3A_81, %while3A_83 : i32
    %while3A_85 = arith.muli %while3A_84, %while3A_83 : i32
    %while3A_86 = arith.addi %mul3A_74, %while3A_85 : i32
    %while3A_87 = arith.constant 1 : i32
    %while3A_88 = scf.for %while3A_177 = %mul3A_74 to %while3A_86 step %while3A_87 iter_args(%while3A_178 = %while3A_80) -> (i32)  : i32 {
      %mul3A_179 = arith.constant 128 : i32
      %mul3A_180 = arith.muli %while3A_177, %mul3A_179 : i32
      %dma_start3A = arith.constant 0 : i32
      %dma_start3A_181 = tpu.memref_slice %arg10[%mul3A_180, %dma_start3A] : memref<2048x8xf32, #tpu.memory_space<vmem>> -> memref<128x8xf32, #tpu.memory_space<vmem>>
      %dma_start3A_182 = arith.constant 0 : i32
      %dma_start3A_183 = tpu.memref_slice %arg6[%while3A_177, %dma_start3A_182] : memref<16x128xi32, #tpu.memory_space<vmem>> -> memref<1x128xi32, #tpu.memory_space<vmem>>
      %dma_start3A_184 = tpu.memref_squeeze %dma_start3A_183 : memref<1x128xi32, #tpu.memory_space<vmem>> -> memref<128xi32, #tpu.memory_space<vmem>>
      %dma_start3A_185 = arith.constant 0 : i32
      %dma_start3A_186 = arith.constant 0 : i32
      %dma_start3A_187 = tpu.memref_slice %arg2[%dma_start3A_185, %dma_start3A_186] : memref<100000x8xf32, #tpu.memory_space<hbm>> -> memref<100000x8xf32, #tpu.memory_space<hbm>>
      tpu.enqueue_indirect_dma source(%dma_start3A_187 : memref<100000x8xf32, #tpu.memory_space<hbm>>) target(%dma_start3A_181 : memref<128x8xf32, #tpu.memory_space<vmem>>) offsets(%dma_start3A_184 : memref<128xi32, #tpu.memory_space<vmem>>) semaphore(%arg16 : memref<!tpu.dma_semaphore, #tpu.memory_space<semaphore_mem>>)
      %mul3A_188 = arith.constant 128 : i32
      %mul3A_189 = arith.muli %while3A_177, %mul3A_188 : i32
      %dma_start3A_190 = arith.constant 0 : i32
      %dma_start3A_191 = tpu.memref_slice %arg12[%mul3A_189, %dma_start3A_190] : memref<2048x8xf32, #tpu.memory_space<vmem>> -> memref<128x8xf32, #tpu.memory_space<vmem>>
      %dma_start3A_192 = arith.constant 0 : i32
      %dma_start3A_193 = tpu.memref_slice %arg8[%while3A_177, %dma_start3A_192] : memref<16x128xi32, #tpu.memory_space<vmem>> -> memref<1x128xi32, #tpu.memory_space<vmem>>
      %dma_start3A_194 = tpu.memref_squeeze %dma_start3A_193 : memref<1x128xi32, #tpu.memory_space<vmem>> -> memref<128xi32, #tpu.memory_space<vmem>>
      %dma_start3A_195 = arith.constant 0 : i32
      %dma_start3A_196 = arith.constant 0 : i32
      %dma_start3A_197 = tpu.memref_slice %arg2[%dma_start3A_195, %dma_start3A_196] : memref<100000x8xf32, #tpu.memory_space<hbm>> -> memref<100000x8xf32, #tpu.memory_space<hbm>>
      tpu.enqueue_indirect_dma source(%dma_start3A_197 : memref<100000x8xf32, #tpu.memory_space<hbm>>) target(%dma_start3A_191 : memref<128x8xf32, #tpu.memory_space<vmem>>) offsets(%dma_start3A_194 : memref<128xi32, #tpu.memory_space<vmem>>) semaphore(%arg16 : memref<!tpu.dma_semaphore, #tpu.memory_space<semaphore_mem>>)
      %while3A_198 = arith.constant 0 : i32
      scf.yield %while3A_198 : i32
    }
    %while3A_89 = arith.constant 1 : i32
    %while3A_90 = scf.for %while3A_177 = %while3A_86 to %while3A_82 step %while3A_89 iter_args(%while3A_178 = %while3A_88) -> (i32)  : i32 {
      %mul3A_179 = arith.constant 128 : i32
      %mul3A_180 = arith.muli %while3A_177, %mul3A_179 : i32
      %dma_start3A = arith.constant 0 : i32
      %dma_start3A_181 = tpu.memref_slice %arg10[%mul3A_180, %dma_start3A] : memref<2048x8xf32, #tpu.memory_space<vmem>> -> memref<128x8xf32, #tpu.memory_space<vmem>>
      %dma_start3A_182 = arith.constant 0 : i32
      %dma_start3A_183 = tpu.memref_slice %arg6[%while3A_177, %dma_start3A_182] : memref<16x128xi32, #tpu.memory_space<vmem>> -> memref<1x128xi32, #tpu.memory_space<vmem>>
      %dma_start3A_184 = tpu.memref_squeeze %dma_start3A_183 : memref<1x128xi32, #tpu.memory_space<vmem>> -> memref<128xi32, #tpu.memory_space<vmem>>
      %dma_start3A_185 = arith.constant 0 : i32
      %dma_start3A_186 = arith.constant 0 : i32
      %dma_start3A_187 = tpu.memref_slice %arg2[%dma_start3A_185, %dma_start3A_186] : memref<100000x8xf32, #tpu.memory_space<hbm>> -> memref<100000x8xf32, #tpu.memory_space<hbm>>
      tpu.enqueue_indirect_dma source(%dma_start3A_187 : memref<100000x8xf32, #tpu.memory_space<hbm>>) target(%dma_start3A_181 : memref<128x8xf32, #tpu.memory_space<vmem>>) offsets(%dma_start3A_184 : memref<128xi32, #tpu.memory_space<vmem>>) semaphore(%arg16 : memref<!tpu.dma_semaphore, #tpu.memory_space<semaphore_mem>>)
      %mul3A_188 = arith.constant 128 : i32
      %mul3A_189 = arith.muli %while3A_177, %mul3A_188 : i32
      %dma_start3A_190 = arith.constant 0 : i32
      %dma_start3A_191 = tpu.memref_slice %arg12[%mul3A_189, %dma_start3A_190] : memref<2048x8xf32, #tpu.memory_space<vmem>> -> memref<128x8xf32, #tpu.memory_space<vmem>>
      %dma_start3A_192 = arith.constant 0 : i32
      %dma_start3A_193 = tpu.memref_slice %arg8[%while3A_177, %dma_start3A_192] : memref<16x128xi32, #tpu.memory_space<vmem>> -> memref<1x128xi32, #tpu.memory_space<vmem>>
      %dma_start3A_194 = tpu.memref_squeeze %dma_start3A_193 : memref<1x128xi32, #tpu.memory_space<vmem>> -> memref<128xi32, #tpu.memory_space<vmem>>
      %dma_start3A_195 = arith.constant 0 : i32
      %dma_start3A_196 = arith.constant 0 : i32
      %dma_start3A_197 = tpu.memref_slice %arg2[%dma_start3A_195, %dma_start3A_196] : memref<100000x8xf32, #tpu.memory_space<hbm>> -> memref<100000x8xf32, #tpu.memory_space<hbm>>
      tpu.enqueue_indirect_dma source(%dma_start3A_197 : memref<100000x8xf32, #tpu.memory_space<hbm>>) target(%dma_start3A_191 : memref<128x8xf32, #tpu.memory_space<vmem>>) offsets(%dma_start3A_194 : memref<128xi32, #tpu.memory_space<vmem>>) semaphore(%arg16 : memref<!tpu.dma_semaphore, #tpu.memory_space<semaphore_mem>>)
      %while3A_198 = arith.constant 0 : i32
      scf.yield %while3A_198 : i32
    }
    %scan3A_91 = arith.constant 0 : i32
    %scan3A_92 = arith.constant 0 : i32
    %scan3A_93 = arith.constant 24 : i32
    %scan3A_94 = arith.addi %scan3A_92, %scan3A_93 : i32
    %scan3A_95 = arith.constant 1 : i32
    %scan3A_96 = scf.for %scan3A_177 = %scan3A_92 to %scan3A_94 step %scan3A_95 iter_args(%scan3A_178 = %scan3A_91) -> (i32)  : i32 {
      %mul3A_179 = arith.constant 2 : i32
      %mul3A_180 = arith.muli %scan3A_177, %mul3A_179 : i32
      %add3A_181 = arith.constant 0 : i32
      %add3A_182 = arith.addi %mul3A_180, %add3A_181 : i32
      %mul3A_183 = arith.constant 2 : i32
      %mul3A_184 = arith.muli %add3A_182, %mul3A_183 : i32
      %add3A_185 = arith.addi %add3A_27, %mul3A_184 : i32
      %add3A_186 = arith.addi %add3A_27, %add3A_30 : i32
      %sub3A_187 = arith.constant 2 : i32
      %sub3A_188 = arith.subi %add3A_186, %sub3A_187 : i32
      %min3A_189 = arith.minsi %add3A_185, %sub3A_188 : i32
      %mul3A_190 = arith.constant 2 : i32
      %mul3A_191 = arith.muli %add3A_182, %mul3A_190 : i32
      %add3A_192 = arith.addi %add3A_27, %mul3A_191 : i32
      %sub3A_193 = arith.subi %add3A_192, %min3A_189 : i32
      %mul3A_194 = arith.constant 8 : i32
      %mul3A_195 = arith.muli %sub3A_193, %mul3A_194 : i32
      %mul3A_196 = arith.constant 8 : i32
      %mul3A_197 = arith.muli %min3A_189, %mul3A_196 : i32
      %while3A_198 = arith.constant 16 : i32
      %while3A_199 = arith.constant 0 : i32
      %while3A_200 = arith.subi %while3A_198, %mul3A_195 : i32
      %while3A_201 = arith.addi %mul3A_195, %while3A_200 : i32
      %while3A_202 = arith.constant 1 : i32
      %while3A_203 = arith.divsi %while3A_200, %while3A_202 : i32
      %while3A_204 = arith.muli %while3A_203, %while3A_202 : i32
      %while3A_205 = arith.addi %mul3A_195, %while3A_204 : i32
      %while3A_206 = arith.constant 1 : i32
      %while3A_207 = scf.for %while3A_283 = %mul3A_195 to %while3A_205 step %while3A_206 iter_args(%while3A_284 = %while3A_199) -> (i32)  : i32 {
        %mul3A_285 = arith.constant 128 : i32
        %mul3A_286 = arith.muli %while3A_283, %mul3A_285 : i32
        %dma_wait3A = arith.constant 0 : i32
        %dma_wait3A_287 = tpu.memref_slice %arg9[%mul3A_286, %dma_wait3A] : memref<2048x8xf32, #tpu.memory_space<vmem>> -> memref<128x8xf32, #tpu.memory_space<vmem>>
        %dma_wait3A_288 = arith.constant 0 : i32
        %dma_wait3A_289 = tpu.memref_slice %arg5[%while3A_283, %dma_wait3A_288] : memref<16x128xi32, #tpu.memory_space<vmem>> -> memref<1x128xi32, #tpu.memory_space<vmem>>
        %dma_wait3A_290 = tpu.memref_squeeze %dma_wait3A_289 : memref<1x128xi32, #tpu.memory_space<vmem>> -> memref<128xi32, #tpu.memory_space<vmem>>
        %dma_wait3A_291 = arith.constant 0 : i32
        %dma_wait3A_292 = arith.constant 0 : i32
        %dma_wait3A_293 = tpu.memref_slice %arg2[%dma_wait3A_291, %dma_wait3A_292] : memref<100000x8xf32, #tpu.memory_space<hbm>> -> memref<100000x8xf32, #tpu.memory_space<hbm>>
        tpu.wait_indirect_dma semaphore(%arg15 : memref<!tpu.dma_semaphore, #tpu.memory_space<semaphore_mem>>) src(%dma_wait3A_293 : memref<100000x8xf32, #tpu.memory_space<hbm>>) dst(%dma_wait3A_287 : memref<128x8xf32, #tpu.memory_space<vmem>>)
        %mul3A_294 = arith.constant 128 : i32
        %mul3A_295 = arith.muli %while3A_283, %mul3A_294 : i32
        %dma_wait3A_296 = arith.constant 0 : i32
        %dma_wait3A_297 = tpu.memref_slice %arg11[%mul3A_295, %dma_wait3A_296] : memref<2048x8xf32, #tpu.memory_space<vmem>> -> memref<128x8xf32, #tpu.memory_space<vmem>>
        %dma_wait3A_298 = arith.constant 0 : i32
        %dma_wait3A_299 = tpu.memref_slice %arg7[%while3A_283, %dma_wait3A_298] : memref<16x128xi32, #tpu.memory_space<vmem>> -> memref<1x128xi32, #tpu.memory_space<vmem>>
        %dma_wait3A_300 = tpu.memref_squeeze %dma_wait3A_299 : memref<1x128xi32, #tpu.memory_space<vmem>> -> memref<128xi32, #tpu.memory_space<vmem>>
        %dma_wait3A_301 = arith.constant 0 : i32
        %dma_wait3A_302 = arith.constant 0 : i32
        %dma_wait3A_303 = tpu.memref_slice %arg2[%dma_wait3A_301, %dma_wait3A_302] : memref<100000x8xf32, #tpu.memory_space<hbm>> -> memref<100000x8xf32, #tpu.memory_space<hbm>>
        tpu.wait_indirect_dma semaphore(%arg15 : memref<!tpu.dma_semaphore, #tpu.memory_space<semaphore_mem>>) src(%dma_wait3A_303 : memref<100000x8xf32, #tpu.memory_space<hbm>>) dst(%dma_wait3A_297 : memref<128x8xf32, #tpu.memory_space<vmem>>)
        %while3A_304 = arith.constant 0 : i32
        scf.yield %while3A_304 : i32
      }
      %while3A_208 = arith.constant 1 : i32
      %while3A_209 = scf.for %while3A_283 = %while3A_205 to %while3A_201 step %while3A_208 iter_args(%while3A_284 = %while3A_207) -> (i32)  : i32 {
        %mul3A_285 = arith.constant 128 : i32
        %mul3A_286 = arith.muli %while3A_283, %mul3A_285 : i32
        %dma_wait3A = arith.constant 0 : i32
        %dma_wait3A_287 = tpu.memref_slice %arg9[%mul3A_286, %dma_wait3A] : memref<2048x8xf32, #tpu.memory_space<vmem>> -> memref<128x8xf32, #tpu.memory_space<vmem>>
        %dma_wait3A_288 = arith.constant 0 : i32
        %dma_wait3A_289 = tpu.memref_slice %arg5[%while3A_283, %dma_wait3A_288] : memref<16x128xi32, #tpu.memory_space<vmem>> -> memref<1x128xi32, #tpu.memory_space<vmem>>
        %dma_wait3A_290 = tpu.memref_squeeze %dma_wait3A_289 : memref<1x128xi32, #tpu.memory_space<vmem>> -> memref<128xi32, #tpu.memory_space<vmem>>
        %dma_wait3A_291 = arith.constant 0 : i32
        %dma_wait3A_292 = arith.constant 0 : i32
        %dma_wait3A_293 = tpu.memref_slice %arg2[%dma_wait3A_291, %dma_wait3A_292] : memref<100000x8xf32, #tpu.memory_space<hbm>> -> memref<100000x8xf32, #tpu.memory_space<hbm>>
        tpu.wait_indirect_dma semaphore(%arg15 : memref<!tpu.dma_semaphore, #tpu.memory_space<semaphore_mem>>) src(%dma_wait3A_293 : memref<100000x8xf32, #tpu.memory_space<hbm>>) dst(%dma_wait3A_287 : memref<128x8xf32, #tpu.memory_space<vmem>>)
        %mul3A_294 = arith.constant 128 : i32
        %mul3A_295 = arith.muli %while3A_283, %mul3A_294 : i32
        %dma_wait3A_296 = arith.constant 0 : i32
        %dma_wait3A_297 = tpu.memref_slice %arg11[%mul3A_295, %dma_wait3A_296] : memref<2048x8xf32, #tpu.memory_space<vmem>> -> memref<128x8xf32, #tpu.memory_space<vmem>>
        %dma_wait3A_298 = arith.constant 0 : i32
        %dma_wait3A_299 = tpu.memref_slice %arg7[%while3A_283, %dma_wait3A_298] : memref<16x128xi32, #tpu.memory_space<vmem>> -> memref<1x128xi32, #tpu.memory_space<vmem>>
        %dma_wait3A_300 = tpu.memref_squeeze %dma_wait3A_299 : memref<1x128xi32, #tpu.memory_space<vmem>> -> memref<128xi32, #tpu.memory_space<vmem>>
        %dma_wait3A_301 = arith.constant 0 : i32
        %dma_wait3A_302 = arith.constant 0 : i32
        %dma_wait3A_303 = tpu.memref_slice %arg2[%dma_wait3A_301, %dma_wait3A_302] : memref<100000x8xf32, #tpu.memory_space<hbm>> -> memref<100000x8xf32, #tpu.memory_space<hbm>>
        tpu.wait_indirect_dma semaphore(%arg15 : memref<!tpu.dma_semaphore, #tpu.memory_space<semaphore_mem>>) src(%dma_wait3A_303 : memref<100000x8xf32, #tpu.memory_space<hbm>>) dst(%dma_wait3A_297 : memref<128x8xf32, #tpu.memory_space<vmem>>)
        %while3A_304 = arith.constant 0 : i32
        scf.yield %while3A_304 : i32
      }
      %mul3A_210 = arith.constant 8 : i32
      %mul3A_211 = arith.muli %mul3A_195, %mul3A_210 : i32
      %while3A_212 = arith.constant 128 : i32
      %while3A_213 = arith.constant 0 : i32
      %while3A_214 = arith.subi %while3A_212, %mul3A_211 : i32
      %while3A_215 = arith.addi %mul3A_211, %while3A_214 : i32
      %while3A_216 = arith.constant 1 : i32
      %while3A_217 = arith.divsi %while3A_214, %while3A_216 : i32
      %while3A_218 = arith.muli %while3A_217, %while3A_216 : i32
      %while3A_219 = arith.addi %mul3A_211, %while3A_218 : i32
      %while3A_220 = arith.constant 1 : i32
      %while3A_221 = scf.for %while3A_283 = %mul3A_211 to %while3A_219 step %while3A_220 iter_args(%while3A_284 = %while3A_213) -> (i32)  : i32 {
        %mul3A_285 = arith.constant 16 : i32
        %mul3A_286 = arith.muli %while3A_283, %mul3A_285 : i32
        %add3A_287 = vector.broadcast %mul3A_286 : i32 to vector<16xi32>
        %add3A_288 = arith.addi %iota3A, %add3A_287 : vector<16xi32>
        %gather3A = tpu.vector_load_idx %arg11[%add3A_288, %broadcast_in_dim3A_1] : memref<2048x8xf32, #tpu.memory_space<vmem>>[vector<16xi32>, vector<16xi32>], vector<16xf32>,
        %gather3A_289 = tpu.vector_load_idx %arg11[%add3A_288, %broadcast_in_dim3A_3] : memref<2048x8xf32, #tpu.memory_space<vmem>>[vector<16xi32>, vector<16xi32>], vector<16xf32>,
        %convert_element_type3A_290 = arith.fptosi %gather3A_289 : vector<16xf32> to vector<16xi32>
        %broadcast_in_dim3A_291 = arith.constant 0 : i32
        %broadcast_in_dim3A_292 = vector.broadcast %broadcast_in_dim3A_291 : i32 to vector<16xi32>
        %gather3A_293 = tpu.vector_load_idx %arg9[%add3A_288, %broadcast_in_dim3A_292] : memref<2048x8xf32, #tpu.memory_space<vmem>>[vector<16xi32>, vector<16xi32>], vector<16xf32>,
        %mul3A_294 = arith.mulf %gather3A_293, %gather3A : vector<16xf32>
        tpu.vector_store_idx %arg13[%add3A_6, %convert_element_type3A_290], %mul3A_294 {add = true} : memref<64x256xf32, #tpu.memory_space<vmem>>[vector<16xi32>, vector<16xi32>], vector<16xf32>,
        %broadcast_in_dim3A_295 = arith.constant 1 : i32
        %broadcast_in_dim3A_296 = vector.broadcast %broadcast_in_dim3A_295 : i32 to vector<16xi32>
        %gather3A_297 = tpu.vector_load_idx %arg9[%add3A_288, %broadcast_in_dim3A_296] : memref<2048x8xf32, #tpu.memory_space<vmem>>[vector<16xi32>, vector<16xi32>], vector<16xf32>,
        %mul3A_298 = arith.mulf %gather3A_297, %gather3A : vector<16xf32>
        tpu.vector_store_idx %arg13[%add3A_9, %convert_element_type3A_290], %mul3A_298 {add = true} : memref<64x256xf32, #tpu.memory_space<vmem>>[vector<16xi32>, vector<16xi32>], vector<16xf32>,
        %broadcast_in_dim3A_299 = arith.constant 2 : i32
        %broadcast_in_dim3A_300 = vector.broadcast %broadcast_in_dim3A_299 : i32 to vector<16xi32>
        %gather3A_301 = tpu.vector_load_idx %arg9[%add3A_288, %broadcast_in_dim3A_300] : memref<2048x8xf32, #tpu.memory_space<vmem>>[vector<16xi32>, vector<16xi32>], vector<16xf32>,
        %mul3A_302 = arith.mulf %gather3A_301, %gather3A : vector<16xf32>
        tpu.vector_store_idx %arg13[%add3A_12, %convert_element_type3A_290], %mul3A_302 {add = true} : memref<64x256xf32, #tpu.memory_space<vmem>>[vector<16xi32>, vector<16xi32>], vector<16xf32>,
        %while3A_303 = arith.constant 0 : i32
        scf.yield %while3A_303 : i32
      }
      %while3A_222 = arith.constant 1 : i32
      %while3A_223 = scf.for %while3A_283 = %while3A_219 to %while3A_215 step %while3A_222 iter_args(%while3A_284 = %while3A_221) -> (i32)  : i32 {
        %mul3A_285 = arith.constant 16 : i32
        %mul3A_286 = arith.muli %while3A_283, %mul3A_285 : i32
        %add3A_287 = vector.broadcast %mul3A_286 : i32 to vector<16xi32>
        %add3A_288 = arith.addi %iota3A, %add3A_287 : vector<16xi32>
        %gather3A = tpu.vector_load_idx %arg11[%add3A_288, %broadcast_in_dim3A_1] : memref<2048x8xf32, #tpu.memory_space<vmem>>[vector<16xi32>, vector<16xi32>], vector<16xf32>,
        %gather3A_289 = tpu.vector_load_idx %arg11[%add3A_288, %broadcast_in_dim3A_3] : memref<2048x8xf32, #tpu.memory_space<vmem>>[vector<16xi32>, vector<16xi32>], vector<16xf32>,
        %convert_element_type3A_290 = arith.fptosi %gather3A_289 : vector<16xf32> to vector<16xi32>
        %broadcast_in_dim3A_291 = arith.constant 0 : i32
        %broadcast_in_dim3A_292 = vector.broadcast %broadcast_in_dim3A_291 : i32 to vector<16xi32>
        %gather3A_293 = tpu.vector_load_idx %arg9[%add3A_288, %broadcast_in_dim3A_292] : memref<2048x8xf32, #tpu.memory_space<vmem>>[vector<16xi32>, vector<16xi32>], vector<16xf32>,
        %mul3A_294 = arith.mulf %gather3A_293, %gather3A : vector<16xf32>
        tpu.vector_store_idx %arg13[%add3A_6, %convert_element_type3A_290], %mul3A_294 {add = true} : memref<64x256xf32, #tpu.memory_space<vmem>>[vector<16xi32>, vector<16xi32>], vector<16xf32>,
        %broadcast_in_dim3A_295 = arith.constant 1 : i32
        %broadcast_in_dim3A_296 = vector.broadcast %broadcast_in_dim3A_295 : i32 to vector<16xi32>
        %gather3A_297 = tpu.vector_load_idx %arg9[%add3A_288, %broadcast_in_dim3A_296] : memref<2048x8xf32, #tpu.memory_space<vmem>>[vector<16xi32>, vector<16xi32>], vector<16xf32>,
        %mul3A_298 = arith.mulf %gather3A_297, %gather3A : vector<16xf32>
        tpu.vector_store_idx %arg13[%add3A_9, %convert_element_type3A_290], %mul3A_298 {add = true} : memref<64x256xf32, #tpu.memory_space<vmem>>[vector<16xi32>, vector<16xi32>], vector<16xf32>,
        %broadcast_in_dim3A_299 = arith.constant 2 : i32
        %broadcast_in_dim3A_300 = vector.broadcast %broadcast_in_dim3A_299 : i32 to vector<16xi32>
        %gather3A_301 = tpu.vector_load_idx %arg9[%add3A_288, %broadcast_in_dim3A_300] : memref<2048x8xf32, #tpu.memory_space<vmem>>[vector<16xi32>, vector<16xi32>], vector<16xf32>,
        %mul3A_302 = arith.mulf %gather3A_301, %gather3A : vector<16xf32>
        tpu.vector_store_idx %arg13[%add3A_12, %convert_element_type3A_290], %mul3A_302 {add = true} : memref<64x256xf32, #tpu.memory_space<vmem>>[vector<16xi32>, vector<16xi32>], vector<16xf32>,
        %while3A_303 = arith.constant 0 : i32
        scf.yield %while3A_303 : i32
      }
      %add3A_224 = arith.constant 2 : i32
      %add3A_225 = arith.addi %add3A_182, %add3A_224 : i32
      %lt3A_226 = arith.constant 49 : i32
      %lt3A_227 = arith.cmpi slt, %add3A_225, %lt3A_226 : i32
      %convert_element_type3A_228 = arith.extui %lt3A_227 : i1 to i32
      %cond3A = arith.constant 0 : i32
      %cond3A_229 = arith.cmpi ne, %convert_element_type3A_228, %cond3A : i32
      scf.if %cond3A_229 {
        %add3A_283 = arith.constant 2 : i32
        %add3A_284 = arith.addi %add3A_182, %add3A_283 : i32
        %mul3A_285 = arith.constant 2 : i32
        %mul3A_286 = arith.muli %add3A_284, %mul3A_285 : i32
        %add3A_287 = arith.addi %add3A_27, %mul3A_286 : i32
        %add3A_288 = arith.addi %add3A_27, %add3A_30 : i32
        %sub3A_289 = arith.constant 2 : i32
        %sub3A_290 = arith.subi %add3A_288, %sub3A_289 : i32
        %min3A_291 = arith.minsi %add3A_287, %sub3A_290 : i32
        %mul3A_292 = arith.constant 2 : i32
        %mul3A_293 = arith.muli %add3A_284, %mul3A_292 : i32
        %add3A_294 = arith.addi %add3A_27, %mul3A_293 : i32
        %sub3A_295 = arith.subi %add3A_294, %min3A_291 : i32
        %mul3A_296 = arith.constant 8 : i32
        %mul3A_297 = arith.muli %sub3A_295, %mul3A_296 : i32
        %mul3A_298 = arith.constant 8 : i32
        %mul3A_299 = arith.muli %min3A_291, %mul3A_298 : i32
        "tpu.region"() ({
          %run_scoped3A = tpu.sem_alloc : memref<!tpu.dma_semaphore, #tpu.memory_space<semaphore_mem>>
          %dma_start3A = arith.constant 0 : i32
          %dma_start3A_314 = tpu.memref_slice %arg3[%mul3A_299, %dma_start3A] : memref<50000x128xi32, #tpu.memory_space<hbm>> -> memref<16x128xi32, #tpu.memory_space<hbm>>
          %dma_start3A_315 = arith.constant 0 : i32
          %dma_start3A_316 = tpu.memref_slice %arg3[%mul3A_299, %dma_start3A_315] : memref<50000x128xi32, #tpu.memory_space<hbm>> -> memref<16x128xi32, #tpu.memory_space<hbm>>
          tpu.enqueue_dma source(%dma_start3A_316 : memref<16x128xi32, #tpu.memory_space<hbm>>) target(%arg5 : memref<16x128xi32, #tpu.memory_space<vmem>>) target_semaphore(%run_scoped3A : memref<!tpu.dma_semaphore, #tpu.memory_space<semaphore_mem>>)
          %dma_wait3A = arith.constant 0 : i32
          %dma_wait3A_317 = tpu.memref_slice %arg3[%mul3A_299, %dma_wait3A] : memref<50000x128xi32, #tpu.memory_space<hbm>> -> memref<16x128xi32, #tpu.memory_space<hbm>>
          %dma_wait3A_318 = arith.constant 0 : i32
          %dma_wait3A_319 = tpu.memref_slice %arg3[%mul3A_299, %dma_wait3A_318] : memref<50000x128xi32, #tpu.memory_space<hbm>> -> memref<16x128xi32, #tpu.memory_space<hbm>>
          tpu.wait_dma2 semaphore(%run_scoped3A : memref<!tpu.dma_semaphore, #tpu.memory_space<semaphore_mem>>) src(%dma_wait3A_319 : memref<16x128xi32, #tpu.memory_space<hbm>>) dst(%arg5 : memref<16x128xi32, #tpu.memory_space<vmem>>)
          tpu.yield
        }) : () -> ()
        %add3A_300 = arith.constant 25000 : i32
        %add3A_301 = arith.addi %add3A_300, %mul3A_299 : i32
        "tpu.region"() ({
          %run_scoped3A = tpu.sem_alloc : memref<!tpu.dma_semaphore, #tpu.memory_space<semaphore_mem>>
          %dma_start3A = arith.constant 0 : i32
          %dma_start3A_314 = tpu.memref_slice %arg3[%add3A_301, %dma_start3A] : memref<50000x128xi32, #tpu.memory_space<hbm>> -> memref<16x128xi32, #tpu.memory_space<hbm>>
          %dma_start3A_315 = arith.constant 0 : i32
          %dma_start3A_316 = tpu.memref_slice %arg3[%add3A_301, %dma_start3A_315] : memref<50000x128xi32, #tpu.memory_space<hbm>> -> memref<16x128xi32, #tpu.memory_space<hbm>>
          tpu.enqueue_dma source(%dma_start3A_316 : memref<16x128xi32, #tpu.memory_space<hbm>>) target(%arg7 : memref<16x128xi32, #tpu.memory_space<vmem>>) target_semaphore(%run_scoped3A : memref<!tpu.dma_semaphore, #tpu.memory_space<semaphore_mem>>)
          %dma_wait3A = arith.constant 0 : i32
          %dma_wait3A_317 = tpu.memref_slice %arg3[%add3A_301, %dma_wait3A] : memref<50000x128xi32, #tpu.memory_space<hbm>> -> memref<16x128xi32, #tpu.memory_space<hbm>>
          %dma_wait3A_318 = arith.constant 0 : i32
          %dma_wait3A_319 = tpu.memref_slice %arg3[%add3A_301, %dma_wait3A_318] : memref<50000x128xi32, #tpu.memory_space<hbm>> -> memref<16x128xi32, #tpu.memory_space<hbm>>
          tpu.wait_dma2 semaphore(%run_scoped3A : memref<!tpu.dma_semaphore, #tpu.memory_space<semaphore_mem>>) src(%dma_wait3A_319 : memref<16x128xi32, #tpu.memory_space<hbm>>) dst(%arg7 : memref<16x128xi32, #tpu.memory_space<vmem>>)
          tpu.yield
        }) : () -> ()
        %while3A_302 = arith.constant 16 : i32
        %while3A_303 = arith.constant 0 : i32
        %while3A_304 = arith.subi %while3A_302, %mul3A_297 : i32
        %while3A_305 = arith.addi %mul3A_297, %while3A_304 : i32
        %while3A_306 = arith.constant 1 : i32
        %while3A_307 = arith.divsi %while3A_304, %while3A_306 : i32
        %while3A_308 = arith.muli %while3A_307, %while3A_306 : i32
        %while3A_309 = arith.addi %mul3A_297, %while3A_308 : i32
        %while3A_310 = arith.constant 1 : i32
        %while3A_311 = scf.for %while3A_314 = %mul3A_297 to %while3A_309 step %while3A_310 iter_args(%while3A_315 = %while3A_303) -> (i32)  : i32 {
          %mul3A_316 = arith.constant 128 : i32
          %mul3A_317 = arith.muli %while3A_314, %mul3A_316 : i32
          %dma_start3A = arith.constant 0 : i32
          %dma_start3A_318 = tpu.memref_slice %arg9[%mul3A_317, %dma_start3A] : memref<2048x8xf32, #tpu.memory_space<vmem>> -> memref<128x8xf32, #tpu.memory_space<vmem>>
          %dma_start3A_319 = arith.constant 0 : i32
          %dma_start3A_320 = tpu.memref_slice %arg5[%while3A_314, %dma_start3A_319] : memref<16x128xi32, #tpu.memory_space<vmem>> -> memref<1x128xi32, #tpu.memory_space<vmem>>
          %dma_start3A_321 = tpu.memref_squeeze %dma_start3A_320 : memref<1x128xi32, #tpu.memory_space<vmem>> -> memref<128xi32, #tpu.memory_space<vmem>>
          %dma_start3A_322 = arith.constant 0 : i32
          %dma_start3A_323 = arith.constant 0 : i32
          %dma_start3A_324 = tpu.memref_slice %arg2[%dma_start3A_322, %dma_start3A_323] : memref<100000x8xf32, #tpu.memory_space<hbm>> -> memref<100000x8xf32, #tpu.memory_space<hbm>>
          tpu.enqueue_indirect_dma source(%dma_start3A_324 : memref<100000x8xf32, #tpu.memory_space<hbm>>) target(%dma_start3A_318 : memref<128x8xf32, #tpu.memory_space<vmem>>) offsets(%dma_start3A_321 : memref<128xi32, #tpu.memory_space<vmem>>) semaphore(%arg15 : memref<!tpu.dma_semaphore, #tpu.memory_space<semaphore_mem>>)
          %mul3A_325 = arith.constant 128 : i32
          %mul3A_326 = arith.muli %while3A_314, %mul3A_325 : i32
          %dma_start3A_327 = arith.constant 0 : i32
          %dma_start3A_328 = tpu.memref_slice %arg11[%mul3A_326, %dma_start3A_327] : memref<2048x8xf32, #tpu.memory_space<vmem>> -> memref<128x8xf32, #tpu.memory_space<vmem>>
          %dma_start3A_329 = arith.constant 0 : i32
          %dma_start3A_330 = tpu.memref_slice %arg7[%while3A_314, %dma_start3A_329] : memref<16x128xi32, #tpu.memory_space<vmem>> -> memref<1x128xi32, #tpu.memory_space<vmem>>
          %dma_start3A_331 = tpu.memref_squeeze %dma_start3A_330 : memref<1x128xi32, #tpu.memory_space<vmem>> -> memref<128xi32, #tpu.memory_space<vmem>>
          %dma_start3A_332 = arith.constant 0 : i32
          %dma_start3A_333 = arith.constant 0 : i32
          %dma_start3A_334 = tpu.memref_slice %arg2[%dma_start3A_332, %dma_start3A_333] : memref<100000x8xf32, #tpu.memory_space<hbm>> -> memref<100000x8xf32, #tpu.memory_space<hbm>>
          tpu.enqueue_indirect_dma source(%dma_start3A_334 : memref<100000x8xf32, #tpu.memory_space<hbm>>) target(%dma_start3A_328 : memref<128x8xf32, #tpu.memory_space<vmem>>) offsets(%dma_start3A_331 : memref<128xi32, #tpu.memory_space<vmem>>) semaphore(%arg15 : memref<!tpu.dma_semaphore, #tpu.memory_space<semaphore_mem>>)
          %while3A_335 = arith.constant 0 : i32
          scf.yield %while3A_335 : i32
        }
        %while3A_312 = arith.constant 1 : i32
        %while3A_313 = scf.for %while3A_314 = %while3A_309 to %while3A_305 step %while3A_312 iter_args(%while3A_315 = %while3A_311) -> (i32)  : i32 {
          %mul3A_316 = arith.constant 128 : i32
          %mul3A_317 = arith.muli %while3A_314, %mul3A_316 : i32
          %dma_start3A = arith.constant 0 : i32
          %dma_start3A_318 = tpu.memref_slice %arg9[%mul3A_317, %dma_start3A] : memref<2048x8xf32, #tpu.memory_space<vmem>> -> memref<128x8xf32, #tpu.memory_space<vmem>>
          %dma_start3A_319 = arith.constant 0 : i32
          %dma_start3A_320 = tpu.memref_slice %arg5[%while3A_314, %dma_start3A_319] : memref<16x128xi32, #tpu.memory_space<vmem>> -> memref<1x128xi32, #tpu.memory_space<vmem>>
          %dma_start3A_321 = tpu.memref_squeeze %dma_start3A_320 : memref<1x128xi32, #tpu.memory_space<vmem>> -> memref<128xi32, #tpu.memory_space<vmem>>
          %dma_start3A_322 = arith.constant 0 : i32
          %dma_start3A_323 = arith.constant 0 : i32
          %dma_start3A_324 = tpu.memref_slice %arg2[%dma_start3A_322, %dma_start3A_323] : memref<100000x8xf32, #tpu.memory_space<hbm>> -> memref<100000x8xf32, #tpu.memory_space<hbm>>
          tpu.enqueue_indirect_dma source(%dma_start3A_324 : memref<100000x8xf32, #tpu.memory_space<hbm>>) target(%dma_start3A_318 : memref<128x8xf32, #tpu.memory_space<vmem>>) offsets(%dma_start3A_321 : memref<128xi32, #tpu.memory_space<vmem>>) semaphore(%arg15 : memref<!tpu.dma_semaphore, #tpu.memory_space<semaphore_mem>>)
          %mul3A_325 = arith.constant 128 : i32
          %mul3A_326 = arith.muli %while3A_314, %mul3A_325 : i32
          %dma_start3A_327 = arith.constant 0 : i32
          %dma_start3A_328 = tpu.memref_slice %arg11[%mul3A_326, %dma_start3A_327] : memref<2048x8xf32, #tpu.memory_space<vmem>> -> memref<128x8xf32, #tpu.memory_space<vmem>>
          %dma_start3A_329 = arith.constant 0 : i32
          %dma_start3A_330 = tpu.memref_slice %arg7[%while3A_314, %dma_start3A_329] : memref<16x128xi32, #tpu.memory_space<vmem>> -> memref<1x128xi32, #tpu.memory_space<vmem>>
          %dma_start3A_331 = tpu.memref_squeeze %dma_start3A_330 : memref<1x128xi32, #tpu.memory_space<vmem>> -> memref<128xi32, #tpu.memory_space<vmem>>
          %dma_start3A_332 = arith.constant 0 : i32
          %dma_start3A_333 = arith.constant 0 : i32
          %dma_start3A_334 = tpu.memref_slice %arg2[%dma_start3A_332, %dma_start3A_333] : memref<100000x8xf32, #tpu.memory_space<hbm>> -> memref<100000x8xf32, #tpu.memory_space<hbm>>
          tpu.enqueue_indirect_dma source(%dma_start3A_334 : memref<100000x8xf32, #tpu.memory_space<hbm>>) target(%dma_start3A_328 : memref<128x8xf32, #tpu.memory_space<vmem>>) offsets(%dma_start3A_331 : memref<128xi32, #tpu.memory_space<vmem>>) semaphore(%arg15 : memref<!tpu.dma_semaphore, #tpu.memory_space<semaphore_mem>>)
          %while3A_335 = arith.constant 0 : i32
          scf.yield %while3A_335 : i32
        }
      } else {
      }
      %mul3A_230 = arith.constant 2 : i32
      %mul3A_231 = arith.muli %scan3A_177, %mul3A_230 : i32
      %add3A_232 = arith.constant 1 : i32
      %add3A_233 = arith.addi %mul3A_231, %add3A_232 : i32
      %mul3A_234 = arith.constant 2 : i32
      %mul3A_235 = arith.muli %add3A_233, %mul3A_234 : i32
      %add3A_236 = arith.addi %add3A_27, %mul3A_235 : i32
      %add3A_237 = arith.addi %add3A_27, %add3A_30 : i32
      %sub3A_238 = arith.constant 2 : i32
      %sub3A_239 = arith.subi %add3A_237, %sub3A_238 : i32
      %min3A_240 = arith.minsi %add3A_236, %sub3A_239 : i32
      %mul3A_241 = arith.constant 2 : i32
      %mul3A_242 = arith.muli %add3A_233, %mul3A_241 : i32
      %add3A_243 = arith.addi %add3A_27, %mul3A_242 : i32
      %sub3A_244 = arith.subi %add3A_243, %min3A_240 : i32
      %mul3A_245 = arith.constant 8 : i32
      %mul3A_246 = arith.muli %sub3A_244, %mul3A_245 : i32
      %mul3A_247 = arith.constant 8 : i32
      %mul3A_248 = arith.muli %min3A_240, %mul3A_247 : i32
      %while3A_249 = arith.constant 16 : i32
      %while3A_250 = arith.constant 0 : i32
      %while3A_251 = arith.subi %while3A_249, %mul3A_246 : i32
      %while3A_252 = arith.addi %mul3A_246, %while3A_251 : i32
      %while3A_253 = arith.constant 1 : i32
      %while3A_254 = arith.divsi %while3A_251, %while3A_253 : i32
      %while3A_255 = arith.muli %while3A_254, %while3A_253 : i32
      %while3A_256 = arith.addi %mul3A_246, %while3A_255 : i32
      %while3A_257 = arith.constant 1 : i32
      %while3A_258 = scf.for %while3A_283 = %mul3A_246 to %while3A_256 step %while3A_257 iter_args(%while3A_284 = %while3A_250) -> (i32)  : i32 {
        %mul3A_285 = arith.constant 128 : i32
        %mul3A_286 = arith.muli %while3A_283, %mul3A_285 : i32
        %dma_wait3A = arith.constant 0 : i32
        %dma_wait3A_287 = tpu.memref_slice %arg10[%mul3A_286, %dma_wait3A] : memref<2048x8xf32, #tpu.memory_space<vmem>> -> memref<128x8xf32, #tpu.memory_space<vmem>>
        %dma_wait3A_288 = arith.constant 0 : i32
        %dma_wait3A_289 = tpu.memref_slice %arg6[%while3A_283, %dma_wait3A_288] : memref<16x128xi32, #tpu.memory_space<vmem>> -> memref<1x128xi32, #tpu.memory_space<vmem>>
        %dma_wait3A_290 = tpu.memref_squeeze %dma_wait3A_289 : memref<1x128xi32, #tpu.memory_space<vmem>> -> memref<128xi32, #tpu.memory_space<vmem>>
        %dma_wait3A_291 = arith.constant 0 : i32
        %dma_wait3A_292 = arith.constant 0 : i32
        %dma_wait3A_293 = tpu.memref_slice %arg2[%dma_wait3A_291, %dma_wait3A_292] : memref<100000x8xf32, #tpu.memory_space<hbm>> -> memref<100000x8xf32, #tpu.memory_space<hbm>>
        tpu.wait_indirect_dma semaphore(%arg16 : memref<!tpu.dma_semaphore, #tpu.memory_space<semaphore_mem>>) src(%dma_wait3A_293 : memref<100000x8xf32, #tpu.memory_space<hbm>>) dst(%dma_wait3A_287 : memref<128x8xf32, #tpu.memory_space<vmem>>)
        %mul3A_294 = arith.constant 128 : i32
        %mul3A_295 = arith.muli %while3A_283, %mul3A_294 : i32
        %dma_wait3A_296 = arith.constant 0 : i32
        %dma_wait3A_297 = tpu.memref_slice %arg12[%mul3A_295, %dma_wait3A_296] : memref<2048x8xf32, #tpu.memory_space<vmem>> -> memref<128x8xf32, #tpu.memory_space<vmem>>
        %dma_wait3A_298 = arith.constant 0 : i32
        %dma_wait3A_299 = tpu.memref_slice %arg8[%while3A_283, %dma_wait3A_298] : memref<16x128xi32, #tpu.memory_space<vmem>> -> memref<1x128xi32, #tpu.memory_space<vmem>>
        %dma_wait3A_300 = tpu.memref_squeeze %dma_wait3A_299 : memref<1x128xi32, #tpu.memory_space<vmem>> -> memref<128xi32, #tpu.memory_space<vmem>>
        %dma_wait3A_301 = arith.constant 0 : i32
        %dma_wait3A_302 = arith.constant 0 : i32
        %dma_wait3A_303 = tpu.memref_slice %arg2[%dma_wait3A_301, %dma_wait3A_302] : memref<100000x8xf32, #tpu.memory_space<hbm>> -> memref<100000x8xf32, #tpu.memory_space<hbm>>
        tpu.wait_indirect_dma semaphore(%arg16 : memref<!tpu.dma_semaphore, #tpu.memory_space<semaphore_mem>>) src(%dma_wait3A_303 : memref<100000x8xf32, #tpu.memory_space<hbm>>) dst(%dma_wait3A_297 : memref<128x8xf32, #tpu.memory_space<vmem>>)
        %while3A_304 = arith.constant 0 : i32
        scf.yield %while3A_304 : i32
      }
      %while3A_259 = arith.constant 1 : i32
      %while3A_260 = scf.for %while3A_283 = %while3A_256 to %while3A_252 step %while3A_259 iter_args(%while3A_284 = %while3A_258) -> (i32)  : i32 {
        %mul3A_285 = arith.constant 128 : i32
        %mul3A_286 = arith.muli %while3A_283, %mul3A_285 : i32
        %dma_wait3A = arith.constant 0 : i32
        %dma_wait3A_287 = tpu.memref_slice %arg10[%mul3A_286, %dma_wait3A] : memref<2048x8xf32, #tpu.memory_space<vmem>> -> memref<128x8xf32, #tpu.memory_space<vmem>>
        %dma_wait3A_288 = arith.constant 0 : i32
        %dma_wait3A_289 = tpu.memref_slice %arg6[%while3A_283, %dma_wait3A_288] : memref<16x128xi32, #tpu.memory_space<vmem>> -> memref<1x128xi32, #tpu.memory_space<vmem>>
        %dma_wait3A_290 = tpu.memref_squeeze %dma_wait3A_289 : memref<1x128xi32, #tpu.memory_space<vmem>> -> memref<128xi32, #tpu.memory_space<vmem>>
        %dma_wait3A_291 = arith.constant 0 : i32
        %dma_wait3A_292 = arith.constant 0 : i32
        %dma_wait3A_293 = tpu.memref_slice %arg2[%dma_wait3A_291, %dma_wait3A_292] : memref<100000x8xf32, #tpu.memory_space<hbm>> -> memref<100000x8xf32, #tpu.memory_space<hbm>>
        tpu.wait_indirect_dma semaphore(%arg16 : memref<!tpu.dma_semaphore, #tpu.memory_space<semaphore_mem>>) src(%dma_wait3A_293 : memref<100000x8xf32, #tpu.memory_space<hbm>>) dst(%dma_wait3A_287 : memref<128x8xf32, #tpu.memory_space<vmem>>)
        %mul3A_294 = arith.constant 128 : i32
        %mul3A_295 = arith.muli %while3A_283, %mul3A_294 : i32
        %dma_wait3A_296 = arith.constant 0 : i32
        %dma_wait3A_297 = tpu.memref_slice %arg12[%mul3A_295, %dma_wait3A_296] : memref<2048x8xf32, #tpu.memory_space<vmem>> -> memref<128x8xf32, #tpu.memory_space<vmem>>
        %dma_wait3A_298 = arith.constant 0 : i32
        %dma_wait3A_299 = tpu.memref_slice %arg8[%while3A_283, %dma_wait3A_298] : memref<16x128xi32, #tpu.memory_space<vmem>> -> memref<1x128xi32, #tpu.memory_space<vmem>>
        %dma_wait3A_300 = tpu.memref_squeeze %dma_wait3A_299 : memref<1x128xi32, #tpu.memory_space<vmem>> -> memref<128xi32, #tpu.memory_space<vmem>>
        %dma_wait3A_301 = arith.constant 0 : i32
        %dma_wait3A_302 = arith.constant 0 : i32
        %dma_wait3A_303 = tpu.memref_slice %arg2[%dma_wait3A_301, %dma_wait3A_302] : memref<100000x8xf32, #tpu.memory_space<hbm>> -> memref<100000x8xf32, #tpu.memory_space<hbm>>
        tpu.wait_indirect_dma semaphore(%arg16 : memref<!tpu.dma_semaphore, #tpu.memory_space<semaphore_mem>>) src(%dma_wait3A_303 : memref<100000x8xf32, #tpu.memory_space<hbm>>) dst(%dma_wait3A_297 : memref<128x8xf32, #tpu.memory_space<vmem>>)
        %while3A_304 = arith.constant 0 : i32
        scf.yield %while3A_304 : i32
      }
      %mul3A_261 = arith.constant 8 : i32
      %mul3A_262 = arith.muli %mul3A_246, %mul3A_261 : i32
      %while3A_263 = arith.constant 128 : i32
      %while3A_264 = arith.constant 0 : i32
      %while3A_265 = arith.subi %while3A_263, %mul3A_262 : i32
      %while3A_266 = arith.addi %mul3A_262, %while3A_265 : i32
      %while3A_267 = arith.constant 1 : i32
      %while3A_268 = arith.divsi %while3A_265, %while3A_267 : i32
      %while3A_269 = arith.muli %while3A_268, %while3A_267 : i32
      %while3A_270 = arith.addi %mul3A_262, %while3A_269 : i32
      %while3A_271 = arith.constant 1 : i32
      %while3A_272 = scf.for %while3A_283 = %mul3A_262 to %while3A_270 step %while3A_271 iter_args(%while3A_284 = %while3A_264) -> (i32)  : i32 {
        %mul3A_285 = arith.constant 16 : i32
        %mul3A_286 = arith.muli %while3A_283, %mul3A_285 : i32
        %add3A_287 = vector.broadcast %mul3A_286 : i32 to vector<16xi32>
        %add3A_288 = arith.addi %iota3A, %add3A_287 : vector<16xi32>
        %gather3A = tpu.vector_load_idx %arg12[%add3A_288, %broadcast_in_dim3A_1] : memref<2048x8xf32, #tpu.memory_space<vmem>>[vector<16xi32>, vector<16xi32>], vector<16xf32>,
        %gather3A_289 = tpu.vector_load_idx %arg12[%add3A_288, %broadcast_in_dim3A_3] : memref<2048x8xf32, #tpu.memory_space<vmem>>[vector<16xi32>, vector<16xi32>], vector<16xf32>,
        %convert_element_type3A_290 = arith.fptosi %gather3A_289 : vector<16xf32> to vector<16xi32>
        %broadcast_in_dim3A_291 = arith.constant 0 : i32
        %broadcast_in_dim3A_292 = vector.broadcast %broadcast_in_dim3A_291 : i32 to vector<16xi32>
        %gather3A_293 = tpu.vector_load_idx %arg10[%add3A_288, %broadcast_in_dim3A_292] : memref<2048x8xf32, #tpu.memory_space<vmem>>[vector<16xi32>, vector<16xi32>], vector<16xf32>,
        %mul3A_294 = arith.mulf %gather3A_293, %gather3A : vector<16xf32>
        tpu.vector_store_idx %arg13[%add3A_6, %convert_element_type3A_290], %mul3A_294 {add = true} : memref<64x256xf32, #tpu.memory_space<vmem>>[vector<16xi32>, vector<16xi32>], vector<16xf32>,
        %broadcast_in_dim3A_295 = arith.constant 1 : i32
        %broadcast_in_dim3A_296 = vector.broadcast %broadcast_in_dim3A_295 : i32 to vector<16xi32>
        %gather3A_297 = tpu.vector_load_idx %arg10[%add3A_288, %broadcast_in_dim3A_296] : memref<2048x8xf32, #tpu.memory_space<vmem>>[vector<16xi32>, vector<16xi32>], vector<16xf32>,
        %mul3A_298 = arith.mulf %gather3A_297, %gather3A : vector<16xf32>
        tpu.vector_store_idx %arg13[%add3A_9, %convert_element_type3A_290], %mul3A_298 {add = true} : memref<64x256xf32, #tpu.memory_space<vmem>>[vector<16xi32>, vector<16xi32>], vector<16xf32>,
        %broadcast_in_dim3A_299 = arith.constant 2 : i32
        %broadcast_in_dim3A_300 = vector.broadcast %broadcast_in_dim3A_299 : i32 to vector<16xi32>
        %gather3A_301 = tpu.vector_load_idx %arg10[%add3A_288, %broadcast_in_dim3A_300] : memref<2048x8xf32, #tpu.memory_space<vmem>>[vector<16xi32>, vector<16xi32>], vector<16xf32>,
        %mul3A_302 = arith.mulf %gather3A_301, %gather3A : vector<16xf32>
        tpu.vector_store_idx %arg13[%add3A_12, %convert_element_type3A_290], %mul3A_302 {add = true} : memref<64x256xf32, #tpu.memory_space<vmem>>[vector<16xi32>, vector<16xi32>], vector<16xf32>,
        %while3A_303 = arith.constant 0 : i32
        scf.yield %while3A_303 : i32
      }
      %while3A_273 = arith.constant 1 : i32
      %while3A_274 = scf.for %while3A_283 = %while3A_270 to %while3A_266 step %while3A_273 iter_args(%while3A_284 = %while3A_272) -> (i32)  : i32 {
        %mul3A_285 = arith.constant 16 : i32
        %mul3A_286 = arith.muli %while3A_283, %mul3A_285 : i32
        %add3A_287 = vector.broadcast %mul3A_286 : i32 to vector<16xi32>
        %add3A_288 = arith.addi %iota3A, %add3A_287 : vector<16xi32>
        %gather3A = tpu.vector_load_idx %arg12[%add3A_288, %broadcast_in_dim3A_1] : memref<2048x8xf32, #tpu.memory_space<vmem>>[vector<16xi32>, vector<16xi32>], vector<16xf32>,
        %gather3A_289 = tpu.vector_load_idx %arg12[%add3A_288, %broadcast_in_dim3A_3] : memref<2048x8xf32, #tpu.memory_space<vmem>>[vector<16xi32>, vector<16xi32>], vector<16xf32>,
        %convert_element_type3A_290 = arith.fptosi %gather3A_289 : vector<16xf32> to vector<16xi32>
        %broadcast_in_dim3A_291 = arith.constant 0 : i32
        %broadcast_in_dim3A_292 = vector.broadcast %broadcast_in_dim3A_291 : i32 to vector<16xi32>
        %gather3A_293 = tpu.vector_load_idx %arg10[%add3A_288, %broadcast_in_dim3A_292] : memref<2048x8xf32, #tpu.memory_space<vmem>>[vector<16xi32>, vector<16xi32>], vector<16xf32>,
        %mul3A_294 = arith.mulf %gather3A_293, %gather3A : vector<16xf32>
        tpu.vector_store_idx %arg13[%add3A_6, %convert_element_type3A_290], %mul3A_294 {add = true} : memref<64x256xf32, #tpu.memory_space<vmem>>[vector<16xi32>, vector<16xi32>], vector<16xf32>,
        %broadcast_in_dim3A_295 = arith.constant 1 : i32
        %broadcast_in_dim3A_296 = vector.broadcast %broadcast_in_dim3A_295 : i32 to vector<16xi32>
        %gather3A_297 = tpu.vector_load_idx %arg10[%add3A_288, %broadcast_in_dim3A_296] : memref<2048x8xf32, #tpu.memory_space<vmem>>[vector<16xi32>, vector<16xi32>], vector<16xf32>,
        %mul3A_298 = arith.mulf %gather3A_297, %gather3A : vector<16xf32>
        tpu.vector_store_idx %arg13[%add3A_9, %convert_element_type3A_290], %mul3A_298 {add = true} : memref<64x256xf32, #tpu.memory_space<vmem>>[vector<16xi32>, vector<16xi32>], vector<16xf32>,
        %broadcast_in_dim3A_299 = arith.constant 2 : i32
        %broadcast_in_dim3A_300 = vector.broadcast %broadcast_in_dim3A_299 : i32 to vector<16xi32>
        %gather3A_301 = tpu.vector_load_idx %arg10[%add3A_288, %broadcast_in_dim3A_300] : memref<2048x8xf32, #tpu.memory_space<vmem>>[vector<16xi32>, vector<16xi32>], vector<16xf32>,
        %mul3A_302 = arith.mulf %gather3A_301, %gather3A : vector<16xf32>
        tpu.vector_store_idx %arg13[%add3A_12, %convert_element_type3A_290], %mul3A_302 {add = true} : memref<64x256xf32, #tpu.memory_space<vmem>>[vector<16xi32>, vector<16xi32>], vector<16xf32>,
        %while3A_303 = arith.constant 0 : i32
        scf.yield %while3A_303 : i32
      }
      %add3A_275 = arith.constant 2 : i32
      %add3A_276 = arith.addi %add3A_233, %add3A_275 : i32
      %lt3A_277 = arith.constant 49 : i32
      %lt3A_278 = arith.cmpi slt, %add3A_276, %lt3A_277 : i32
      %convert_element_type3A_279 = arith.extui %lt3A_278 : i1 to i32
      %cond3A_280 = arith.constant 0 : i32
      %cond3A_281 = arith.cmpi ne, %convert_element_type3A_279, %cond3A_280 : i32
      scf.if %cond3A_281 {
        %add3A_283 = arith.constant 2 : i32
        %add3A_284 = arith.addi %add3A_233, %add3A_283 : i32
        %mul3A_285 = arith.constant 2 : i32
        %mul3A_286 = arith.muli %add3A_284, %mul3A_285 : i32
        %add3A_287 = arith.addi %add3A_27, %mul3A_286 : i32
        %add3A_288 = arith.addi %add3A_27, %add3A_30 : i32
        %sub3A_289 = arith.constant 2 : i32
        %sub3A_290 = arith.subi %add3A_288, %sub3A_289 : i32
        %min3A_291 = arith.minsi %add3A_287, %sub3A_290 : i32
        %mul3A_292 = arith.constant 2 : i32
        %mul3A_293 = arith.muli %add3A_284, %mul3A_292 : i32
        %add3A_294 = arith.addi %add3A_27, %mul3A_293 : i32
        %sub3A_295 = arith.subi %add3A_294, %min3A_291 : i32
        %mul3A_296 = arith.constant 8 : i32
        %mul3A_297 = arith.muli %sub3A_295, %mul3A_296 : i32
        %mul3A_298 = arith.constant 8 : i32
        %mul3A_299 = arith.muli %min3A_291, %mul3A_298 : i32
        "tpu.region"() ({
          %run_scoped3A = tpu.sem_alloc : memref<!tpu.dma_semaphore, #tpu.memory_space<semaphore_mem>>
          %dma_start3A = arith.constant 0 : i32
          %dma_start3A_314 = tpu.memref_slice %arg3[%mul3A_299, %dma_start3A] : memref<50000x128xi32, #tpu.memory_space<hbm>> -> memref<16x128xi32, #tpu.memory_space<hbm>>
          %dma_start3A_315 = arith.constant 0 : i32
          %dma_start3A_316 = tpu.memref_slice %arg3[%mul3A_299, %dma_start3A_315] : memref<50000x128xi32, #tpu.memory_space<hbm>> -> memref<16x128xi32, #tpu.memory_space<hbm>>
          tpu.enqueue_dma source(%dma_start3A_316 : memref<16x128xi32, #tpu.memory_space<hbm>>) target(%arg6 : memref<16x128xi32, #tpu.memory_space<vmem>>) target_semaphore(%run_scoped3A : memref<!tpu.dma_semaphore, #tpu.memory_space<semaphore_mem>>)
          %dma_wait3A = arith.constant 0 : i32
          %dma_wait3A_317 = tpu.memref_slice %arg3[%mul3A_299, %dma_wait3A] : memref<50000x128xi32, #tpu.memory_space<hbm>> -> memref<16x128xi32, #tpu.memory_space<hbm>>
          %dma_wait3A_318 = arith.constant 0 : i32
          %dma_wait3A_319 = tpu.memref_slice %arg3[%mul3A_299, %dma_wait3A_318] : memref<50000x128xi32, #tpu.memory_space<hbm>> -> memref<16x128xi32, #tpu.memory_space<hbm>>
          tpu.wait_dma2 semaphore(%run_scoped3A : memref<!tpu.dma_semaphore, #tpu.memory_space<semaphore_mem>>) src(%dma_wait3A_319 : memref<16x128xi32, #tpu.memory_space<hbm>>) dst(%arg6 : memref<16x128xi32, #tpu.memory_space<vmem>>)
          tpu.yield
        }) : () -> ()
        %add3A_300 = arith.constant 25000 : i32
        %add3A_301 = arith.addi %add3A_300, %mul3A_299 : i32
        "tpu.region"() ({
          %run_scoped3A = tpu.sem_alloc : memref<!tpu.dma_semaphore, #tpu.memory_space<semaphore_mem>>
          %dma_start3A = arith.constant 0 : i32
          %dma_start3A_314 = tpu.memref_slice %arg3[%add3A_301, %dma_start3A] : memref<50000x128xi32, #tpu.memory_space<hbm>> -> memref<16x128xi32, #tpu.memory_space<hbm>>
          %dma_start3A_315 = arith.constant 0 : i32
          %dma_start3A_316 = tpu.memref_slice %arg3[%add3A_301, %dma_start3A_315] : memref<50000x128xi32, #tpu.memory_space<hbm>> -> memref<16x128xi32, #tpu.memory_space<hbm>>
          tpu.enqueue_dma source(%dma_start3A_316 : memref<16x128xi32, #tpu.memory_space<hbm>>) target(%arg8 : memref<16x128xi32, #tpu.memory_space<vmem>>) target_semaphore(%run_scoped3A : memref<!tpu.dma_semaphore, #tpu.memory_space<semaphore_mem>>)
          %dma_wait3A = arith.constant 0 : i32
          %dma_wait3A_317 = tpu.memref_slice %arg3[%add3A_301, %dma_wait3A] : memref<50000x128xi32, #tpu.memory_space<hbm>> -> memref<16x128xi32, #tpu.memory_space<hbm>>
          %dma_wait3A_318 = arith.constant 0 : i32
          %dma_wait3A_319 = tpu.memref_slice %arg3[%add3A_301, %dma_wait3A_318] : memref<50000x128xi32, #tpu.memory_space<hbm>> -> memref<16x128xi32, #tpu.memory_space<hbm>>
          tpu.wait_dma2 semaphore(%run_scoped3A : memref<!tpu.dma_semaphore, #tpu.memory_space<semaphore_mem>>) src(%dma_wait3A_319 : memref<16x128xi32, #tpu.memory_space<hbm>>) dst(%arg8 : memref<16x128xi32, #tpu.memory_space<vmem>>)
          tpu.yield
        }) : () -> ()
        %while3A_302 = arith.constant 16 : i32
        %while3A_303 = arith.constant 0 : i32
        %while3A_304 = arith.subi %while3A_302, %mul3A_297 : i32
        %while3A_305 = arith.addi %mul3A_297, %while3A_304 : i32
        %while3A_306 = arith.constant 1 : i32
        %while3A_307 = arith.divsi %while3A_304, %while3A_306 : i32
        %while3A_308 = arith.muli %while3A_307, %while3A_306 : i32
        %while3A_309 = arith.addi %mul3A_297, %while3A_308 : i32
        %while3A_310 = arith.constant 1 : i32
        %while3A_311 = scf.for %while3A_314 = %mul3A_297 to %while3A_309 step %while3A_310 iter_args(%while3A_315 = %while3A_303) -> (i32)  : i32 {
          %mul3A_316 = arith.constant 128 : i32
          %mul3A_317 = arith.muli %while3A_314, %mul3A_316 : i32
          %dma_start3A = arith.constant 0 : i32
          %dma_start3A_318 = tpu.memref_slice %arg10[%mul3A_317, %dma_start3A] : memref<2048x8xf32, #tpu.memory_space<vmem>> -> memref<128x8xf32, #tpu.memory_space<vmem>>
          %dma_start3A_319 = arith.constant 0 : i32
          %dma_start3A_320 = tpu.memref_slice %arg6[%while3A_314, %dma_start3A_319] : memref<16x128xi32, #tpu.memory_space<vmem>> -> memref<1x128xi32, #tpu.memory_space<vmem>>
          %dma_start3A_321 = tpu.memref_squeeze %dma_start3A_320 : memref<1x128xi32, #tpu.memory_space<vmem>> -> memref<128xi32, #tpu.memory_space<vmem>>
          %dma_start3A_322 = arith.constant 0 : i32
          %dma_start3A_323 = arith.constant 0 : i32
          %dma_start3A_324 = tpu.memref_slice %arg2[%dma_start3A_322, %dma_start3A_323] : memref<100000x8xf32, #tpu.memory_space<hbm>> -> memref<100000x8xf32, #tpu.memory_space<hbm>>
          tpu.enqueue_indirect_dma source(%dma_start3A_324 : memref<100000x8xf32, #tpu.memory_space<hbm>>) target(%dma_start3A_318 : memref<128x8xf32, #tpu.memory_space<vmem>>) offsets(%dma_start3A_321 : memref<128xi32, #tpu.memory_space<vmem>>) semaphore(%arg16 : memref<!tpu.dma_semaphore, #tpu.memory_space<semaphore_mem>>)
          %mul3A_325 = arith.constant 128 : i32
          %mul3A_326 = arith.muli %while3A_314, %mul3A_325 : i32
          %dma_start3A_327 = arith.constant 0 : i32
          %dma_start3A_328 = tpu.memref_slice %arg12[%mul3A_326, %dma_start3A_327] : memref<2048x8xf32, #tpu.memory_space<vmem>> -> memref<128x8xf32, #tpu.memory_space<vmem>>
          %dma_start3A_329 = arith.constant 0 : i32
          %dma_start3A_330 = tpu.memref_slice %arg8[%while3A_314, %dma_start3A_329] : memref<16x128xi32, #tpu.memory_space<vmem>> -> memref<1x128xi32, #tpu.memory_space<vmem>>
          %dma_start3A_331 = tpu.memref_squeeze %dma_start3A_330 : memref<1x128xi32, #tpu.memory_space<vmem>> -> memref<128xi32, #tpu.memory_space<vmem>>
          %dma_start3A_332 = arith.constant 0 : i32
          %dma_start3A_333 = arith.constant 0 : i32
          %dma_start3A_334 = tpu.memref_slice %arg2[%dma_start3A_332, %dma_start3A_333] : memref<100000x8xf32, #tpu.memory_space<hbm>> -> memref<100000x8xf32, #tpu.memory_space<hbm>>
          tpu.enqueue_indirect_dma source(%dma_start3A_334 : memref<100000x8xf32, #tpu.memory_space<hbm>>) target(%dma_start3A_328 : memref<128x8xf32, #tpu.memory_space<vmem>>) offsets(%dma_start3A_331 : memref<128xi32, #tpu.memory_space<vmem>>) semaphore(%arg16 : memref<!tpu.dma_semaphore, #tpu.memory_space<semaphore_mem>>)
          %while3A_335 = arith.constant 0 : i32
          scf.yield %while3A_335 : i32
        }
        %while3A_312 = arith.constant 1 : i32
        %while3A_313 = scf.for %while3A_314 = %while3A_309 to %while3A_305 step %while3A_312 iter_args(%while3A_315 = %while3A_311) -> (i32)  : i32 {
          %mul3A_316 = arith.constant 128 : i32
          %mul3A_317 = arith.muli %while3A_314, %mul3A_316 : i32
          %dma_start3A = arith.constant 0 : i32
          %dma_start3A_318 = tpu.memref_slice %arg10[%mul3A_317, %dma_start3A] : memref<2048x8xf32, #tpu.memory_space<vmem>> -> memref<128x8xf32, #tpu.memory_space<vmem>>
          %dma_start3A_319 = arith.constant 0 : i32
          %dma_start3A_320 = tpu.memref_slice %arg6[%while3A_314, %dma_start3A_319] : memref<16x128xi32, #tpu.memory_space<vmem>> -> memref<1x128xi32, #tpu.memory_space<vmem>>
          %dma_start3A_321 = tpu.memref_squeeze %dma_start3A_320 : memref<1x128xi32, #tpu.memory_space<vmem>> -> memref<128xi32, #tpu.memory_space<vmem>>
          %dma_start3A_322 = arith.constant 0 : i32
          %dma_start3A_323 = arith.constant 0 : i32
          %dma_start3A_324 = tpu.memref_slice %arg2[%dma_start3A_322, %dma_start3A_323] : memref<100000x8xf32, #tpu.memory_space<hbm>> -> memref<100000x8xf32, #tpu.memory_space<hbm>>
          tpu.enqueue_indirect_dma source(%dma_start3A_324 : memref<100000x8xf32, #tpu.memory_space<hbm>>) target(%dma_start3A_318 : memref<128x8xf32, #tpu.memory_space<vmem>>) offsets(%dma_start3A_321 : memref<128xi32, #tpu.memory_space<vmem>>) semaphore(%arg16 : memref<!tpu.dma_semaphore, #tpu.memory_space<semaphore_mem>>)
          %mul3A_325 = arith.constant 128 : i32
          %mul3A_326 = arith.muli %while3A_314, %mul3A_325 : i32
          %dma_start3A_327 = arith.constant 0 : i32
          %dma_start3A_328 = tpu.memref_slice %arg12[%mul3A_326, %dma_start3A_327] : memref<2048x8xf32, #tpu.memory_space<vmem>> -> memref<128x8xf32, #tpu.memory_space<vmem>>
          %dma_start3A_329 = arith.constant 0 : i32
          %dma_start3A_330 = tpu.memref_slice %arg8[%while3A_314, %dma_start3A_329] : memref<16x128xi32, #tpu.memory_space<vmem>> -> memref<1x128xi32, #tpu.memory_space<vmem>>
          %dma_start3A_331 = tpu.memref_squeeze %dma_start3A_330 : memref<1x128xi32, #tpu.memory_space<vmem>> -> memref<128xi32, #tpu.memory_space<vmem>>
          %dma_start3A_332 = arith.constant 0 : i32
          %dma_start3A_333 = arith.constant 0 : i32
          %dma_start3A_334 = tpu.memref_slice %arg2[%dma_start3A_332, %dma_start3A_333] : memref<100000x8xf32, #tpu.memory_space<hbm>> -> memref<100000x8xf32, #tpu.memory_space<hbm>>
          tpu.enqueue_indirect_dma source(%dma_start3A_334 : memref<100000x8xf32, #tpu.memory_space<hbm>>) target(%dma_start3A_328 : memref<128x8xf32, #tpu.memory_space<vmem>>) offsets(%dma_start3A_331 : memref<128xi32, #tpu.memory_space<vmem>>) semaphore(%arg16 : memref<!tpu.dma_semaphore, #tpu.memory_space<semaphore_mem>>)
          %while3A_335 = arith.constant 0 : i32
          scf.yield %while3A_335 : i32
        }
      } else {
      }
      %scan3A_282 = arith.constant 0 : i32
      scf.yield %scan3A_282 : i32
    }
    %scan3A_97 = arith.constant 24 : i32
    %mul3A_98 = arith.constant 48 : i32
    %mul3A_99 = arith.constant 2 : i32
    %mul3A_100 = arith.muli %mul3A_98, %mul3A_99 : i32
    %add3A_101 = arith.addi %add3A_27, %mul3A_100 : i32
    %add3A_102 = arith.addi %add3A_27, %add3A_30 : i32
    %sub3A_103 = arith.constant 2 : i32
    %sub3A_104 = arith.subi %add3A_102, %sub3A_103 : i32
    %min3A_105 = arith.minsi %add3A_101, %sub3A_104 : i32
    %mul3A_106 = arith.constant 48 : i32
    %mul3A_107 = arith.constant 2 : i32
    %mul3A_108 = arith.muli %mul3A_106, %mul3A_107 : i32
    %add3A_109 = arith.addi %add3A_27, %mul3A_108 : i32
    %sub3A_110 = arith.subi %add3A_109, %min3A_105 : i32
    %mul3A_111 = arith.constant 8 : i32
    %mul3A_112 = arith.muli %sub3A_110, %mul3A_111 : i32
    %mul3A_113 = arith.constant 8 : i32
    %mul3A_114 = arith.muli %min3A_105, %mul3A_113 : i32
    %while3A_115 = arith.constant 16 : i32
    %while3A_116 = arith.constant 0 : i32
    %while3A_117 = arith.subi %while3A_115, %mul3A_112 : i32
    %while3A_118 = arith.addi %mul3A_112, %while3A_117 : i32
    %while3A_119 = arith.constant 1 : i32
    %while3A_120 = arith.divsi %while3A_117, %while3A_119 : i32
    %while3A_121 = arith.muli %while3A_120, %while3A_119 : i32
    %while3A_122 = arith.addi %mul3A_112, %while3A_121 : i32
    %while3A_123 = arith.constant 1 : i32
    %while3A_124 = scf.for %while3A_177 = %mul3A_112 to %while3A_122 step %while3A_123 iter_args(%while3A_178 = %while3A_116) -> (i32)  : i32 {
      %mul3A_179 = arith.constant 128 : i32
      %mul3A_180 = arith.muli %while3A_177, %mul3A_179 : i32
      %dma_wait3A = arith.constant 0 : i32
      %dma_wait3A_181 = tpu.memref_slice %arg9[%mul3A_180, %dma_wait3A] : memref<2048x8xf32, #tpu.memory_space<vmem>> -> memref<128x8xf32, #tpu.memory_space<vmem>>
      %dma_wait3A_182 = arith.constant 0 : i32
      %dma_wait3A_183 = tpu.memref_slice %arg5[%while3A_177, %dma_wait3A_182] : memref<16x128xi32, #tpu.memory_space<vmem>> -> memref<1x128xi32, #tpu.memory_space<vmem>>
      %dma_wait3A_184 = tpu.memref_squeeze %dma_wait3A_183 : memref<1x128xi32, #tpu.memory_space<vmem>> -> memref<128xi32, #tpu.memory_space<vmem>>
      %dma_wait3A_185 = arith.constant 0 : i32
      %dma_wait3A_186 = arith.constant 0 : i32
      %dma_wait3A_187 = tpu.memref_slice %arg2[%dma_wait3A_185, %dma_wait3A_186] : memref<100000x8xf32, #tpu.memory_space<hbm>> -> memref<100000x8xf32, #tpu.memory_space<hbm>>
      tpu.wait_indirect_dma semaphore(%arg15 : memref<!tpu.dma_semaphore, #tpu.memory_space<semaphore_mem>>) src(%dma_wait3A_187 : memref<100000x8xf32, #tpu.memory_space<hbm>>) dst(%dma_wait3A_181 : memref<128x8xf32, #tpu.memory_space<vmem>>)
      %mul3A_188 = arith.constant 128 : i32
      %mul3A_189 = arith.muli %while3A_177, %mul3A_188 : i32
      %dma_wait3A_190 = arith.constant 0 : i32
      %dma_wait3A_191 = tpu.memref_slice %arg11[%mul3A_189, %dma_wait3A_190] : memref<2048x8xf32, #tpu.memory_space<vmem>> -> memref<128x8xf32, #tpu.memory_space<vmem>>
      %dma_wait3A_192 = arith.constant 0 : i32
      %dma_wait3A_193 = tpu.memref_slice %arg7[%while3A_177, %dma_wait3A_192] : memref<16x128xi32, #tpu.memory_space<vmem>> -> memref<1x128xi32, #tpu.memory_space<vmem>>
      %dma_wait3A_194 = tpu.memref_squeeze %dma_wait3A_193 : memref<1x128xi32, #tpu.memory_space<vmem>> -> memref<128xi32, #tpu.memory_space<vmem>>
      %dma_wait3A_195 = arith.constant 0 : i32
      %dma_wait3A_196 = arith.constant 0 : i32
      %dma_wait3A_197 = tpu.memref_slice %arg2[%dma_wait3A_195, %dma_wait3A_196] : memref<100000x8xf32, #tpu.memory_space<hbm>> -> memref<100000x8xf32, #tpu.memory_space<hbm>>
      tpu.wait_indirect_dma semaphore(%arg15 : memref<!tpu.dma_semaphore, #tpu.memory_space<semaphore_mem>>) src(%dma_wait3A_197 : memref<100000x8xf32, #tpu.memory_space<hbm>>) dst(%dma_wait3A_191 : memref<128x8xf32, #tpu.memory_space<vmem>>)
      %while3A_198 = arith.constant 0 : i32
      scf.yield %while3A_198 : i32
    }
    %while3A_125 = arith.constant 1 : i32
    %while3A_126 = scf.for %while3A_177 = %while3A_122 to %while3A_118 step %while3A_125 iter_args(%while3A_178 = %while3A_124) -> (i32)  : i32 {
      %mul3A_179 = arith.constant 128 : i32
      %mul3A_180 = arith.muli %while3A_177, %mul3A_179 : i32
      %dma_wait3A = arith.constant 0 : i32
      %dma_wait3A_181 = tpu.memref_slice %arg9[%mul3A_180, %dma_wait3A] : memref<2048x8xf32, #tpu.memory_space<vmem>> -> memref<128x8xf32, #tpu.memory_space<vmem>>
      %dma_wait3A_182 = arith.constant 0 : i32
      %dma_wait3A_183 = tpu.memref_slice %arg5[%while3A_177, %dma_wait3A_182] : memref<16x128xi32, #tpu.memory_space<vmem>> -> memref<1x128xi32, #tpu.memory_space<vmem>>
      %dma_wait3A_184 = tpu.memref_squeeze %dma_wait3A_183 : memref<1x128xi32, #tpu.memory_space<vmem>> -> memref<128xi32, #tpu.memory_space<vmem>>
      %dma_wait3A_185 = arith.constant 0 : i32
      %dma_wait3A_186 = arith.constant 0 : i32
      %dma_wait3A_187 = tpu.memref_slice %arg2[%dma_wait3A_185, %dma_wait3A_186] : memref<100000x8xf32, #tpu.memory_space<hbm>> -> memref<100000x8xf32, #tpu.memory_space<hbm>>
      tpu.wait_indirect_dma semaphore(%arg15 : memref<!tpu.dma_semaphore, #tpu.memory_space<semaphore_mem>>) src(%dma_wait3A_187 : memref<100000x8xf32, #tpu.memory_space<hbm>>) dst(%dma_wait3A_181 : memref<128x8xf32, #tpu.memory_space<vmem>>)
      %mul3A_188 = arith.constant 128 : i32
      %mul3A_189 = arith.muli %while3A_177, %mul3A_188 : i32
      %dma_wait3A_190 = arith.constant 0 : i32
      %dma_wait3A_191 = tpu.memref_slice %arg11[%mul3A_189, %dma_wait3A_190] : memref<2048x8xf32, #tpu.memory_space<vmem>> -> memref<128x8xf32, #tpu.memory_space<vmem>>
      %dma_wait3A_192 = arith.constant 0 : i32
      %dma_wait3A_193 = tpu.memref_slice %arg7[%while3A_177, %dma_wait3A_192] : memref<16x128xi32, #tpu.memory_space<vmem>> -> memref<1x128xi32, #tpu.memory_space<vmem>>
      %dma_wait3A_194 = tpu.memref_squeeze %dma_wait3A_193 : memref<1x128xi32, #tpu.memory_space<vmem>> -> memref<128xi32, #tpu.memory_space<vmem>>
      %dma_wait3A_195 = arith.constant 0 : i32
      %dma_wait3A_196 = arith.constant 0 : i32
      %dma_wait3A_197 = tpu.memref_slice %arg2[%dma_wait3A_195, %dma_wait3A_196] : memref<100000x8xf32, #tpu.memory_space<hbm>> -> memref<100000x8xf32, #tpu.memory_space<hbm>>
      tpu.wait_indirect_dma semaphore(%arg15 : memref<!tpu.dma_semaphore, #tpu.memory_space<semaphore_mem>>) src(%dma_wait3A_197 : memref<100000x8xf32, #tpu.memory_space<hbm>>) dst(%dma_wait3A_191 : memref<128x8xf32, #tpu.memory_space<vmem>>)
      %while3A_198 = arith.constant 0 : i32
      scf.yield %while3A_198 : i32
    }
    %mul3A_127 = arith.constant 8 : i32
    %mul3A_128 = arith.muli %mul3A_112, %mul3A_127 : i32
    %while3A_129 = arith.constant 128 : i32
    %while3A_130 = arith.constant 0 : i32
    %while3A_131 = arith.subi %while3A_129, %mul3A_128 : i32
    %while3A_132 = arith.addi %mul3A_128, %while3A_131 : i32
    %while3A_133 = arith.constant 1 : i32
    %while3A_134 = arith.divsi %while3A_131, %while3A_133 : i32
    %while3A_135 = arith.muli %while3A_134, %while3A_133 : i32
    %while3A_136 = arith.addi %mul3A_128, %while3A_135 : i32
    %while3A_137 = arith.constant 1 : i32
    %while3A_138 = scf.for %while3A_177 = %mul3A_128 to %while3A_136 step %while3A_137 iter_args(%while3A_178 = %while3A_130) -> (i32)  : i32 {
      %mul3A_179 = arith.constant 16 : i32
      %mul3A_180 = arith.muli %while3A_177, %mul3A_179 : i32
      %add3A_181 = vector.broadcast %mul3A_180 : i32 to vector<16xi32>
      %add3A_182 = arith.addi %iota3A, %add3A_181 : vector<16xi32>
      %gather3A = tpu.vector_load_idx %arg11[%add3A_182, %broadcast_in_dim3A_1] : memref<2048x8xf32, #tpu.memory_space<vmem>>[vector<16xi32>, vector<16xi32>], vector<16xf32>,
      %gather3A_183 = tpu.vector_load_idx %arg11[%add3A_182, %broadcast_in_dim3A_3] : memref<2048x8xf32, #tpu.memory_space<vmem>>[vector<16xi32>, vector<16xi32>], vector<16xf32>,
      %convert_element_type3A_184 = arith.fptosi %gather3A_183 : vector<16xf32> to vector<16xi32>
      %broadcast_in_dim3A_185 = arith.constant 0 : i32
      %broadcast_in_dim3A_186 = vector.broadcast %broadcast_in_dim3A_185 : i32 to vector<16xi32>
      %gather3A_187 = tpu.vector_load_idx %arg9[%add3A_182, %broadcast_in_dim3A_186] : memref<2048x8xf32, #tpu.memory_space<vmem>>[vector<16xi32>, vector<16xi32>], vector<16xf32>,
      %mul3A_188 = arith.mulf %gather3A_187, %gather3A : vector<16xf32>
      tpu.vector_store_idx %arg13[%add3A_6, %convert_element_type3A_184], %mul3A_188 {add = true} : memref<64x256xf32, #tpu.memory_space<vmem>>[vector<16xi32>, vector<16xi32>], vector<16xf32>,
      %broadcast_in_dim3A_189 = arith.constant 1 : i32
      %broadcast_in_dim3A_190 = vector.broadcast %broadcast_in_dim3A_189 : i32 to vector<16xi32>
      %gather3A_191 = tpu.vector_load_idx %arg9[%add3A_182, %broadcast_in_dim3A_190] : memref<2048x8xf32, #tpu.memory_space<vmem>>[vector<16xi32>, vector<16xi32>], vector<16xf32>,
      %mul3A_192 = arith.mulf %gather3A_191, %gather3A : vector<16xf32>
      tpu.vector_store_idx %arg13[%add3A_9, %convert_element_type3A_184], %mul3A_192 {add = true} : memref<64x256xf32, #tpu.memory_space<vmem>>[vector<16xi32>, vector<16xi32>], vector<16xf32>,
      %broadcast_in_dim3A_193 = arith.constant 2 : i32
      %broadcast_in_dim3A_194 = vector.broadcast %broadcast_in_dim3A_193 : i32 to vector<16xi32>
      %gather3A_195 = tpu.vector_load_idx %arg9[%add3A_182, %broadcast_in_dim3A_194] : memref<2048x8xf32, #tpu.memory_space<vmem>>[vector<16xi32>, vector<16xi32>], vector<16xf32>,
      %mul3A_196 = arith.mulf %gather3A_195, %gather3A : vector<16xf32>
      tpu.vector_store_idx %arg13[%add3A_12, %convert_element_type3A_184], %mul3A_196 {add = true} : memref<64x256xf32, #tpu.memory_space<vmem>>[vector<16xi32>, vector<16xi32>], vector<16xf32>,
      %while3A_197 = arith.constant 0 : i32
      scf.yield %while3A_197 : i32
    }
    %while3A_139 = arith.constant 1 : i32
    %while3A_140 = scf.for %while3A_177 = %while3A_136 to %while3A_132 step %while3A_139 iter_args(%while3A_178 = %while3A_138) -> (i32)  : i32 {
      %mul3A_179 = arith.constant 16 : i32
      %mul3A_180 = arith.muli %while3A_177, %mul3A_179 : i32
      %add3A_181 = vector.broadcast %mul3A_180 : i32 to vector<16xi32>
      %add3A_182 = arith.addi %iota3A, %add3A_181 : vector<16xi32>
      %gather3A = tpu.vector_load_idx %arg11[%add3A_182, %broadcast_in_dim3A_1] : memref<2048x8xf32, #tpu.memory_space<vmem>>[vector<16xi32>, vector<16xi32>], vector<16xf32>,
      %gather3A_183 = tpu.vector_load_idx %arg11[%add3A_182, %broadcast_in_dim3A_3] : memref<2048x8xf32, #tpu.memory_space<vmem>>[vector<16xi32>, vector<16xi32>], vector<16xf32>,
      %convert_element_type3A_184 = arith.fptosi %gather3A_183 : vector<16xf32> to vector<16xi32>
      %broadcast_in_dim3A_185 = arith.constant 0 : i32
      %broadcast_in_dim3A_186 = vector.broadcast %broadcast_in_dim3A_185 : i32 to vector<16xi32>
      %gather3A_187 = tpu.vector_load_idx %arg9[%add3A_182, %broadcast_in_dim3A_186] : memref<2048x8xf32, #tpu.memory_space<vmem>>[vector<16xi32>, vector<16xi32>], vector<16xf32>,
      %mul3A_188 = arith.mulf %gather3A_187, %gather3A : vector<16xf32>
      tpu.vector_store_idx %arg13[%add3A_6, %convert_element_type3A_184], %mul3A_188 {add = true} : memref<64x256xf32, #tpu.memory_space<vmem>>[vector<16xi32>, vector<16xi32>], vector<16xf32>,
      %broadcast_in_dim3A_189 = arith.constant 1 : i32
      %broadcast_in_dim3A_190 = vector.broadcast %broadcast_in_dim3A_189 : i32 to vector<16xi32>
      %gather3A_191 = tpu.vector_load_idx %arg9[%add3A_182, %broadcast_in_dim3A_190] : memref<2048x8xf32, #tpu.memory_space<vmem>>[vector<16xi32>, vector<16xi32>], vector<16xf32>,
      %mul3A_192 = arith.mulf %gather3A_191, %gather3A : vector<16xf32>
      tpu.vector_store_idx %arg13[%add3A_9, %convert_element_type3A_184], %mul3A_192 {add = true} : memref<64x256xf32, #tpu.memory_space<vmem>>[vector<16xi32>, vector<16xi32>], vector<16xf32>,
      %broadcast_in_dim3A_193 = arith.constant 2 : i32
      %broadcast_in_dim3A_194 = vector.broadcast %broadcast_in_dim3A_193 : i32 to vector<16xi32>
      %gather3A_195 = tpu.vector_load_idx %arg9[%add3A_182, %broadcast_in_dim3A_194] : memref<2048x8xf32, #tpu.memory_space<vmem>>[vector<16xi32>, vector<16xi32>], vector<16xf32>,
      %mul3A_196 = arith.mulf %gather3A_195, %gather3A : vector<16xf32>
      tpu.vector_store_idx %arg13[%add3A_12, %convert_element_type3A_184], %mul3A_196 {add = true} : memref<64x256xf32, #tpu.memory_space<vmem>>[vector<16xi32>, vector<16xi32>], vector<16xf32>,
      %while3A_197 = arith.constant 0 : i32
      scf.yield %while3A_197 : i32
    }
    %mul3A_141 = arith.constant 3136 : i32
    %mul3A_142 = arith.muli %add3A, %mul3A_141 : i32
    %min3A_143 = arith.constant 96864 : i32
    %min3A_144 = arith.minsi %mul3A_142, %min3A_143 : i32
    %mul3A_145 = arith.constant 3136 : i32
    %mul3A_146 = arith.muli %add3A, %mul3A_145 : i32
    %sub3A_147 = arith.subi %mul3A_146, %min3A_144 : i32
    %jit3A = arith.constant 16 : i32
    %div3A = arith.divsi %sub3A_147, %jit3A : i32
    %sign3A = arith.constant 0 : i32
    %sign3A_148 = arith.cmpi sgt, %sub3A_147, %sign3A : i32
    %sign3A_149 = arith.extui %sign3A_148 : i1 to i32
    %sign3A_150 = arith.constant 0 : i32
    %sign3A_151 = arith.cmpi slt, %sub3A_147, %sign3A_150 : i32
    %sign3A_152 = arith.extui %sign3A_151 : i1 to i32
    %sign3A_153 = arith.subi %sign3A_149, %sign3A_152 : i32
    %sign3A_154 = arith.constant 0 : i32
    %sign3A_155 = arith.cmpi sgt, %jit3A, %sign3A_154 : i32
    %sign3A_156 = arith.extui %sign3A_155 : i1 to i32
    %sign3A_157 = arith.constant 0 : i32
    %sign3A_158 = arith.cmpi slt, %jit3A, %sign3A_157 : i32
    %sign3A_159 = arith.extui %sign3A_158 : i1 to i32
    %sign3A_160 = arith.subi %sign3A_156, %sign3A_159 : i32
    %ne3A = arith.cmpi ne, %sign3A_153, %sign3A_160 : i32
    %rem3A = arith.remsi %sub3A_147, %jit3A : i32
    %ne3A_161 = arith.constant 0 : i32
    %ne3A_162 = arith.cmpi ne, %rem3A, %ne3A_161 : i32
    %and3A = arith.andi %ne3A, %ne3A_162 : i1
    %sub3A_163 = arith.constant 1 : i32
    %sub3A_164 = arith.subi %div3A, %sub3A_163 : i32
    %select_n3A = arith.select %and3A, %sub3A_164, %div3A : i32
    "tpu.region"() ({
      %run_scoped3A = tpu.sem_alloc : memref<!tpu.dma_semaphore, #tpu.memory_space<semaphore_mem>>
      %dma_start3A = arith.constant 0 : i32
      %dma_start3A_177 = tpu.memref_slice %arg2[%min3A_144, %dma_start3A] : memref<100000x8xf32, #tpu.memory_space<hbm>> -> memref<3136x8xf32, #tpu.memory_space<hbm>>
      %dma_start3A_178 = arith.constant 0 : i32
      %dma_start3A_179 = tpu.memref_slice %arg2[%min3A_144, %dma_start3A_178] : memref<100000x8xf32, #tpu.memory_space<hbm>> -> memref<3136x8xf32, #tpu.memory_space<hbm>>
      tpu.enqueue_dma source(%dma_start3A_179 : memref<3136x8xf32, #tpu.memory_space<hbm>>) target(%arg14 : memref<3136x8xf32, #tpu.memory_space<vmem>>) target_semaphore(%run_scoped3A : memref<!tpu.dma_semaphore, #tpu.memory_space<semaphore_mem>>)
      %dma_wait3A = arith.constant 0 : i32
      %dma_wait3A_180 = tpu.memref_slice %arg2[%min3A_144, %dma_wait3A] : memref<100000x8xf32, #tpu.memory_space<hbm>> -> memref<3136x8xf32, #tpu.memory_space<hbm>>
      %dma_wait3A_181 = arith.constant 0 : i32
      %dma_wait3A_182 = tpu.memref_slice %arg2[%min3A_144, %dma_wait3A_181] : memref<100000x8xf32, #tpu.memory_space<hbm>> -> memref<3136x8xf32, #tpu.memory_space<hbm>>
      tpu.wait_dma2 semaphore(%run_scoped3A : memref<!tpu.dma_semaphore, #tpu.memory_space<semaphore_mem>>) src(%dma_wait3A_182 : memref<3136x8xf32, #tpu.memory_space<hbm>>) dst(%arg14 : memref<3136x8xf32, #tpu.memory_space<vmem>>)
      tpu.yield
    }) : () -> ()
    %while3A_165 = arith.constant 196 : i32
    %while3A_166 = arith.constant 0 : i32
    %while3A_167 = arith.subi %while3A_165, %select_n3A : i32
    %while3A_168 = arith.addi %select_n3A, %while3A_167 : i32
    %while3A_169 = arith.constant 1 : i32
    %while3A_170 = arith.divsi %while3A_167, %while3A_169 : i32
    %while3A_171 = arith.muli %while3A_170, %while3A_169 : i32
    %while3A_172 = arith.addi %select_n3A, %while3A_171 : i32
    %while3A_173 = arith.constant 1 : i32
    %while3A_174 = scf.for %while3A_177 = %select_n3A to %while3A_172 step %while3A_173 iter_args(%while3A_178 = %while3A_166) -> (i32)  : i32 {
      %mul3A_179 = arith.constant 16 : i32
      %mul3A_180 = arith.muli %while3A_177, %mul3A_179 : i32
      %add3A_181 = vector.broadcast %mul3A_180 : i32 to vector<16xi32>
      %add3A_182 = arith.addi %iota3A, %add3A_181 : vector<16xi32>
      %gather3A = tpu.vector_load_idx %arg14[%add3A_182, %broadcast_in_dim3A_1] : memref<3136x8xf32, #tpu.memory_space<vmem>>[vector<16xi32>, vector<16xi32>], vector<16xf32>,
      %gather3A_183 = tpu.vector_load_idx %arg14[%add3A_182, %broadcast_in_dim3A_3] : memref<3136x8xf32, #tpu.memory_space<vmem>>[vector<16xi32>, vector<16xi32>], vector<16xf32>,
      %convert_element_type3A_184 = arith.fptosi %gather3A_183 : vector<16xf32> to vector<16xi32>
      %broadcast_in_dim3A_185 = arith.constant 0 : i32
      %broadcast_in_dim3A_186 = vector.broadcast %broadcast_in_dim3A_185 : i32 to vector<16xi32>
      %gather3A_187 = tpu.vector_load_idx %arg14[%add3A_182, %broadcast_in_dim3A_186] : memref<3136x8xf32, #tpu.memory_space<vmem>>[vector<16xi32>, vector<16xi32>], vector<16xf32>,
      %mul3A_188 = arith.mulf %gather3A_187, %gather3A : vector<16xf32>
      tpu.vector_store_idx %arg13[%add3A_6, %convert_element_type3A_184], %mul3A_188 {add = true} : memref<64x256xf32, #tpu.memory_space<vmem>>[vector<16xi32>, vector<16xi32>], vector<16xf32>,
      %broadcast_in_dim3A_189 = arith.constant 1 : i32
      %broadcast_in_dim3A_190 = vector.broadcast %broadcast_in_dim3A_189 : i32 to vector<16xi32>
      %gather3A_191 = tpu.vector_load_idx %arg14[%add3A_182, %broadcast_in_dim3A_190] : memref<3136x8xf32, #tpu.memory_space<vmem>>[vector<16xi32>, vector<16xi32>], vector<16xf32>,
      %mul3A_192 = arith.mulf %gather3A_191, %gather3A : vector<16xf32>
      tpu.vector_store_idx %arg13[%add3A_9, %convert_element_type3A_184], %mul3A_192 {add = true} : memref<64x256xf32, #tpu.memory_space<vmem>>[vector<16xi32>, vector<16xi32>], vector<16xf32>,
      %broadcast_in_dim3A_193 = arith.constant 2 : i32
      %broadcast_in_dim3A_194 = vector.broadcast %broadcast_in_dim3A_193 : i32 to vector<16xi32>
      %gather3A_195 = tpu.vector_load_idx %arg14[%add3A_182, %broadcast_in_dim3A_194] : memref<3136x8xf32, #tpu.memory_space<vmem>>[vector<16xi32>, vector<16xi32>], vector<16xf32>,
      %mul3A_196 = arith.mulf %gather3A_195, %gather3A : vector<16xf32>
      tpu.vector_store_idx %arg13[%add3A_12, %convert_element_type3A_184], %mul3A_196 {add = true} : memref<64x256xf32, #tpu.memory_space<vmem>>[vector<16xi32>, vector<16xi32>], vector<16xf32>,
      tpu.vector_store_idx %arg13[%add3A_15, %convert_element_type3A_184], %broadcast_in_dim3A_17 {add = true} : memref<64x256xf32, #tpu.memory_space<vmem>>[vector<16xi32>, vector<16xi32>], vector<16xf32>,
      %while3A_197 = arith.constant 0 : i32
      scf.yield %while3A_197 : i32
    }
    %while3A_175 = arith.constant 1 : i32
    %while3A_176 = scf.for %while3A_177 = %while3A_172 to %while3A_168 step %while3A_175 iter_args(%while3A_178 = %while3A_174) -> (i32)  : i32 {
      %mul3A_179 = arith.constant 16 : i32
      %mul3A_180 = arith.muli %while3A_177, %mul3A_179 : i32
      %add3A_181 = vector.broadcast %mul3A_180 : i32 to vector<16xi32>
      %add3A_182 = arith.addi %iota3A, %add3A_181 : vector<16xi32>
      %gather3A = tpu.vector_load_idx %arg14[%add3A_182, %broadcast_in_dim3A_1] : memref<3136x8xf32, #tpu.memory_space<vmem>>[vector<16xi32>, vector<16xi32>], vector<16xf32>,
      %gather3A_183 = tpu.vector_load_idx %arg14[%add3A_182, %broadcast_in_dim3A_3] : memref<3136x8xf32, #tpu.memory_space<vmem>>[vector<16xi32>, vector<16xi32>], vector<16xf32>,
      %convert_element_type3A_184 = arith.fptosi %gather3A_183 : vector<16xf32> to vector<16xi32>
      %broadcast_in_dim3A_185 = arith.constant 0 : i32
      %broadcast_in_dim3A_186 = vector.broadcast %broadcast_in_dim3A_185 : i32 to vector<16xi32>
      %gather3A_187 = tpu.vector_load_idx %arg14[%add3A_182, %broadcast_in_dim3A_186] : memref<3136x8xf32, #tpu.memory_space<vmem>>[vector<16xi32>, vector<16xi32>], vector<16xf32>,
      %mul3A_188 = arith.mulf %gather3A_187, %gather3A : vector<16xf32>
      tpu.vector_store_idx %arg13[%add3A_6, %convert_element_type3A_184], %mul3A_188 {add = true} : memref<64x256xf32, #tpu.memory_space<vmem>>[vector<16xi32>, vector<16xi32>], vector<16xf32>,
      %broadcast_in_dim3A_189 = arith.constant 1 : i32
      %broadcast_in_dim3A_190 = vector.broadcast %broadcast_in_dim3A_189 : i32 to vector<16xi32>
      %gather3A_191 = tpu.vector_load_idx %arg14[%add3A_182, %broadcast_in_dim3A_190] : memref<3136x8xf32, #tpu.memory_space<vmem>>[vector<16xi32>, vector<16xi32>], vector<16xf32>,
      %mul3A_192 = arith.mulf %gather3A_191, %gather3A : vector<16xf32>
      tpu.vector_store_idx %arg13[%add3A_9, %convert_element_type3A_184], %mul3A_192 {add = true} : memref<64x256xf32, #tpu.memory_space<vmem>>[vector<16xi32>, vector<16xi32>], vector<16xf32>,
      %broadcast_in_dim3A_193 = arith.constant 2 : i32
      %broadcast_in_dim3A_194 = vector.broadcast %broadcast_in_dim3A_193 : i32 to vector<16xi32>
      %gather3A_195 = tpu.vector_load_idx %arg14[%add3A_182, %broadcast_in_dim3A_194] : memref<3136x8xf32, #tpu.memory_space<vmem>>[vector<16xi32>, vector<16xi32>], vector<16xf32>,
      %mul3A_196 = arith.mulf %gather3A_195, %gather3A : vector<16xf32>
      tpu.vector_store_idx %arg13[%add3A_12, %convert_element_type3A_184], %mul3A_196 {add = true} : memref<64x256xf32, #tpu.memory_space<vmem>>[vector<16xi32>, vector<16xi32>], vector<16xf32>,
      tpu.vector_store_idx %arg13[%add3A_15, %convert_element_type3A_184], %broadcast_in_dim3A_17 {add = true} : memref<64x256xf32, #tpu.memory_space<vmem>>[vector<16xi32>, vector<16xi32>], vector<16xf32>,
      %while3A_197 = arith.constant 0 : i32
      scf.yield %while3A_197 : i32
    }
    "tpu.region"() ({
      %run_scoped3A = tpu.sem_alloc : memref<!tpu.dma_semaphore, #tpu.memory_space<semaphore_mem>>
      %dma_start3A = arith.constant 0 : i32
      %dma_start3A_177 = arith.constant 0 : i32
      %dma_start3A_178 = tpu.memref_slice %arg4[%add3A, %dma_start3A, %dma_start3A_177] : memref<32x64x256xf32, #tpu.memory_space<hbm>> -> memref<1x64x256xf32, #tpu.memory_space<hbm>>
      %dma_start3A_179 = tpu.memref_squeeze %dma_start3A_178 : memref<1x64x256xf32, #tpu.memory_space<hbm>> -> memref<64x256xf32, #tpu.memory_space<hbm>>
      %dma_start3A_180 = arith.constant 0 : i32
      %dma_start3A_181 = arith.constant 0 : i32
      %dma_start3A_182 = tpu.memref_slice %arg4[%add3A, %dma_start3A_180, %dma_start3A_181] : memref<32x64x256xf32, #tpu.memory_space<hbm>> -> memref<1x64x256xf32, #tpu.memory_space<hbm>>
      %dma_start3A_183 = tpu.memref_squeeze %dma_start3A_182 : memref<1x64x256xf32, #tpu.memory_space<hbm>> -> memref<64x256xf32, #tpu.memory_space<hbm>>
      tpu.enqueue_dma source(%arg13 : memref<64x256xf32, #tpu.memory_space<vmem>>) target(%dma_start3A_183 : memref<64x256xf32, #tpu.memory_space<hbm>>) target_semaphore(%run_scoped3A : memref<!tpu.dma_semaphore, #tpu.memory_space<semaphore_mem>>)
      %dma_wait3A = arith.constant 0 : i32
      %dma_wait3A_184 = arith.constant 0 : i32
      %dma_wait3A_185 = tpu.memref_slice %arg4[%add3A, %dma_wait3A, %dma_wait3A_184] : memref<32x64x256xf32, #tpu.memory_space<hbm>> -> memref<1x64x256xf32, #tpu.memory_space<hbm>>
      %dma_wait3A_186 = tpu.memref_squeeze %dma_wait3A_185 : memref<1x64x256xf32, #tpu.memory_space<hbm>> -> memref<64x256xf32, #tpu.memory_space<hbm>>
      %dma_wait3A_187 = arith.constant 0 : i32
      %dma_wait3A_188 = arith.constant 0 : i32
      %dma_wait3A_189 = tpu.memref_slice %arg4[%add3A, %dma_wait3A_187, %dma_wait3A_188] : memref<32x64x256xf32, #tpu.memory_space<hbm>> -> memref<1x64x256xf32, #tpu.memory_space<hbm>>
      %dma_wait3A_190 = tpu.memref_squeeze %dma_wait3A_189 : memref<1x64x256xf32, #tpu.memory_space<hbm>> -> memref<64x256xf32, #tpu.memory_space<hbm>>
      tpu.wait_dma2 semaphore(%run_scoped3A : memref<!tpu.dma_semaphore, #tpu.memory_space<semaphore_mem>>) src(%arg13 : memref<64x256xf32, #tpu.memory_space<vmem>>) dst(%dma_wait3A_190 : memref<64x256xf32, #tpu.memory_space<hbm>>)
      tpu.yield
    }) : () -> ()
    return
  }
}

#map = affine_map<(d0, d1) -> (0, 0)>
#map1 = affine_map<(d0, d1) -> (0)>
module attributes {stable_mosaic.version = 14 : i64} {
  func.func @_deg_kernel(%arg0: i32, %arg1: i32, %arg2: memref<50000x128xi32, #tpu.memory_space<hbm>>, %arg3: memref<200192xf32, #tpu.memory_space<hbm>>, %arg4: memref<16x128xi32, #tpu.memory_space<vmem>>, %arg5: memref<16x128xi32, #tpu.memory_space<vmem>>, %arg6: memref<128xf32, #tpu.memory_space<vmem>>, %arg7: memref<6256xf32, #tpu.memory_space<vmem>>, %arg8: memref<100096xf32, #tpu.memory_space<vmem_shared>>, %arg9: memref<!tpu.dma_semaphore, #tpu.memory_space<semaphore_mem>>, %arg10: memref<!tpu.dma_semaphore, #tpu.memory_space<semaphore_mem>>) attributes {dimension_semantics = [#tpu.dimension_semantics<core_parallel>, #tpu.dimension_semantics<subcore_parallel>], iteration_bounds = array<i64: 2, 16>, scalar_prefetch = 0 : i64, scratch_operands = 7 : i64, tpu.core_type = #tpu.core_type<sc_vector_subcore>, window_params = [{transform_indices = #map}, {transform_indices = #map1}]} {
    %scan3A = arith.constant 0 : i32
    %scan3A_0 = arith.constant 0 : i32
    %scan3A_1 = arith.constant 391 : i32
    %scan3A_2 = arith.addi %scan3A_0, %scan3A_1 : i32
    %scan3A_3 = arith.constant 1 : i32
    %scan3A_4 = scf.for %scan3A_150 = %scan3A_0 to %scan3A_2 step %scan3A_3 iter_args(%scan3A_151 = %scan3A) -> (i32)  : i32 {
      %broadcast_in_dim3A_152 = arith.constant 0.000000e+00 : f32
      %broadcast_in_dim3A_153 = vector.broadcast %broadcast_in_dim3A_152 : f32 to vector<16xf32>
      %mul3A_154 = arith.constant 16 : i32
      %mul3A_155 = arith.muli %scan3A_150, %mul3A_154 : i32
      %swap3A_156 = arith.index_cast %mul3A_155 : i32 to index
      %swap3A_157 = tpu.vector_load %arg7[%swap3A_156] {strides = array<i32>} : memref<6256xf32, #tpu.memory_space<vmem>>, vector<16xf32>,
      tpu.vector_store %arg7[%swap3A_156], %broadcast_in_dim3A_153 {strides = array<i32>} : memref<6256xf32, #tpu.memory_space<vmem>>, vector<16xf32>,
      %scan3A_158 = arith.constant 0 : i32
      scf.yield %scan3A_158 : i32
    }
    %scan3A_5 = arith.constant 391 : i32
    %broadcast_in_dim3A = arith.constant 1.000000e+00 : f32
    %broadcast_in_dim3A_6 = vector.broadcast %broadcast_in_dim3A : f32 to vector<16xf32>
    %swap3A = arith.constant 0 : index
    %swap3A_7 = tpu.vector_load %arg6[%swap3A] {strides = array<i32>} : memref<128xf32, #tpu.memory_space<vmem>>, vector<16xf32>,
    tpu.vector_store %arg6[%swap3A], %broadcast_in_dim3A_6 {strides = array<i32>} : memref<128xf32, #tpu.memory_space<vmem>>, vector<16xf32>,
    %broadcast_in_dim3A_8 = arith.constant 1.000000e+00 : f32
    %broadcast_in_dim3A_9 = vector.broadcast %broadcast_in_dim3A_8 : f32 to vector<16xf32>
    %swap3A_10 = arith.constant 16 : index
    %swap3A_11 = tpu.vector_load %arg6[%swap3A_10] {strides = array<i32>} : memref<128xf32, #tpu.memory_space<vmem>>, vector<16xf32>,
    tpu.vector_store %arg6[%swap3A_10], %broadcast_in_dim3A_9 {strides = array<i32>} : memref<128xf32, #tpu.memory_space<vmem>>, vector<16xf32>,
    %broadcast_in_dim3A_12 = arith.constant 1.000000e+00 : f32
    %broadcast_in_dim3A_13 = vector.broadcast %broadcast_in_dim3A_12 : f32 to vector<16xf32>
    %swap3A_14 = arith.constant 32 : index
    %swap3A_15 = tpu.vector_load %arg6[%swap3A_14] {strides = array<i32>} : memref<128xf32, #tpu.memory_space<vmem>>, vector<16xf32>,
    tpu.vector_store %arg6[%swap3A_14], %broadcast_in_dim3A_13 {strides = array<i32>} : memref<128xf32, #tpu.memory_space<vmem>>, vector<16xf32>,
    %broadcast_in_dim3A_16 = arith.constant 1.000000e+00 : f32
    %broadcast_in_dim3A_17 = vector.broadcast %broadcast_in_dim3A_16 : f32 to vector<16xf32>
    %swap3A_18 = arith.constant 48 : index
    %swap3A_19 = tpu.vector_load %arg6[%swap3A_18] {strides = array<i32>} : memref<128xf32, #tpu.memory_space<vmem>>, vector<16xf32>,
    tpu.vector_store %arg6[%swap3A_18], %broadcast_in_dim3A_17 {strides = array<i32>} : memref<128xf32, #tpu.memory_space<vmem>>, vector<16xf32>,
    %broadcast_in_dim3A_20 = arith.constant 1.000000e+00 : f32
    %broadcast_in_dim3A_21 = vector.broadcast %broadcast_in_dim3A_20 : f32 to vector<16xf32>
    %swap3A_22 = arith.constant 64 : index
    %swap3A_23 = tpu.vector_load %arg6[%swap3A_22] {strides = array<i32>} : memref<128xf32, #tpu.memory_space<vmem>>, vector<16xf32>,
    tpu.vector_store %arg6[%swap3A_22], %broadcast_in_dim3A_21 {strides = array<i32>} : memref<128xf32, #tpu.memory_space<vmem>>, vector<16xf32>,
    %broadcast_in_dim3A_24 = arith.constant 1.000000e+00 : f32
    %broadcast_in_dim3A_25 = vector.broadcast %broadcast_in_dim3A_24 : f32 to vector<16xf32>
    %swap3A_26 = arith.constant 80 : index
    %swap3A_27 = tpu.vector_load %arg6[%swap3A_26] {strides = array<i32>} : memref<128xf32, #tpu.memory_space<vmem>>, vector<16xf32>,
    tpu.vector_store %arg6[%swap3A_26], %broadcast_in_dim3A_25 {strides = array<i32>} : memref<128xf32, #tpu.memory_space<vmem>>, vector<16xf32>,
    %broadcast_in_dim3A_28 = arith.constant 1.000000e+00 : f32
    %broadcast_in_dim3A_29 = vector.broadcast %broadcast_in_dim3A_28 : f32 to vector<16xf32>
    %swap3A_30 = arith.constant 96 : index
    %swap3A_31 = tpu.vector_load %arg6[%swap3A_30] {strides = array<i32>} : memref<128xf32, #tpu.memory_space<vmem>>, vector<16xf32>,
    tpu.vector_store %arg6[%swap3A_30], %broadcast_in_dim3A_29 {strides = array<i32>} : memref<128xf32, #tpu.memory_space<vmem>>, vector<16xf32>,
    %broadcast_in_dim3A_32 = arith.constant 1.000000e+00 : f32
    %broadcast_in_dim3A_33 = vector.broadcast %broadcast_in_dim3A_32 : f32 to vector<16xf32>
    %swap3A_34 = arith.constant 112 : index
    %swap3A_35 = tpu.vector_load %arg6[%swap3A_34] {strides = array<i32>} : memref<128xf32, #tpu.memory_space<vmem>>, vector<16xf32>,
    tpu.vector_store %arg6[%swap3A_34], %broadcast_in_dim3A_33 {strides = array<i32>} : memref<128xf32, #tpu.memory_space<vmem>>, vector<16xf32>,
    %mul3A = arith.constant 6256 : i32
    %mul3A_36 = arith.muli %arg1, %mul3A : i32
    "tpu.region"() ({
      %run_scoped3A = tpu.sem_alloc : memref<!tpu.dma_semaphore, #tpu.memory_space<semaphore_mem>>
      %dma_start3A = tpu.memref_slice %arg8[%mul3A_36] : memref<100096xf32, #tpu.memory_space<vmem_shared>> -> memref<6256xf32, #tpu.memory_space<vmem_shared>>
      %dma_start3A_150 = tpu.memref_slice %arg8[%mul3A_36] : memref<100096xf32, #tpu.memory_space<vmem_shared>> -> memref<6256xf32, #tpu.memory_space<vmem_shared>>
      tpu.enqueue_dma source(%arg7 : memref<6256xf32, #tpu.memory_space<vmem>>) target(%dma_start3A_150 : memref<6256xf32, #tpu.memory_space<vmem_shared>>) target_semaphore(%run_scoped3A : memref<!tpu.dma_semaphore, #tpu.memory_space<semaphore_mem>>)
      %dma_wait3A = tpu.memref_slice %arg8[%mul3A_36] : memref<100096xf32, #tpu.memory_space<vmem_shared>> -> memref<6256xf32, #tpu.memory_space<vmem_shared>>
      %dma_wait3A_151 = tpu.memref_slice %arg8[%mul3A_36] : memref<100096xf32, #tpu.memory_space<vmem_shared>> -> memref<6256xf32, #tpu.memory_space<vmem_shared>>
      tpu.wait_dma2 semaphore(%run_scoped3A : memref<!tpu.dma_semaphore, #tpu.memory_space<semaphore_mem>>) src(%arg7 : memref<6256xf32, #tpu.memory_space<vmem>>) dst(%dma_wait3A_151 : memref<6256xf32, #tpu.memory_space<vmem_shared>>)
      tpu.yield
    }) : () -> ()
    %barrier3A = arith.constant 0 : index
    tpu.barrier barrier_id(%barrier3A)
    %add3A = arith.constant 10 : i32
    %add3A_37 = arith.addi %add3A, %arg0 : i32
    %mul3A_38 = arith.constant 1562 : i32
    %mul3A_39 = arith.muli %arg0, %mul3A_38 : i32
    %mul3A_40 = arith.constant 97 : i32
    %mul3A_41 = arith.muli %arg1, %mul3A_40 : i32
    %add3A_42 = arith.addi %mul3A_39, %mul3A_41 : i32
    %min3A = arith.minsi %arg1, %add3A_37 : i32
    %add3A_43 = arith.addi %add3A_42, %min3A : i32
    %lt3A = arith.cmpi slt, %arg1, %add3A_37 : i32
    %convert_element_type3A = arith.extui %lt3A : i1 to i32
    %add3A_44 = arith.constant 97 : i32
    %add3A_45 = arith.addi %add3A_44, %convert_element_type3A : i32
    %mul3A_46 = arith.constant 0 : i32
    %mul3A_47 = arith.constant 2 : i32
    %mul3A_48 = arith.muli %mul3A_46, %mul3A_47 : i32
    %add3A_49 = arith.addi %add3A_43, %mul3A_48 : i32
    %add3A_50 = arith.addi %add3A_43, %add3A_45 : i32
    %sub3A = arith.constant 2 : i32
    %sub3A_51 = arith.subi %add3A_50, %sub3A : i32
    %min3A_52 = arith.minsi %add3A_49, %sub3A_51 : i32
    %mul3A_53 = arith.constant 0 : i32
    %mul3A_54 = arith.constant 2 : i32
    %mul3A_55 = arith.muli %mul3A_53, %mul3A_54 : i32
    %add3A_56 = arith.addi %add3A_43, %mul3A_55 : i32
    %sub3A_57 = arith.subi %add3A_56, %min3A_52 : i32
    %mul3A_58 = arith.constant 8 : i32
    %mul3A_59 = arith.muli %sub3A_57, %mul3A_58 : i32
    %mul3A_60 = arith.constant 8 : i32
    %mul3A_61 = arith.muli %min3A_52, %mul3A_60 : i32
    %add3A_62 = arith.constant 25000 : i32
    %add3A_63 = arith.addi %add3A_62, %mul3A_61 : i32
    "tpu.region"() ({
      %run_scoped3A = tpu.sem_alloc : memref<!tpu.dma_semaphore, #tpu.memory_space<semaphore_mem>>
      %dma_start3A = arith.constant 0 : i32
      %dma_start3A_150 = tpu.memref_slice %arg2[%add3A_63, %dma_start3A] : memref<50000x128xi32, #tpu.memory_space<hbm>> -> memref<16x128xi32, #tpu.memory_space<hbm>>
      %dma_start3A_151 = arith.constant 0 : i32
      %dma_start3A_152 = tpu.memref_slice %arg2[%add3A_63, %dma_start3A_151] : memref<50000x128xi32, #tpu.memory_space<hbm>> -> memref<16x128xi32, #tpu.memory_space<hbm>>
      tpu.enqueue_dma source(%dma_start3A_152 : memref<16x128xi32, #tpu.memory_space<hbm>>) target(%arg4 : memref<16x128xi32, #tpu.memory_space<vmem>>) target_semaphore(%run_scoped3A : memref<!tpu.dma_semaphore, #tpu.memory_space<semaphore_mem>>)
      %dma_wait3A = arith.constant 0 : i32
      %dma_wait3A_153 = tpu.memref_slice %arg2[%add3A_63, %dma_wait3A] : memref<50000x128xi32, #tpu.memory_space<hbm>> -> memref<16x128xi32, #tpu.memory_space<hbm>>
      %dma_wait3A_154 = arith.constant 0 : i32
      %dma_wait3A_155 = tpu.memref_slice %arg2[%add3A_63, %dma_wait3A_154] : memref<50000x128xi32, #tpu.memory_space<hbm>> -> memref<16x128xi32, #tpu.memory_space<hbm>>
      tpu.wait_dma2 semaphore(%run_scoped3A : memref<!tpu.dma_semaphore, #tpu.memory_space<semaphore_mem>>) src(%dma_wait3A_155 : memref<16x128xi32, #tpu.memory_space<hbm>>) dst(%arg4 : memref<16x128xi32, #tpu.memory_space<vmem>>)
      tpu.yield
    }) : () -> ()
    %while3A = arith.constant 16 : i32
    %while3A_64 = arith.constant 0 : i32
    %while3A_65 = arith.subi %while3A, %mul3A_59 : i32
    %while3A_66 = arith.addi %mul3A_59, %while3A_65 : i32
    %while3A_67 = arith.constant 1 : i32
    %while3A_68 = arith.divsi %while3A_65, %while3A_67 : i32
    %while3A_69 = arith.muli %while3A_68, %while3A_67 : i32
    %while3A_70 = arith.addi %mul3A_59, %while3A_69 : i32
    %while3A_71 = arith.constant 1 : i32
    %while3A_72 = scf.for %while3A_150 = %mul3A_59 to %while3A_70 step %while3A_71 iter_args(%while3A_151 = %while3A_64) -> (i32)  : i32 {
      %dma_start3A = arith.constant 0 : i32
      %dma_start3A_152 = tpu.memref_slice %arg4[%while3A_150, %dma_start3A] : memref<16x128xi32, #tpu.memory_space<vmem>> -> memref<1x128xi32, #tpu.memory_space<vmem>>
      %dma_start3A_153 = tpu.memref_squeeze %dma_start3A_152 : memref<1x128xi32, #tpu.memory_space<vmem>> -> memref<128xi32, #tpu.memory_space<vmem>>
      %dma_start3A_154 = arith.constant 0 : i32
      %dma_start3A_155 = tpu.memref_slice %arg8[%dma_start3A_154] : memref<100096xf32, #tpu.memory_space<vmem_shared>> -> memref<100096xf32, #tpu.memory_space<vmem_shared>>
      tpu.enqueue_indirect_dma source(%arg6 : memref<128xf32, #tpu.memory_space<vmem>>) target(%dma_start3A_155 : memref<100096xf32, #tpu.memory_space<vmem_shared>>) offsets(%dma_start3A_153 : memref<128xi32, #tpu.memory_space<vmem>>) semaphore(%arg9 : memref<!tpu.dma_semaphore, #tpu.memory_space<semaphore_mem>>) {add = true}
      %while3A_156 = arith.constant 0 : i32
      scf.yield %while3A_156 : i32
    }
    %while3A_73 = arith.constant 1 : i32
    %while3A_74 = scf.for %while3A_150 = %while3A_70 to %while3A_66 step %while3A_73 iter_args(%while3A_151 = %while3A_72) -> (i32)  : i32 {
      %dma_start3A = arith.constant 0 : i32
      %dma_start3A_152 = tpu.memref_slice %arg4[%while3A_150, %dma_start3A] : memref<16x128xi32, #tpu.memory_space<vmem>> -> memref<1x128xi32, #tpu.memory_space<vmem>>
      %dma_start3A_153 = tpu.memref_squeeze %dma_start3A_152 : memref<1x128xi32, #tpu.memory_space<vmem>> -> memref<128xi32, #tpu.memory_space<vmem>>
      %dma_start3A_154 = arith.constant 0 : i32
      %dma_start3A_155 = tpu.memref_slice %arg8[%dma_start3A_154] : memref<100096xf32, #tpu.memory_space<vmem_shared>> -> memref<100096xf32, #tpu.memory_space<vmem_shared>>
      tpu.enqueue_indirect_dma source(%arg6 : memref<128xf32, #tpu.memory_space<vmem>>) target(%dma_start3A_155 : memref<100096xf32, #tpu.memory_space<vmem_shared>>) offsets(%dma_start3A_153 : memref<128xi32, #tpu.memory_space<vmem>>) semaphore(%arg9 : memref<!tpu.dma_semaphore, #tpu.memory_space<semaphore_mem>>) {add = true}
      %while3A_156 = arith.constant 0 : i32
      scf.yield %while3A_156 : i32
    }
    %mul3A_75 = arith.constant 1 : i32
    %mul3A_76 = arith.constant 2 : i32
    %mul3A_77 = arith.muli %mul3A_75, %mul3A_76 : i32
    %add3A_78 = arith.addi %add3A_43, %mul3A_77 : i32
    %add3A_79 = arith.addi %add3A_43, %add3A_45 : i32
    %sub3A_80 = arith.constant 2 : i32
    %sub3A_81 = arith.subi %add3A_79, %sub3A_80 : i32
    %min3A_82 = arith.minsi %add3A_78, %sub3A_81 : i32
    %mul3A_83 = arith.constant 1 : i32
    %mul3A_84 = arith.constant 2 : i32
    %mul3A_85 = arith.muli %mul3A_83, %mul3A_84 : i32
    %add3A_86 = arith.addi %add3A_43, %mul3A_85 : i32
    %sub3A_87 = arith.subi %add3A_86, %min3A_82 : i32
    %mul3A_88 = arith.constant 8 : i32
    %mul3A_89 = arith.muli %sub3A_87, %mul3A_88 : i32
    %mul3A_90 = arith.constant 8 : i32
    %mul3A_91 = arith.muli %min3A_82, %mul3A_90 : i32
    %add3A_92 = arith.constant 25000 : i32
    %add3A_93 = arith.addi %add3A_92, %mul3A_91 : i32
    "tpu.region"() ({
      %run_scoped3A = tpu.sem_alloc : memref<!tpu.dma_semaphore, #tpu.memory_space<semaphore_mem>>
      %dma_start3A = arith.constant 0 : i32
      %dma_start3A_150 = tpu.memref_slice %arg2[%add3A_93, %dma_start3A] : memref<50000x128xi32, #tpu.memory_space<hbm>> -> memref<16x128xi32, #tpu.memory_space<hbm>>
      %dma_start3A_151 = arith.constant 0 : i32
      %dma_start3A_152 = tpu.memref_slice %arg2[%add3A_93, %dma_start3A_151] : memref<50000x128xi32, #tpu.memory_space<hbm>> -> memref<16x128xi32, #tpu.memory_space<hbm>>
      tpu.enqueue_dma source(%dma_start3A_152 : memref<16x128xi32, #tpu.memory_space<hbm>>) target(%arg5 : memref<16x128xi32, #tpu.memory_space<vmem>>) target_semaphore(%run_scoped3A : memref<!tpu.dma_semaphore, #tpu.memory_space<semaphore_mem>>)
      %dma_wait3A = arith.constant 0 : i32
      %dma_wait3A_153 = tpu.memref_slice %arg2[%add3A_93, %dma_wait3A] : memref<50000x128xi32, #tpu.memory_space<hbm>> -> memref<16x128xi32, #tpu.memory_space<hbm>>
      %dma_wait3A_154 = arith.constant 0 : i32
      %dma_wait3A_155 = tpu.memref_slice %arg2[%add3A_93, %dma_wait3A_154] : memref<50000x128xi32, #tpu.memory_space<hbm>> -> memref<16x128xi32, #tpu.memory_space<hbm>>
      tpu.wait_dma2 semaphore(%run_scoped3A : memref<!tpu.dma_semaphore, #tpu.memory_space<semaphore_mem>>) src(%dma_wait3A_155 : memref<16x128xi32, #tpu.memory_space<hbm>>) dst(%arg5 : memref<16x128xi32, #tpu.memory_space<vmem>>)
      tpu.yield
    }) : () -> ()
    %while3A_94 = arith.constant 16 : i32
    %while3A_95 = arith.constant 0 : i32
    %while3A_96 = arith.subi %while3A_94, %mul3A_89 : i32
    %while3A_97 = arith.addi %mul3A_89, %while3A_96 : i32
    %while3A_98 = arith.constant 1 : i32
    %while3A_99 = arith.divsi %while3A_96, %while3A_98 : i32
    %while3A_100 = arith.muli %while3A_99, %while3A_98 : i32
    %while3A_101 = arith.addi %mul3A_89, %while3A_100 : i32
    %while3A_102 = arith.constant 1 : i32
    %while3A_103 = scf.for %while3A_150 = %mul3A_89 to %while3A_101 step %while3A_102 iter_args(%while3A_151 = %while3A_95) -> (i32)  : i32 {
      %dma_start3A = arith.constant 0 : i32
      %dma_start3A_152 = tpu.memref_slice %arg5[%while3A_150, %dma_start3A] : memref<16x128xi32, #tpu.memory_space<vmem>> -> memref<1x128xi32, #tpu.memory_space<vmem>>
      %dma_start3A_153 = tpu.memref_squeeze %dma_start3A_152 : memref<1x128xi32, #tpu.memory_space<vmem>> -> memref<128xi32, #tpu.memory_space<vmem>>
      %dma_start3A_154 = arith.constant 0 : i32
      %dma_start3A_155 = tpu.memref_slice %arg8[%dma_start3A_154] : memref<100096xf32, #tpu.memory_space<vmem_shared>> -> memref<100096xf32, #tpu.memory_space<vmem_shared>>
      tpu.enqueue_indirect_dma source(%arg6 : memref<128xf32, #tpu.memory_space<vmem>>) target(%dma_start3A_155 : memref<100096xf32, #tpu.memory_space<vmem_shared>>) offsets(%dma_start3A_153 : memref<128xi32, #tpu.memory_space<vmem>>) semaphore(%arg10 : memref<!tpu.dma_semaphore, #tpu.memory_space<semaphore_mem>>) {add = true}
      %while3A_156 = arith.constant 0 : i32
      scf.yield %while3A_156 : i32
    }
    %while3A_104 = arith.constant 1 : i32
    %while3A_105 = scf.for %while3A_150 = %while3A_101 to %while3A_97 step %while3A_104 iter_args(%while3A_151 = %while3A_103) -> (i32)  : i32 {
      %dma_start3A = arith.constant 0 : i32
      %dma_start3A_152 = tpu.memref_slice %arg5[%while3A_150, %dma_start3A] : memref<16x128xi32, #tpu.memory_space<vmem>> -> memref<1x128xi32, #tpu.memory_space<vmem>>
      %dma_start3A_153 = tpu.memref_squeeze %dma_start3A_152 : memref<1x128xi32, #tpu.memory_space<vmem>> -> memref<128xi32, #tpu.memory_space<vmem>>
      %dma_start3A_154 = arith.constant 0 : i32
      %dma_start3A_155 = tpu.memref_slice %arg8[%dma_start3A_154] : memref<100096xf32, #tpu.memory_space<vmem_shared>> -> memref<100096xf32, #tpu.memory_space<vmem_shared>>
      tpu.enqueue_indirect_dma source(%arg6 : memref<128xf32, #tpu.memory_space<vmem>>) target(%dma_start3A_155 : memref<100096xf32, #tpu.memory_space<vmem_shared>>) offsets(%dma_start3A_153 : memref<128xi32, #tpu.memory_space<vmem>>) semaphore(%arg10 : memref<!tpu.dma_semaphore, #tpu.memory_space<semaphore_mem>>) {add = true}
      %while3A_156 = arith.constant 0 : i32
      scf.yield %while3A_156 : i32
    }
    %scan3A_106 = arith.constant 0 : i32
    %scan3A_107 = arith.constant 0 : i32
    %scan3A_108 = arith.constant 24 : i32
    %scan3A_109 = arith.addi %scan3A_107, %scan3A_108 : i32
    %scan3A_110 = arith.constant 1 : i32
    %scan3A_111 = scf.for %scan3A_150 = %scan3A_107 to %scan3A_109 step %scan3A_110 iter_args(%scan3A_151 = %scan3A_106) -> (i32)  : i32 {
      %mul3A_152 = arith.constant 2 : i32
      %mul3A_153 = arith.muli %scan3A_150, %mul3A_152 : i32
      %add3A_154 = arith.constant 0 : i32
      %add3A_155 = arith.addi %mul3A_153, %add3A_154 : i32
      %mul3A_156 = arith.constant 2 : i32
      %mul3A_157 = arith.muli %add3A_155, %mul3A_156 : i32
      %add3A_158 = arith.addi %add3A_43, %mul3A_157 : i32
      %add3A_159 = arith.addi %add3A_43, %add3A_45 : i32
      %sub3A_160 = arith.constant 2 : i32
      %sub3A_161 = arith.subi %add3A_159, %sub3A_160 : i32
      %min3A_162 = arith.minsi %add3A_158, %sub3A_161 : i32
      %mul3A_163 = arith.constant 2 : i32
      %mul3A_164 = arith.muli %add3A_155, %mul3A_163 : i32
      %add3A_165 = arith.addi %add3A_43, %mul3A_164 : i32
      %sub3A_166 = arith.subi %add3A_165, %min3A_162 : i32
      %mul3A_167 = arith.constant 8 : i32
      %mul3A_168 = arith.muli %sub3A_166, %mul3A_167 : i32
      %mul3A_169 = arith.constant 8 : i32
      %mul3A_170 = arith.muli %min3A_162, %mul3A_169 : i32
      %while3A_171 = arith.constant 16 : i32
      %while3A_172 = arith.constant 0 : i32
      %while3A_173 = arith.subi %while3A_171, %mul3A_168 : i32
      %while3A_174 = arith.addi %mul3A_168, %while3A_173 : i32
      %while3A_175 = arith.constant 1 : i32
      %while3A_176 = arith.divsi %while3A_173, %while3A_175 : i32
      %while3A_177 = arith.muli %while3A_176, %while3A_175 : i32
      %while3A_178 = arith.addi %mul3A_168, %while3A_177 : i32
      %while3A_179 = arith.constant 1 : i32
      %while3A_180 = scf.for %while3A_228 = %mul3A_168 to %while3A_178 step %while3A_179 iter_args(%while3A_229 = %while3A_172) -> (i32)  : i32 {
        %dma_wait3A = arith.constant 0 : i32
        %dma_wait3A_230 = tpu.memref_slice %arg4[%while3A_228, %dma_wait3A] : memref<16x128xi32, #tpu.memory_space<vmem>> -> memref<1x128xi32, #tpu.memory_space<vmem>>
        %dma_wait3A_231 = tpu.memref_squeeze %dma_wait3A_230 : memref<1x128xi32, #tpu.memory_space<vmem>> -> memref<128xi32, #tpu.memory_space<vmem>>
        %dma_wait3A_232 = arith.constant 0 : i32
        %dma_wait3A_233 = tpu.memref_slice %arg8[%dma_wait3A_232] : memref<100096xf32, #tpu.memory_space<vmem_shared>> -> memref<100096xf32, #tpu.memory_space<vmem_shared>>
        tpu.wait_indirect_dma semaphore(%arg9 : memref<!tpu.dma_semaphore, #tpu.memory_space<semaphore_mem>>) src(%arg6 : memref<128xf32, #tpu.memory_space<vmem>>) dst(%dma_wait3A_233 : memref<100096xf32, #tpu.memory_space<vmem_shared>>)
        %while3A_234 = arith.constant 0 : i32
        scf.yield %while3A_234 : i32
      }
      %while3A_181 = arith.constant 1 : i32
      %while3A_182 = scf.for %while3A_228 = %while3A_178 to %while3A_174 step %while3A_181 iter_args(%while3A_229 = %while3A_180) -> (i32)  : i32 {
        %dma_wait3A = arith.constant 0 : i32
        %dma_wait3A_230 = tpu.memref_slice %arg4[%while3A_228, %dma_wait3A] : memref<16x128xi32, #tpu.memory_space<vmem>> -> memref<1x128xi32, #tpu.memory_space<vmem>>
        %dma_wait3A_231 = tpu.memref_squeeze %dma_wait3A_230 : memref<1x128xi32, #tpu.memory_space<vmem>> -> memref<128xi32, #tpu.memory_space<vmem>>
        %dma_wait3A_232 = arith.constant 0 : i32
        %dma_wait3A_233 = tpu.memref_slice %arg8[%dma_wait3A_232] : memref<100096xf32, #tpu.memory_space<vmem_shared>> -> memref<100096xf32, #tpu.memory_space<vmem_shared>>
        tpu.wait_indirect_dma semaphore(%arg9 : memref<!tpu.dma_semaphore, #tpu.memory_space<semaphore_mem>>) src(%arg6 : memref<128xf32, #tpu.memory_space<vmem>>) dst(%dma_wait3A_233 : memref<100096xf32, #tpu.memory_space<vmem_shared>>)
        %while3A_234 = arith.constant 0 : i32
        scf.yield %while3A_234 : i32
      }
      %add3A_183 = arith.constant 2 : i32
      %add3A_184 = arith.addi %add3A_155, %add3A_183 : i32
      %lt3A_185 = arith.constant 49 : i32
      %lt3A_186 = arith.cmpi slt, %add3A_184, %lt3A_185 : i32
      %convert_element_type3A_187 = arith.extui %lt3A_186 : i1 to i32
      %cond3A = arith.constant 0 : i32
      %cond3A_188 = arith.cmpi ne, %convert_element_type3A_187, %cond3A : i32
      scf.if %cond3A_188 {
        %add3A_228 = arith.constant 2 : i32
        %add3A_229 = arith.addi %add3A_155, %add3A_228 : i32
        %mul3A_230 = arith.constant 2 : i32
        %mul3A_231 = arith.muli %add3A_229, %mul3A_230 : i32
        %add3A_232 = arith.addi %add3A_43, %mul3A_231 : i32
        %add3A_233 = arith.addi %add3A_43, %add3A_45 : i32
        %sub3A_234 = arith.constant 2 : i32
        %sub3A_235 = arith.subi %add3A_233, %sub3A_234 : i32
        %min3A_236 = arith.minsi %add3A_232, %sub3A_235 : i32
        %mul3A_237 = arith.constant 2 : i32
        %mul3A_238 = arith.muli %add3A_229, %mul3A_237 : i32
        %add3A_239 = arith.addi %add3A_43, %mul3A_238 : i32
        %sub3A_240 = arith.subi %add3A_239, %min3A_236 : i32
        %mul3A_241 = arith.constant 8 : i32
        %mul3A_242 = arith.muli %sub3A_240, %mul3A_241 : i32
        %mul3A_243 = arith.constant 8 : i32
        %mul3A_244 = arith.muli %min3A_236, %mul3A_243 : i32
        %add3A_245 = arith.constant 25000 : i32
        %add3A_246 = arith.addi %add3A_245, %mul3A_244 : i32
        "tpu.region"() ({
          %run_scoped3A = tpu.sem_alloc : memref<!tpu.dma_semaphore, #tpu.memory_space<semaphore_mem>>
          %dma_start3A = arith.constant 0 : i32
          %dma_start3A_259 = tpu.memref_slice %arg2[%add3A_246, %dma_start3A] : memref<50000x128xi32, #tpu.memory_space<hbm>> -> memref<16x128xi32, #tpu.memory_space<hbm>>
          %dma_start3A_260 = arith.constant 0 : i32
          %dma_start3A_261 = tpu.memref_slice %arg2[%add3A_246, %dma_start3A_260] : memref<50000x128xi32, #tpu.memory_space<hbm>> -> memref<16x128xi32, #tpu.memory_space<hbm>>
          tpu.enqueue_dma source(%dma_start3A_261 : memref<16x128xi32, #tpu.memory_space<hbm>>) target(%arg4 : memref<16x128xi32, #tpu.memory_space<vmem>>) target_semaphore(%run_scoped3A : memref<!tpu.dma_semaphore, #tpu.memory_space<semaphore_mem>>)
          %dma_wait3A = arith.constant 0 : i32
          %dma_wait3A_262 = tpu.memref_slice %arg2[%add3A_246, %dma_wait3A] : memref<50000x128xi32, #tpu.memory_space<hbm>> -> memref<16x128xi32, #tpu.memory_space<hbm>>
          %dma_wait3A_263 = arith.constant 0 : i32
          %dma_wait3A_264 = tpu.memref_slice %arg2[%add3A_246, %dma_wait3A_263] : memref<50000x128xi32, #tpu.memory_space<hbm>> -> memref<16x128xi32, #tpu.memory_space<hbm>>
          tpu.wait_dma2 semaphore(%run_scoped3A : memref<!tpu.dma_semaphore, #tpu.memory_space<semaphore_mem>>) src(%dma_wait3A_264 : memref<16x128xi32, #tpu.memory_space<hbm>>) dst(%arg4 : memref<16x128xi32, #tpu.memory_space<vmem>>)
          tpu.yield
        }) : () -> ()
        %while3A_247 = arith.constant 16 : i32
        %while3A_248 = arith.constant 0 : i32
        %while3A_249 = arith.subi %while3A_247, %mul3A_242 : i32
        %while3A_250 = arith.addi %mul3A_242, %while3A_249 : i32
        %while3A_251 = arith.constant 1 : i32
        %while3A_252 = arith.divsi %while3A_249, %while3A_251 : i32
        %while3A_253 = arith.muli %while3A_252, %while3A_251 : i32
        %while3A_254 = arith.addi %mul3A_242, %while3A_253 : i32
        %while3A_255 = arith.constant 1 : i32
        %while3A_256 = scf.for %while3A_259 = %mul3A_242 to %while3A_254 step %while3A_255 iter_args(%while3A_260 = %while3A_248) -> (i32)  : i32 {
          %dma_start3A = arith.constant 0 : i32
          %dma_start3A_261 = tpu.memref_slice %arg4[%while3A_259, %dma_start3A] : memref<16x128xi32, #tpu.memory_space<vmem>> -> memref<1x128xi32, #tpu.memory_space<vmem>>
          %dma_start3A_262 = tpu.memref_squeeze %dma_start3A_261 : memref<1x128xi32, #tpu.memory_space<vmem>> -> memref<128xi32, #tpu.memory_space<vmem>>
          %dma_start3A_263 = arith.constant 0 : i32
          %dma_start3A_264 = tpu.memref_slice %arg8[%dma_start3A_263] : memref<100096xf32, #tpu.memory_space<vmem_shared>> -> memref<100096xf32, #tpu.memory_space<vmem_shared>>
          tpu.enqueue_indirect_dma source(%arg6 : memref<128xf32, #tpu.memory_space<vmem>>) target(%dma_start3A_264 : memref<100096xf32, #tpu.memory_space<vmem_shared>>) offsets(%dma_start3A_262 : memref<128xi32, #tpu.memory_space<vmem>>) semaphore(%arg9 : memref<!tpu.dma_semaphore, #tpu.memory_space<semaphore_mem>>) {add = true}
          %while3A_265 = arith.constant 0 : i32
          scf.yield %while3A_265 : i32
        }
        %while3A_257 = arith.constant 1 : i32
        %while3A_258 = scf.for %while3A_259 = %while3A_254 to %while3A_250 step %while3A_257 iter_args(%while3A_260 = %while3A_256) -> (i32)  : i32 {
          %dma_start3A = arith.constant 0 : i32
          %dma_start3A_261 = tpu.memref_slice %arg4[%while3A_259, %dma_start3A] : memref<16x128xi32, #tpu.memory_space<vmem>> -> memref<1x128xi32, #tpu.memory_space<vmem>>
          %dma_start3A_262 = tpu.memref_squeeze %dma_start3A_261 : memref<1x128xi32, #tpu.memory_space<vmem>> -> memref<128xi32, #tpu.memory_space<vmem>>
          %dma_start3A_263 = arith.constant 0 : i32
          %dma_start3A_264 = tpu.memref_slice %arg8[%dma_start3A_263] : memref<100096xf32, #tpu.memory_space<vmem_shared>> -> memref<100096xf32, #tpu.memory_space<vmem_shared>>
          tpu.enqueue_indirect_dma source(%arg6 : memref<128xf32, #tpu.memory_space<vmem>>) target(%dma_start3A_264 : memref<100096xf32, #tpu.memory_space<vmem_shared>>) offsets(%dma_start3A_262 : memref<128xi32, #tpu.memory_space<vmem>>) semaphore(%arg9 : memref<!tpu.dma_semaphore, #tpu.memory_space<semaphore_mem>>) {add = true}
          %while3A_265 = arith.constant 0 : i32
          scf.yield %while3A_265 : i32
        }
      } else {
      }
      %mul3A_189 = arith.constant 2 : i32
      %mul3A_190 = arith.muli %scan3A_150, %mul3A_189 : i32
      %add3A_191 = arith.constant 1 : i32
      %add3A_192 = arith.addi %mul3A_190, %add3A_191 : i32
      %mul3A_193 = arith.constant 2 : i32
      %mul3A_194 = arith.muli %add3A_192, %mul3A_193 : i32
      %add3A_195 = arith.addi %add3A_43, %mul3A_194 : i32
      %add3A_196 = arith.addi %add3A_43, %add3A_45 : i32
      %sub3A_197 = arith.constant 2 : i32
      %sub3A_198 = arith.subi %add3A_196, %sub3A_197 : i32
      %min3A_199 = arith.minsi %add3A_195, %sub3A_198 : i32
      %mul3A_200 = arith.constant 2 : i32
      %mul3A_201 = arith.muli %add3A_192, %mul3A_200 : i32
      %add3A_202 = arith.addi %add3A_43, %mul3A_201 : i32
      %sub3A_203 = arith.subi %add3A_202, %min3A_199 : i32
      %mul3A_204 = arith.constant 8 : i32
      %mul3A_205 = arith.muli %sub3A_203, %mul3A_204 : i32
      %mul3A_206 = arith.constant 8 : i32
      %mul3A_207 = arith.muli %min3A_199, %mul3A_206 : i32
      %while3A_208 = arith.constant 16 : i32
      %while3A_209 = arith.constant 0 : i32
      %while3A_210 = arith.subi %while3A_208, %mul3A_205 : i32
      %while3A_211 = arith.addi %mul3A_205, %while3A_210 : i32
      %while3A_212 = arith.constant 1 : i32
      %while3A_213 = arith.divsi %while3A_210, %while3A_212 : i32
      %while3A_214 = arith.muli %while3A_213, %while3A_212 : i32
      %while3A_215 = arith.addi %mul3A_205, %while3A_214 : i32
      %while3A_216 = arith.constant 1 : i32
      %while3A_217 = scf.for %while3A_228 = %mul3A_205 to %while3A_215 step %while3A_216 iter_args(%while3A_229 = %while3A_209) -> (i32)  : i32 {
        %dma_wait3A = arith.constant 0 : i32
        %dma_wait3A_230 = tpu.memref_slice %arg5[%while3A_228, %dma_wait3A] : memref<16x128xi32, #tpu.memory_space<vmem>> -> memref<1x128xi32, #tpu.memory_space<vmem>>
        %dma_wait3A_231 = tpu.memref_squeeze %dma_wait3A_230 : memref<1x128xi32, #tpu.memory_space<vmem>> -> memref<128xi32, #tpu.memory_space<vmem>>
        %dma_wait3A_232 = arith.constant 0 : i32
        %dma_wait3A_233 = tpu.memref_slice %arg8[%dma_wait3A_232] : memref<100096xf32, #tpu.memory_space<vmem_shared>> -> memref<100096xf32, #tpu.memory_space<vmem_shared>>
        tpu.wait_indirect_dma semaphore(%arg10 : memref<!tpu.dma_semaphore, #tpu.memory_space<semaphore_mem>>) src(%arg6 : memref<128xf32, #tpu.memory_space<vmem>>) dst(%dma_wait3A_233 : memref<100096xf32, #tpu.memory_space<vmem_shared>>)
        %while3A_234 = arith.constant 0 : i32
        scf.yield %while3A_234 : i32
      }
      %while3A_218 = arith.constant 1 : i32
      %while3A_219 = scf.for %while3A_228 = %while3A_215 to %while3A_211 step %while3A_218 iter_args(%while3A_229 = %while3A_217) -> (i32)  : i32 {
        %dma_wait3A = arith.constant 0 : i32
        %dma_wait3A_230 = tpu.memref_slice %arg5[%while3A_228, %dma_wait3A] : memref<16x128xi32, #tpu.memory_space<vmem>> -> memref<1x128xi32, #tpu.memory_space<vmem>>
        %dma_wait3A_231 = tpu.memref_squeeze %dma_wait3A_230 : memref<1x128xi32, #tpu.memory_space<vmem>> -> memref<128xi32, #tpu.memory_space<vmem>>
        %dma_wait3A_232 = arith.constant 0 : i32
        %dma_wait3A_233 = tpu.memref_slice %arg8[%dma_wait3A_232] : memref<100096xf32, #tpu.memory_space<vmem_shared>> -> memref<100096xf32, #tpu.memory_space<vmem_shared>>
        tpu.wait_indirect_dma semaphore(%arg10 : memref<!tpu.dma_semaphore, #tpu.memory_space<semaphore_mem>>) src(%arg6 : memref<128xf32, #tpu.memory_space<vmem>>) dst(%dma_wait3A_233 : memref<100096xf32, #tpu.memory_space<vmem_shared>>)
        %while3A_234 = arith.constant 0 : i32
        scf.yield %while3A_234 : i32
      }
      %add3A_220 = arith.constant 2 : i32
      %add3A_221 = arith.addi %add3A_192, %add3A_220 : i32
      %lt3A_222 = arith.constant 49 : i32
      %lt3A_223 = arith.cmpi slt, %add3A_221, %lt3A_222 : i32
      %convert_element_type3A_224 = arith.extui %lt3A_223 : i1 to i32
      %cond3A_225 = arith.constant 0 : i32
      %cond3A_226 = arith.cmpi ne, %convert_element_type3A_224, %cond3A_225 : i32
      scf.if %cond3A_226 {
        %add3A_228 = arith.constant 2 : i32
        %add3A_229 = arith.addi %add3A_192, %add3A_228 : i32
        %mul3A_230 = arith.constant 2 : i32
        %mul3A_231 = arith.muli %add3A_229, %mul3A_230 : i32
        %add3A_232 = arith.addi %add3A_43, %mul3A_231 : i32
        %add3A_233 = arith.addi %add3A_43, %add3A_45 : i32
        %sub3A_234 = arith.constant 2 : i32
        %sub3A_235 = arith.subi %add3A_233, %sub3A_234 : i32
        %min3A_236 = arith.minsi %add3A_232, %sub3A_235 : i32
        %mul3A_237 = arith.constant 2 : i32
        %mul3A_238 = arith.muli %add3A_229, %mul3A_237 : i32
        %add3A_239 = arith.addi %add3A_43, %mul3A_238 : i32
        %sub3A_240 = arith.subi %add3A_239, %min3A_236 : i32
        %mul3A_241 = arith.constant 8 : i32
        %mul3A_242 = arith.muli %sub3A_240, %mul3A_241 : i32
        %mul3A_243 = arith.constant 8 : i32
        %mul3A_244 = arith.muli %min3A_236, %mul3A_243 : i32
        %add3A_245 = arith.constant 25000 : i32
        %add3A_246 = arith.addi %add3A_245, %mul3A_244 : i32
        "tpu.region"() ({
          %run_scoped3A = tpu.sem_alloc : memref<!tpu.dma_semaphore, #tpu.memory_space<semaphore_mem>>
          %dma_start3A = arith.constant 0 : i32
          %dma_start3A_259 = tpu.memref_slice %arg2[%add3A_246, %dma_start3A] : memref<50000x128xi32, #tpu.memory_space<hbm>> -> memref<16x128xi32, #tpu.memory_space<hbm>>
          %dma_start3A_260 = arith.constant 0 : i32
          %dma_start3A_261 = tpu.memref_slice %arg2[%add3A_246, %dma_start3A_260] : memref<50000x128xi32, #tpu.memory_space<hbm>> -> memref<16x128xi32, #tpu.memory_space<hbm>>
          tpu.enqueue_dma source(%dma_start3A_261 : memref<16x128xi32, #tpu.memory_space<hbm>>) target(%arg5 : memref<16x128xi32, #tpu.memory_space<vmem>>) target_semaphore(%run_scoped3A : memref<!tpu.dma_semaphore, #tpu.memory_space<semaphore_mem>>)
          %dma_wait3A = arith.constant 0 : i32
          %dma_wait3A_262 = tpu.memref_slice %arg2[%add3A_246, %dma_wait3A] : memref<50000x128xi32, #tpu.memory_space<hbm>> -> memref<16x128xi32, #tpu.memory_space<hbm>>
          %dma_wait3A_263 = arith.constant 0 : i32
          %dma_wait3A_264 = tpu.memref_slice %arg2[%add3A_246, %dma_wait3A_263] : memref<50000x128xi32, #tpu.memory_space<hbm>> -> memref<16x128xi32, #tpu.memory_space<hbm>>
          tpu.wait_dma2 semaphore(%run_scoped3A : memref<!tpu.dma_semaphore, #tpu.memory_space<semaphore_mem>>) src(%dma_wait3A_264 : memref<16x128xi32, #tpu.memory_space<hbm>>) dst(%arg5 : memref<16x128xi32, #tpu.memory_space<vmem>>)
          tpu.yield
        }) : () -> ()
        %while3A_247 = arith.constant 16 : i32
        %while3A_248 = arith.constant 0 : i32
        %while3A_249 = arith.subi %while3A_247, %mul3A_242 : i32
        %while3A_250 = arith.addi %mul3A_242, %while3A_249 : i32
        %while3A_251 = arith.constant 1 : i32
        %while3A_252 = arith.divsi %while3A_249, %while3A_251 : i32
        %while3A_253 = arith.muli %while3A_252, %while3A_251 : i32
        %while3A_254 = arith.addi %mul3A_242, %while3A_253 : i32
        %while3A_255 = arith.constant 1 : i32
        %while3A_256 = scf.for %while3A_259 = %mul3A_242 to %while3A_254 step %while3A_255 iter_args(%while3A_260 = %while3A_248) -> (i32)  : i32 {
          %dma_start3A = arith.constant 0 : i32
          %dma_start3A_261 = tpu.memref_slice %arg5[%while3A_259, %dma_start3A] : memref<16x128xi32, #tpu.memory_space<vmem>> -> memref<1x128xi32, #tpu.memory_space<vmem>>
          %dma_start3A_262 = tpu.memref_squeeze %dma_start3A_261 : memref<1x128xi32, #tpu.memory_space<vmem>> -> memref<128xi32, #tpu.memory_space<vmem>>
          %dma_start3A_263 = arith.constant 0 : i32
          %dma_start3A_264 = tpu.memref_slice %arg8[%dma_start3A_263] : memref<100096xf32, #tpu.memory_space<vmem_shared>> -> memref<100096xf32, #tpu.memory_space<vmem_shared>>
          tpu.enqueue_indirect_dma source(%arg6 : memref<128xf32, #tpu.memory_space<vmem>>) target(%dma_start3A_264 : memref<100096xf32, #tpu.memory_space<vmem_shared>>) offsets(%dma_start3A_262 : memref<128xi32, #tpu.memory_space<vmem>>) semaphore(%arg10 : memref<!tpu.dma_semaphore, #tpu.memory_space<semaphore_mem>>) {add = true}
          %while3A_265 = arith.constant 0 : i32
          scf.yield %while3A_265 : i32
        }
        %while3A_257 = arith.constant 1 : i32
        %while3A_258 = scf.for %while3A_259 = %while3A_254 to %while3A_250 step %while3A_257 iter_args(%while3A_260 = %while3A_256) -> (i32)  : i32 {
          %dma_start3A = arith.constant 0 : i32
          %dma_start3A_261 = tpu.memref_slice %arg5[%while3A_259, %dma_start3A] : memref<16x128xi32, #tpu.memory_space<vmem>> -> memref<1x128xi32, #tpu.memory_space<vmem>>
          %dma_start3A_262 = tpu.memref_squeeze %dma_start3A_261 : memref<1x128xi32, #tpu.memory_space<vmem>> -> memref<128xi32, #tpu.memory_space<vmem>>
          %dma_start3A_263 = arith.constant 0 : i32
          %dma_start3A_264 = tpu.memref_slice %arg8[%dma_start3A_263] : memref<100096xf32, #tpu.memory_space<vmem_shared>> -> memref<100096xf32, #tpu.memory_space<vmem_shared>>
          tpu.enqueue_indirect_dma source(%arg6 : memref<128xf32, #tpu.memory_space<vmem>>) target(%dma_start3A_264 : memref<100096xf32, #tpu.memory_space<vmem_shared>>) offsets(%dma_start3A_262 : memref<128xi32, #tpu.memory_space<vmem>>) semaphore(%arg10 : memref<!tpu.dma_semaphore, #tpu.memory_space<semaphore_mem>>) {add = true}
          %while3A_265 = arith.constant 0 : i32
          scf.yield %while3A_265 : i32
        }
      } else {
      }
      %scan3A_227 = arith.constant 0 : i32
      scf.yield %scan3A_227 : i32
    }
    %scan3A_112 = arith.constant 24 : i32
    %mul3A_113 = arith.constant 48 : i32
    %mul3A_114 = arith.constant 2 : i32
    %mul3A_115 = arith.muli %mul3A_113, %mul3A_114 : i32
    %add3A_116 = arith.addi %add3A_43, %mul3A_115 : i32
    %add3A_117 = arith.addi %add3A_43, %add3A_45 : i32
    %sub3A_118 = arith.constant 2 : i32
    %sub3A_119 = arith.subi %add3A_117, %sub3A_118 : i32
    %min3A_120 = arith.minsi %add3A_116, %sub3A_119 : i32
    %mul3A_121 = arith.constant 48 : i32
    %mul3A_122 = arith.constant 2 : i32
    %mul3A_123 = arith.muli %mul3A_121, %mul3A_122 : i32
    %add3A_124 = arith.addi %add3A_43, %mul3A_123 : i32
    %sub3A_125 = arith.subi %add3A_124, %min3A_120 : i32
    %mul3A_126 = arith.constant 8 : i32
    %mul3A_127 = arith.muli %sub3A_125, %mul3A_126 : i32
    %mul3A_128 = arith.constant 8 : i32
    %mul3A_129 = arith.muli %min3A_120, %mul3A_128 : i32
    %while3A_130 = arith.constant 16 : i32
    %while3A_131 = arith.constant 0 : i32
    %while3A_132 = arith.subi %while3A_130, %mul3A_127 : i32
    %while3A_133 = arith.addi %mul3A_127, %while3A_132 : i32
    %while3A_134 = arith.constant 1 : i32
    %while3A_135 = arith.divsi %while3A_132, %while3A_134 : i32
    %while3A_136 = arith.muli %while3A_135, %while3A_134 : i32
    %while3A_137 = arith.addi %mul3A_127, %while3A_136 : i32
    %while3A_138 = arith.constant 1 : i32
    %while3A_139 = scf.for %while3A_150 = %mul3A_127 to %while3A_137 step %while3A_138 iter_args(%while3A_151 = %while3A_131) -> (i32)  : i32 {
      %dma_wait3A = arith.constant 0 : i32
      %dma_wait3A_152 = tpu.memref_slice %arg4[%while3A_150, %dma_wait3A] : memref<16x128xi32, #tpu.memory_space<vmem>> -> memref<1x128xi32, #tpu.memory_space<vmem>>
      %dma_wait3A_153 = tpu.memref_squeeze %dma_wait3A_152 : memref<1x128xi32, #tpu.memory_space<vmem>> -> memref<128xi32, #tpu.memory_space<vmem>>
      %dma_wait3A_154 = arith.constant 0 : i32
      %dma_wait3A_155 = tpu.memref_slice %arg8[%dma_wait3A_154] : memref<100096xf32, #tpu.memory_space<vmem_shared>> -> memref<100096xf32, #tpu.memory_space<vmem_shared>>
      tpu.wait_indirect_dma semaphore(%arg9 : memref<!tpu.dma_semaphore, #tpu.memory_space<semaphore_mem>>) src(%arg6 : memref<128xf32, #tpu.memory_space<vmem>>) dst(%dma_wait3A_155 : memref<100096xf32, #tpu.memory_space<vmem_shared>>)
      %while3A_156 = arith.constant 0 : i32
      scf.yield %while3A_156 : i32
    }
    %while3A_140 = arith.constant 1 : i32
    %while3A_141 = scf.for %while3A_150 = %while3A_137 to %while3A_133 step %while3A_140 iter_args(%while3A_151 = %while3A_139) -> (i32)  : i32 {
      %dma_wait3A = arith.constant 0 : i32
      %dma_wait3A_152 = tpu.memref_slice %arg4[%while3A_150, %dma_wait3A] : memref<16x128xi32, #tpu.memory_space<vmem>> -> memref<1x128xi32, #tpu.memory_space<vmem>>
      %dma_wait3A_153 = tpu.memref_squeeze %dma_wait3A_152 : memref<1x128xi32, #tpu.memory_space<vmem>> -> memref<128xi32, #tpu.memory_space<vmem>>
      %dma_wait3A_154 = arith.constant 0 : i32
      %dma_wait3A_155 = tpu.memref_slice %arg8[%dma_wait3A_154] : memref<100096xf32, #tpu.memory_space<vmem_shared>> -> memref<100096xf32, #tpu.memory_space<vmem_shared>>
      tpu.wait_indirect_dma semaphore(%arg9 : memref<!tpu.dma_semaphore, #tpu.memory_space<semaphore_mem>>) src(%arg6 : memref<128xf32, #tpu.memory_space<vmem>>) dst(%dma_wait3A_155 : memref<100096xf32, #tpu.memory_space<vmem_shared>>)
      %while3A_156 = arith.constant 0 : i32
      scf.yield %while3A_156 : i32
    }
    %barrier3A_142 = arith.constant 0 : index
    tpu.barrier barrier_id(%barrier3A_142)
    %mul3A_143 = arith.constant 6256 : i32
    %mul3A_144 = arith.muli %arg1, %mul3A_143 : i32
    "tpu.region"() ({
      %run_scoped3A = tpu.sem_alloc : memref<!tpu.dma_semaphore, #tpu.memory_space<semaphore_mem>>
      %dma_start3A = tpu.memref_slice %arg8[%mul3A_144] : memref<100096xf32, #tpu.memory_space<vmem_shared>> -> memref<6256xf32, #tpu.memory_space<vmem_shared>>
      %dma_start3A_150 = tpu.memref_slice %arg8[%mul3A_144] : memref<100096xf32, #tpu.memory_space<vmem_shared>> -> memref<6256xf32, #tpu.memory_space<vmem_shared>>
      tpu.enqueue_dma source(%dma_start3A_150 : memref<6256xf32, #tpu.memory_space<vmem_shared>>) target(%arg7 : memref<6256xf32, #tpu.memory_space<vmem>>) target_semaphore(%run_scoped3A : memref<!tpu.dma_semaphore, #tpu.memory_space<semaphore_mem>>)
      %dma_wait3A = tpu.memref_slice %arg8[%mul3A_144] : memref<100096xf32, #tpu.memory_space<vmem_shared>> -> memref<6256xf32, #tpu.memory_space<vmem_shared>>
      %dma_wait3A_151 = tpu.memref_slice %arg8[%mul3A_144] : memref<100096xf32, #tpu.memory_space<vmem_shared>> -> memref<6256xf32, #tpu.memory_space<vmem_shared>>
      tpu.wait_dma2 semaphore(%run_scoped3A : memref<!tpu.dma_semaphore, #tpu.memory_space<semaphore_mem>>) src(%dma_wait3A_151 : memref<6256xf32, #tpu.memory_space<vmem_shared>>) dst(%arg7 : memref<6256xf32, #tpu.memory_space<vmem>>)
      tpu.yield
    }) : () -> ()
    %mul3A_145 = arith.constant 100096 : i32
    %mul3A_146 = arith.muli %arg0, %mul3A_145 : i32
    %mul3A_147 = arith.constant 6256 : i32
    %mul3A_148 = arith.muli %arg1, %mul3A_147 : i32
    %add3A_149 = arith.addi %mul3A_146, %mul3A_148 : i32
    "tpu.region"() ({
      %run_scoped3A = tpu.sem_alloc : memref<!tpu.dma_semaphore, #tpu.memory_space<semaphore_mem>>
      %dma_start3A = tpu.memref_slice %arg3[%add3A_149] : memref<200192xf32, #tpu.memory_space<hbm>> -> memref<6256xf32, #tpu.memory_space<hbm>>
      %dma_start3A_150 = tpu.memref_slice %arg3[%add3A_149] : memref<200192xf32, #tpu.memory_space<hbm>> -> memref<6256xf32, #tpu.memory_space<hbm>>
      tpu.enqueue_dma source(%arg7 : memref<6256xf32, #tpu.memory_space<vmem>>) target(%dma_start3A_150 : memref<6256xf32, #tpu.memory_space<hbm>>) target_semaphore(%run_scoped3A : memref<!tpu.dma_semaphore, #tpu.memory_space<semaphore_mem>>)
      %dma_wait3A = tpu.memref_slice %arg3[%add3A_149] : memref<200192xf32, #tpu.memory_space<hbm>> -> memref<6256xf32, #tpu.memory_space<hbm>>
      %dma_wait3A_151 = tpu.memref_slice %arg3[%add3A_149] : memref<200192xf32, #tpu.memory_space<hbm>> -> memref<6256xf32, #tpu.memory_space<hbm>>
      tpu.wait_dma2 semaphore(%run_scoped3A : memref<!tpu.dma_semaphore, #tpu.memory_space<semaphore_mem>>) src(%arg7 : memref<6256xf32, #tpu.memory_space<vmem>>) dst(%dma_wait3A_151 : memref<6256xf32, #tpu.memory_space<hbm>>)
      tpu.yield
    }) : () -> ()
    return
  }
}

#map = affine_map<(d0, d1) -> (0)>
#map1 = affine_map<(d0, d1) -> (0, 0)>
module attributes {stable_mosaic.version = 14 : i64} {
  func.func @_table_kernel(%arg0: i32, %arg1: i32, %arg2: memref<100096xf32, #tpu.memory_space<hbm>>, %arg3: memref<100000x3xf32, #tpu.memory_space<hbm>>, %arg4: memref<100000xi32, #tpu.memory_space<hbm>>, %arg5: memref<100000x8xf32, #tpu.memory_space<hbm>>, %arg6: memref<3136xf32, #tpu.memory_space<vmem>>, %arg7: memref<3136x3xf32, #tpu.memory_space<vmem>>, %arg8: memref<3136xi32, #tpu.memory_space<vmem>>, %arg9: memref<3136x8xf32, #tpu.memory_space<vmem>>) attributes {dimension_semantics = [#tpu.dimension_semantics<core_parallel>, #tpu.dimension_semantics<subcore_parallel>], iteration_bounds = array<i64: 2, 16>, scalar_prefetch = 0 : i64, scratch_operands = 4 : i64, tpu.core_type = #tpu.core_type<sc_vector_subcore>, window_params = [{transform_indices = #map}, {transform_indices = #map1}, {transform_indices = #map}, {transform_indices = #map1}]} {
    %mul3A = arith.constant 2 : i32
    %mul3A_0 = arith.muli %arg1, %mul3A : i32
    %add3A = arith.addi %mul3A_0, %arg0 : i32
    %mul3A_1 = arith.constant 3136 : i32
    %mul3A_2 = arith.muli %add3A, %mul3A_1 : i32
    %min3A = arith.constant 96864 : i32
    %min3A_3 = arith.minsi %mul3A_2, %min3A : i32
    %iota3A = tpu.iota {dimensions = array<i32: 0>} : vector<16xi32>
    "tpu.region"() ({
      %run_scoped3A = tpu.sem_alloc : memref<!tpu.dma_semaphore, #tpu.memory_space<semaphore_mem>>
      %dma_start3A = tpu.memref_slice %arg2[%min3A_3] : memref<100096xf32, #tpu.memory_space<hbm>> -> memref<3136xf32, #tpu.memory_space<hbm>>
      %dma_start3A_10 = tpu.memref_slice %arg2[%min3A_3] : memref<100096xf32, #tpu.memory_space<hbm>> -> memref<3136xf32, #tpu.memory_space<hbm>>
      tpu.enqueue_dma source(%dma_start3A_10 : memref<3136xf32, #tpu.memory_space<hbm>>) target(%arg6 : memref<3136xf32, #tpu.memory_space<vmem>>) target_semaphore(%run_scoped3A : memref<!tpu.dma_semaphore, #tpu.memory_space<semaphore_mem>>)
      %dma_wait3A = tpu.memref_slice %arg2[%min3A_3] : memref<100096xf32, #tpu.memory_space<hbm>> -> memref<3136xf32, #tpu.memory_space<hbm>>
      %dma_wait3A_11 = tpu.memref_slice %arg2[%min3A_3] : memref<100096xf32, #tpu.memory_space<hbm>> -> memref<3136xf32, #tpu.memory_space<hbm>>
      tpu.wait_dma2 semaphore(%run_scoped3A : memref<!tpu.dma_semaphore, #tpu.memory_space<semaphore_mem>>) src(%dma_wait3A_11 : memref<3136xf32, #tpu.memory_space<hbm>>) dst(%arg6 : memref<3136xf32, #tpu.memory_space<vmem>>)
      tpu.yield
    }) : () -> ()
    "tpu.region"() ({
      %run_scoped3A = tpu.sem_alloc : memref<!tpu.dma_semaphore, #tpu.memory_space<semaphore_mem>>
      %dma_start3A = arith.constant 0 : i32
      %dma_start3A_10 = tpu.memref_slice %arg3[%min3A_3, %dma_start3A] : memref<100000x3xf32, #tpu.memory_space<hbm>> -> memref<3136x3xf32, #tpu.memory_space<hbm>>
      %dma_start3A_11 = arith.constant 0 : i32
      %dma_start3A_12 = tpu.memref_slice %arg3[%min3A_3, %dma_start3A_11] : memref<100000x3xf32, #tpu.memory_space<hbm>> -> memref<3136x3xf32, #tpu.memory_space<hbm>>
      tpu.enqueue_dma source(%dma_start3A_12 : memref<3136x3xf32, #tpu.memory_space<hbm>>) target(%arg7 : memref<3136x3xf32, #tpu.memory_space<vmem>>) target_semaphore(%run_scoped3A : memref<!tpu.dma_semaphore, #tpu.memory_space<semaphore_mem>>)
      %dma_wait3A = arith.constant 0 : i32
      %dma_wait3A_13 = tpu.memref_slice %arg3[%min3A_3, %dma_wait3A] : memref<100000x3xf32, #tpu.memory_space<hbm>> -> memref<3136x3xf32, #tpu.memory_space<hbm>>
      %dma_wait3A_14 = arith.constant 0 : i32
      %dma_wait3A_15 = tpu.memref_slice %arg3[%min3A_3, %dma_wait3A_14] : memref<100000x3xf32, #tpu.memory_space<hbm>> -> memref<3136x3xf32, #tpu.memory_space<hbm>>
      tpu.wait_dma2 semaphore(%run_scoped3A : memref<!tpu.dma_semaphore, #tpu.memory_space<semaphore_mem>>) src(%dma_wait3A_15 : memref<3136x3xf32, #tpu.memory_space<hbm>>) dst(%arg7 : memref<3136x3xf32, #tpu.memory_space<vmem>>)
      tpu.yield
    }) : () -> ()
    "tpu.region"() ({
      %run_scoped3A = tpu.sem_alloc : memref<!tpu.dma_semaphore, #tpu.memory_space<semaphore_mem>>
      %dma_start3A = tpu.memref_slice %arg4[%min3A_3] : memref<100000xi32, #tpu.memory_space<hbm>> -> memref<3136xi32, #tpu.memory_space<hbm>>
      %dma_start3A_10 = tpu.memref_slice %arg4[%min3A_3] : memref<100000xi32, #tpu.memory_space<hbm>> -> memref<3136xi32, #tpu.memory_space<hbm>>
      tpu.enqueue_dma source(%dma_start3A_10 : memref<3136xi32, #tpu.memory_space<hbm>>) target(%arg8 : memref<3136xi32, #tpu.memory_space<vmem>>) target_semaphore(%run_scoped3A : memref<!tpu.dma_semaphore, #tpu.memory_space<semaphore_mem>>)
      %dma_wait3A = tpu.memref_slice %arg4[%min3A_3] : memref<100000xi32, #tpu.memory_space<hbm>> -> memref<3136xi32, #tpu.memory_space<hbm>>
      %dma_wait3A_11 = tpu.memref_slice %arg4[%min3A_3] : memref<100000xi32, #tpu.memory_space<hbm>> -> memref<3136xi32, #tpu.memory_space<hbm>>
      tpu.wait_dma2 semaphore(%run_scoped3A : memref<!tpu.dma_semaphore, #tpu.memory_space<semaphore_mem>>) src(%dma_wait3A_11 : memref<3136xi32, #tpu.memory_space<hbm>>) dst(%arg8 : memref<3136xi32, #tpu.memory_space<vmem>>)
      tpu.yield
    }) : () -> ()
    %scan3A = arith.constant 0 : i32
    %scan3A_4 = arith.constant 0 : i32
    %scan3A_5 = arith.constant 196 : i32
    %scan3A_6 = arith.addi %scan3A_4, %scan3A_5 : i32
    %scan3A_7 = arith.constant 1 : i32
    %scan3A_8 = scf.for %scan3A_10 = %scan3A_4 to %scan3A_6 step %scan3A_7 iter_args(%scan3A_11 = %scan3A) -> (i32)  : i32 {
      %mul3A_12 = arith.constant 16 : i32
      %mul3A_13 = arith.muli %scan3A_10, %mul3A_12 : i32
      %add3A_14 = vector.broadcast %mul3A_13 : i32 to vector<16xi32>
      %add3A_15 = arith.addi %iota3A, %add3A_14 : vector<16xi32>
      %mul3A_16 = arith.constant 16 : i32
      %mul3A_17 = arith.muli %scan3A_10, %mul3A_16 : i32
      %get3A = arith.index_cast %mul3A_17 : i32 to index
      %get3A_18 = tpu.vector_load %arg6[%get3A] {strides = array<i32>} : memref<3136xf32, #tpu.memory_space<vmem>>, vector<16xf32>,
      %gather3A = tpu.vector_load_idx %arg8[%add3A_15] : memref<3136xi32, #tpu.memory_space<vmem>>[vector<16xi32>], vector<16xi32>,
      %convert_element_type3A = arith.sitofp %gather3A : vector<16xi32> to vector<16xf32>
      %broadcast_in_dim3A = arith.constant 0 : i32
      %broadcast_in_dim3A_19 = vector.broadcast %broadcast_in_dim3A : i32 to vector<16xi32>
      %gather3A_20 = tpu.vector_load_idx %arg7[%add3A_15, %broadcast_in_dim3A_19] : memref<3136x3xf32, #tpu.memory_space<vmem>>[vector<16xi32>, vector<16xi32>], vector<16xf32>,
      %broadcast_in_dim3A_21 = arith.constant 0 : i32
      %broadcast_in_dim3A_22 = vector.broadcast %broadcast_in_dim3A_21 : i32 to vector<16xi32>
      %mul3A_23 = arith.mulf %gather3A_20, %get3A_18 : vector<16xf32>
      tpu.vector_store_idx %arg9[%add3A_15, %broadcast_in_dim3A_22], %mul3A_23 : memref<3136x8xf32, #tpu.memory_space<vmem>>[vector<16xi32>, vector<16xi32>], vector<16xf32>,
      %broadcast_in_dim3A_24 = arith.constant 1 : i32
      %broadcast_in_dim3A_25 = vector.broadcast %broadcast_in_dim3A_24 : i32 to vector<16xi32>
      %gather3A_26 = tpu.vector_load_idx %arg7[%add3A_15, %broadcast_in_dim3A_25] : memref<3136x3xf32, #tpu.memory_space<vmem>>[vector<16xi32>, vector<16xi32>], vector<16xf32>,
      %broadcast_in_dim3A_27 = arith.constant 1 : i32
      %broadcast_in_dim3A_28 = vector.broadcast %broadcast_in_dim3A_27 : i32 to vector<16xi32>
      %mul3A_29 = arith.mulf %gather3A_26, %get3A_18 : vector<16xf32>
      tpu.vector_store_idx %arg9[%add3A_15, %broadcast_in_dim3A_28], %mul3A_29 : memref<3136x8xf32, #tpu.memory_space<vmem>>[vector<16xi32>, vector<16xi32>], vector<16xf32>,
      %broadcast_in_dim3A_30 = arith.constant 2 : i32
      %broadcast_in_dim3A_31 = vector.broadcast %broadcast_in_dim3A_30 : i32 to vector<16xi32>
      %gather3A_32 = tpu.vector_load_idx %arg7[%add3A_15, %broadcast_in_dim3A_31] : memref<3136x3xf32, #tpu.memory_space<vmem>>[vector<16xi32>, vector<16xi32>], vector<16xf32>,
      %broadcast_in_dim3A_33 = arith.constant 2 : i32
      %broadcast_in_dim3A_34 = vector.broadcast %broadcast_in_dim3A_33 : i32 to vector<16xi32>
      %mul3A_35 = arith.mulf %gather3A_32, %get3A_18 : vector<16xf32>
      tpu.vector_store_idx %arg9[%add3A_15, %broadcast_in_dim3A_34], %mul3A_35 : memref<3136x8xf32, #tpu.memory_space<vmem>>[vector<16xi32>, vector<16xi32>], vector<16xf32>,
      %broadcast_in_dim3A_36 = arith.constant 3 : i32
      %broadcast_in_dim3A_37 = vector.broadcast %broadcast_in_dim3A_36 : i32 to vector<16xi32>
      tpu.vector_store_idx %arg9[%add3A_15, %broadcast_in_dim3A_37], %get3A_18 : memref<3136x8xf32, #tpu.memory_space<vmem>>[vector<16xi32>, vector<16xi32>], vector<16xf32>,
      %broadcast_in_dim3A_38 = arith.constant 4 : i32
      %broadcast_in_dim3A_39 = vector.broadcast %broadcast_in_dim3A_38 : i32 to vector<16xi32>
      tpu.vector_store_idx %arg9[%add3A_15, %broadcast_in_dim3A_39], %convert_element_type3A : memref<3136x8xf32, #tpu.memory_space<vmem>>[vector<16xi32>, vector<16xi32>], vector<16xf32>,
      %scan3A_40 = arith.constant 0 : i32
      scf.yield %scan3A_40 : i32
    }
    %scan3A_9 = arith.constant 196 : i32
    "tpu.region"() ({
      %run_scoped3A = tpu.sem_alloc : memref<!tpu.dma_semaphore, #tpu.memory_space<semaphore_mem>>
      %dma_start3A = arith.constant 0 : i32
      %dma_start3A_10 = tpu.memref_slice %arg5[%min3A_3, %dma_start3A] : memref<100000x8xf32, #tpu.memory_space<hbm>> -> memref<3136x8xf32, #tpu.memory_space<hbm>>
      %dma_start3A_11 = arith.constant 0 : i32
      %dma_start3A_12 = tpu.memref_slice %arg5[%min3A_3, %dma_start3A_11] : memref<100000x8xf32, #tpu.memory_space<hbm>> -> memref<3136x8xf32, #tpu.memory_space<hbm>>
      tpu.enqueue_dma source(%arg9 : memref<3136x8xf32, #tpu.memory_space<vmem>>) target(%dma_start3A_12 : memref<3136x8xf32, #tpu.memory_space<hbm>>) target_semaphore(%run_scoped3A : memref<!tpu.dma_semaphore, #tpu.memory_space<semaphore_mem>>)
      %dma_wait3A = arith.constant 0 : i32
      %dma_wait3A_13 = tpu.memref_slice %arg5[%min3A_3, %dma_wait3A] : memref<100000x8xf32, #tpu.memory_space<hbm>> -> memref<3136x8xf32, #tpu.memory_space<hbm>>
      %dma_wait3A_14 = arith.constant 0 : i32
      %dma_wait3A_15 = tpu.memref_slice %arg5[%min3A_3, %dma_wait3A_14] : memref<100000x8xf32, #tpu.memory_space<hbm>> -> memref<3136x8xf32, #tpu.memory_space<hbm>>
      tpu.wait_dma2 semaphore(%run_scoped3A : memref<!tpu.dma_semaphore, #tpu.memory_space<semaphore_mem>>) src(%arg9 : memref<3136x8xf32, #tpu.memory_space<vmem>>) dst(%dma_wait3A_15 : memref<3136x8xf32, #tpu.memory_space<hbm>>)
      tpu.yield
    }) : () -> ()
    return
  }
}

module attributes {stable_mosaic.version = 14 : i64} {
  func.func @_dinv_body(%arg0: memref<200192xf32, #tpu.memory_space<vmem>>, %arg1: memref<100096xf32, #tpu.memory_space<vmem>>) attributes {dimension_semantics = [], scalar_prefetch = 0 : i64, scratch_operands = 0 : i64, tpu.core_type = #tpu.core_type<tc>} {
    %get3A = arith.constant 0 : index
    %get3A_0 = vector.load %arg0[%get3A] : memref<200192xf32, #tpu.memory_space<vmem>>, vector<100096xf32>
    %get3A_1 = arith.constant 100096 : index
    %get3A_2 = vector.load %arg0[%get3A_1] : memref<200192xf32, #tpu.memory_space<vmem>>, vector<100096xf32>
    %add3A = arith.addf %get3A_0, %get3A_2 : vector<100096xf32>
    %add3A_3 = arith.constant 1.000000e+00 : f32
    %add3A_4 = vector.broadcast %add3A_3 : f32 to vector<100096xf32>
    %add3A_5 = arith.addf %add3A, %add3A_4 : vector<100096xf32>
    %rsqrt3A = math.rsqrt %add3A_5 : vector<100096xf32>
    %swap3A = arith.constant 0 : index
    %swap3A_6 = vector.load %arg1[%swap3A] : memref<100096xf32, #tpu.memory_space<vmem>>, vector<100096xf32>
    tpu.vector_store %arg1[%swap3A], %rsqrt3A {strides = array<i32>} : memref<100096xf32, #tpu.memory_space<vmem>>, vector<100096xf32>,
    return
  }
}

module attributes {stable_mosaic.version = 14 : i64} {
  func.func @_final_body(%arg0: memref<32x64x256xf32, #tpu.memory_space<vmem>>, %arg1: memref<3x128xf32, #tpu.memory_space<vmem>>, %arg2: memref<128xf32, #tpu.memory_space<vmem>>, %arg3: memref<128x5xf32, #tpu.memory_space<vmem>>, %arg4: memref<5xf32, #tpu.memory_space<vmem>>, %arg5: memref<256x5xf32, #tpu.memory_space<vmem>>) attributes {dimension_semantics = [], scalar_prefetch = 0 : i64, scratch_operands = 0 : i64, tpu.core_type = #tpu.core_type<tc>} {
    %get3A = arith.constant 0 : index
    %get3A_0 = arith.constant 0 : index
    %get3A_1 = arith.constant 0 : index
    %get3A_2 = vector.load %arg0[%get3A, %get3A_0, %get3A_1] : memref<32x64x256xf32, #tpu.memory_space<vmem>>, vector<32x64x256xf32>
    %reduce_sum3A = arith.constant dense<0.000000e+00> : vector<64x256xf32>
    %reduce_sum3A_3 = vector.multi_reduction <add>, %get3A_2, %reduce_sum3A [0] : vector<32x64x256xf32> to vector<64x256xf32>
    %reshape3A = vector.shape_cast %reduce_sum3A_3 : vector<64x256xf32> to vector<4x16x256xf32>
    %reduce_sum3A_4 = arith.constant dense<0.000000e+00> : vector<4x256xf32>
    %reduce_sum3A_5 = vector.multi_reduction <add>, %reshape3A, %reduce_sum3A_4 [1] : vector<4x16x256xf32> to vector<4x256xf32>
    %get3A_6 = arith.constant 0 : index
    %get3A_7 = arith.constant 0 : index
    %get3A_8 = vector.load %arg1[%get3A_6, %get3A_7] : memref<3x128xf32, #tpu.memory_space<vmem>>, vector<3x128xf32>
    %get3A_9 = arith.constant 0 : index
    %get3A_10 = arith.constant 0 : index
    %get3A_11 = vector.load %arg3[%get3A_9, %get3A_10] : memref<128x5xf32, #tpu.memory_space<vmem>>, vector<128x5xf32>
    %dot_general3A = arith.constant dense<0.000000e+00> : vector<3x5xf32>
    %dot_general3A_12 = tpu.matmul %get3A_8, %get3A_11, %dot_general3A {dimension_numbers = #tpu.dot_dimension_numbers<[1], [0], [0], [1], [0, 0, 1, 1], [], []>, transpose_lhs_hint = false} : vector<3x128xf32>, vector<128x5xf32>, vector<3x5xf32> -> vector<3x5xf32>
    %get3A_13 = arith.constant 0 : index
    %get3A_14 = vector.load %arg2[%get3A_13] : memref<128xf32, #tpu.memory_space<vmem>>, vector<128xf32>
    %reshape3A_15 = vector.shape_cast %get3A_14 : vector<128xf32> to vector<1x128xf32>
    %get3A_16 = arith.constant 0 : index
    %get3A_17 = arith.constant 0 : index
    %get3A_18 = vector.load %arg3[%get3A_16, %get3A_17] : memref<128x5xf32, #tpu.memory_space<vmem>>, vector<128x5xf32>
    %dot_general3A_19 = arith.constant dense<0.000000e+00> : vector<1x5xf32>
    %dot_general3A_20 = tpu.matmul %reshape3A_15, %get3A_18, %dot_general3A_19 {dimension_numbers = #tpu.dot_dimension_numbers<[1], [0], [0], [1], [0, 0, 1, 1], [], []>, transpose_lhs_hint = false} : vector<1x128xf32>, vector<128x5xf32>, vector<1x5xf32> -> vector<1x5xf32>
    %get3A_21 = arith.constant 0 : index
    %get3A_22 = vector.load %arg4[%get3A_21] : memref<5xf32, #tpu.memory_space<vmem>>, vector<5xf32>
    %broadcast_in_dim3A = vector.shape_cast %get3A_22 : vector<5xf32> to vector<1x5xf32>
    %slice3A = vector.extract_strided_slice %reduce_sum3A_5 {offsets = [0, 0], sizes = [1, 256], strides = [1, 1]} : vector<4x256xf32> to vector<1x256xf32>
    %squeeze3A = vector.shape_cast %slice3A : vector<1x256xf32> to vector<256xf32>
    %reshape3A_23 = vector.shape_cast %squeeze3A : vector<256xf32> to vector<256x1xf32>
    %slice3A_24 = vector.extract_strided_slice %dot_general3A_12 {offsets = [0, 0], sizes = [1, 5], strides = [1, 1]} : vector<3x5xf32> to vector<1x5xf32>
    %squeeze3A_25 = vector.shape_cast %slice3A_24 : vector<1x5xf32> to vector<5xf32>
    %reshape3A_26 = vector.shape_cast %squeeze3A_25 : vector<5xf32> to vector<1x5xf32>
    %mul3A = vector.broadcast %reshape3A_23 : vector<256x1xf32> to vector<256x5xf32>
    %mul3A_27 = vector.broadcast %reshape3A_26 : vector<1x5xf32> to vector<256x5xf32>
    %mul3A_28 = arith.mulf %mul3A, %mul3A_27 : vector<256x5xf32>
    %add3A = vector.broadcast %broadcast_in_dim3A : vector<1x5xf32> to vector<256x5xf32>
    %add3A_29 = arith.addf %add3A, %mul3A_28 : vector<256x5xf32>
    %slice3A_30 = vector.extract_strided_slice %reduce_sum3A_5 {offsets = [1, 0], sizes = [1, 256], strides = [1, 1]} : vector<4x256xf32> to vector<1x256xf32>
    %squeeze3A_31 = vector.shape_cast %slice3A_30 : vector<1x256xf32> to vector<256xf32>
    %reshape3A_32 = vector.shape_cast %squeeze3A_31 : vector<256xf32> to vector<256x1xf32>
    %slice3A_33 = vector.extract_strided_slice %dot_general3A_12 {offsets = [1, 0], sizes = [1, 5], strides = [1, 1]} : vector<3x5xf32> to vector<1x5xf32>
    %squeeze3A_34 = vector.shape_cast %slice3A_33 : vector<1x5xf32> to vector<5xf32>
    %reshape3A_35 = vector.shape_cast %squeeze3A_34 : vector<5xf32> to vector<1x5xf32>
    %mul3A_36 = vector.broadcast %reshape3A_32 : vector<256x1xf32> to vector<256x5xf32>
    %mul3A_37 = vector.broadcast %reshape3A_35 : vector<1x5xf32> to vector<256x5xf32>
    %mul3A_38 = arith.mulf %mul3A_36, %mul3A_37 : vector<256x5xf32>
    %add3A_39 = arith.addf %add3A_29, %mul3A_38 : vector<256x5xf32>
    %slice3A_40 = vector.extract_strided_slice %reduce_sum3A_5 {offsets = [2, 0], sizes = [1, 256], strides = [1, 1]} : vector<4x256xf32> to vector<1x256xf32>
    %squeeze3A_41 = vector.shape_cast %slice3A_40 : vector<1x256xf32> to vector<256xf32>
    %reshape3A_42 = vector.shape_cast %squeeze3A_41 : vector<256xf32> to vector<256x1xf32>
    %slice3A_43 = vector.extract_strided_slice %dot_general3A_12 {offsets = [2, 0], sizes = [1, 5], strides = [1, 1]} : vector<3x5xf32> to vector<1x5xf32>
    %squeeze3A_44 = vector.shape_cast %slice3A_43 : vector<1x5xf32> to vector<5xf32>
    %reshape3A_45 = vector.shape_cast %squeeze3A_44 : vector<5xf32> to vector<1x5xf32>
    %mul3A_46 = vector.broadcast %reshape3A_42 : vector<256x1xf32> to vector<256x5xf32>
    %mul3A_47 = vector.broadcast %reshape3A_45 : vector<1x5xf32> to vector<256x5xf32>
    %mul3A_48 = arith.mulf %mul3A_46, %mul3A_47 : vector<256x5xf32>
    %add3A_49 = arith.addf %add3A_39, %mul3A_48 : vector<256x5xf32>
    %slice3A_50 = vector.extract_strided_slice %reduce_sum3A_5 {offsets = [3, 0], sizes = [1, 256], strides = [1, 1]} : vector<4x256xf32> to vector<1x256xf32>
    %squeeze3A_51 = vector.shape_cast %slice3A_50 : vector<1x256xf32> to vector<256xf32>
    %reshape3A_52 = vector.shape_cast %squeeze3A_51 : vector<256xf32> to vector<256x1xf32>
    %mul3A_53 = vector.broadcast %reshape3A_52 : vector<256x1xf32> to vector<256x5xf32>
    %mul3A_54 = vector.broadcast %dot_general3A_20 : vector<1x5xf32> to vector<256x5xf32>
    %mul3A_55 = arith.mulf %mul3A_53, %mul3A_54 : vector<256x5xf32>
    %add3A_56 = arith.addf %add3A_49, %mul3A_55 : vector<256x5xf32>
    %swap3A = arith.constant 0 : index
    %swap3A_57 = arith.constant 0 : index
    %swap3A_58 = vector.load %arg5[%swap3A, %swap3A_57] : memref<256x5xf32, #tpu.memory_space<vmem>>, vector<256x5xf32>
    tpu.vector_store %arg5[%swap3A, %swap3A_57], %add3A_56 {strides = array<i32>} : memref<256x5xf32, #tpu.memory_space<vmem>>, vector<256x5xf32>,
    return
  }
}

</mosaic_0001>

<sc_bundles>
// kernel: kernel.10.cloned.1.call-start
scs
__scs_entry_jumppad:
0x0: {  	(pc) =	sbr.rel $0x88, $3  }
0x1: {  	(tag) =	ssettag $0x0;
	lr =	simm.s32 $0x1  }
0x2: {  	[smem:$0x3F9A] =	sst lr;
	_ =	strace $0xD0000000  }
0x3: {  	_ = 	snop  }
0x4: {  	_ = 	snop  }
0x5: {  	_ = 	snop  }
0x6: {  	_ = 	snop  }
0x7: {  	_ = 	snop  }
__scs_overlays_trampoline_lowered:
0x8: {  	[smem:$0x3FA9] =	sst s0  }
0x9: {  	[smem:$0x3FAA] =	sst s1  }
0xa: {  	[smem:$0x3FAB] =	sst s2  }
0xb: {  	[smem:$0x3FAC] =	sst s3  }
0xc: {  	[smem:$0x3FAD] =	sst s4  }
0xd: {  	[smem:$0x3FAE] =	sst s5  }
0xe: {  	[smem:$0x3FAF] =	sst s6  }
0xf: {  	[smem:$0x3FB0] =	sst s7  }
0x10: {  	[smem:$0x3FB1] =	sst s8  }
0x11: {  	[smem:$0x3FB2] =	sst s9;
	s0 =	simm.s32 @!p0 $0x0  }
0x12: {  	s1 =	sld [smem:$0x3F98];
	s0 =	simm.s32 @p0 $0x1  }
0x13: {  	[smem:$0x3FB3] =	sst s0;
	s0 =	simm.s32 @!p1 $0x0  }
0x14: {  	s2 =	sld [smem:$0x3F97];
	s0 =	simm.s32 @p1 $0x1  }
0x15: {  	[smem:$0x3FB4] =	sst s0;
	s0 =	simm.s32 @!p2 $0x0  }
0x16: {  	s3 =	sld [smem:$0x3FDB];
	s0 =	simm.s32 @p2 $0x1  }
0x17: {  	s4 =	simm.s32 $0x1BF5;
	[smem:$0x3FB6] =	sst s0  }
0x18: {  	s0 =	sld [smem:$0x3F99];
	_ =	swait.ge [sflag:s4], $0x0  }
0x19: {  	s7 =	sld [smem:$0x3F9A]  }
0x1a: {  	s8 =	sadd.s32 $0xFFFFE003, lr  }
0x1b: {  	s9 =	sadd.s32 $0xFFFFFEF7, lr;
	s5 =	simm.s32 $0xFFFFFFFF;
	p2 =	slt.u32 s8, $0xFFFFF086  }
0x1c: {  	p1 =	slt.u32 s9, $0xF7A;
	s5 =	simm.s32 @!p2 $0x0  }
0x1d: {  	s5 =	simm.s32 @p1 $0x1;
	p0 =	seq.s32 s7, s2  }
0x1e: {  	s7 =	smul.u32 @!p0 $0xF7A, s2;
	p2 =	seq.s32 @!p0 s5, $0x0  }
0x1f: {  	s9 =	smul.u32 $0xF7A, s1;
	s8 =	simm.s32 @!p0 $0x1BF5;
	p2 =	por !p2, p0  }
0x20: {  	[sflag:s8] =	ssyncset.s32 @!p0 $0xFFFFF086;
	s6 =	sadd.s32 @!p0 s3, s7;
	s7 =	simm.s32 @!p0 $0x108  }
0x21: {  	s3 =	sadd.s32 s3, s9;
	s6 =	sadd.s32 @!p0 $0x88, s6;
	s7 =	simm.s32 @p2 $0x1082  }
0x22: {  	[simem:s7], [sflag:s8] =	dma.local @!p0 [hbm:s6], $0xF7A  }
0x23: {  	s9 =	sor.u32 $0xD0000000, s2;
	s6 =	simm.s32 $0x108;
	_ =	swait.ge @!p0 [sflag:s8], $0x0  }
0x24: {  	s3 =	sadd.s32 $0x88, s3;
	s6 =	simm.s32 @!p1 $0x1082;
	[sflag:s4] =	ssyncset.s32 $0xFFFFF086  }
0x25: {  	[simem:s6], [sflag:s4] =	dma.local [hbm:s3], $0xF7A  }
0x26: {  	[smem:$0x3F9A] =	sst s1;
	(tag) =	ssettag s2;
	_ =	strace s9  }
0x27: {  	s1 =	sld [smem:$0x3FAA]  }
0x28: {  	s2 =	sld [smem:$0x3FAB]  }
0x29: {  	s4 =	sld [smem:$0x3FAD]  }
0x2a: {  	p0 =	seq.s32 s5, $0x0;
	s5 =	sld [smem:$0x3FAE]  }
0x2b: {  	s6 =	sld [smem:$0x3FAF]  }
0x2c: {  	s7 =	sld [smem:$0x3FB0]  }
0x2d: {  	s3 =	simm.s32 $0x108;
	s8 =	sld [smem:$0x3FB1]  }
0x2e: {  	s3 =	simm.s32 @!p0 $0x1082;
	s9 =	sld [smem:$0x3FB2]  }
0x2f: {  	lr =	sadd.s32 s0, s3;
	s0 =	sld [smem:$0x3FA9]  }
0x30: {  	s3 =	sld [smem:$0x3FAC]  }
0x31: {  	[smem:$0x3FB5] =	sst s10  }
0x32: {  	s10 =	sld [smem:$0x3FB3];
	_ =	sdelay $0x3  }
0x33: {  	p0 =	seq.s32 s10, $0x1;
	s10 =	sld [smem:$0x3FB5];
	_ =	sdelay $0x3  }
0x34: {  	[smem:$0x3FB5] =	sst s10  }
0x35: {  	s10 =	sld [smem:$0x3FB4];
	_ =	sdelay $0x3  }
0x36: {  	p1 =	seq.s32 s10, $0x1;
	s10 =	sld [smem:$0x3FB5];
	_ =	sdelay $0x3  }
0x37: {  	[smem:$0x3FB5] =	sst s10  }
0x38: {  	s10 =	sld [smem:$0x3FB6]  }
0x39: {  	_ = 	snop;
	(pc) =	sbr.ind lr, $3  }
0x3a: {  	_ = 	snop  }
0x3b: {  	_ = 	snop  }
0x3c: {  	p2 =	seq.s32 s10, $0x1;
	s10 =	sld [smem:$0x3FB5]  }
0x3d: {  	_ =	shalt  }
0x3e: {  	_ =	shalt  }
0x3f: {  	_ =	shalt  }
0x40: {  	_ =	shalt  }
0x41: {  	_ =	shalt  }
0x42: {  	_ =	shalt  }
0x43: {  	_ =	shalt  }
0x44: {  	_ =	shalt  }
0x45: {  	_ =	shalt  }
0x46: {  	_ =	shalt  }
0x47: {  	_ =	shalt  }
0x48: {  	_ =	shalt  }
0x49: {  	_ =	shalt  }
0x4a: {  	_ =	shalt  }
0x4b: {  	_ =	shalt  }
0x4c: {  	_ =	shalt  }
0x4d: {  	_ =	shalt  }
0x4e: {  	_ =	shalt  }
0x4f: {  	_ =	shalt  }
0x50: {  	_ =	shalt  }
0x51: {  	_ =	shalt  }
0x52: {  	_ =	shalt  }
0x53: {  	_ =	shalt  }
0x54: {  	_ =	shalt  }
0x55: {  	_ =	shalt  }
0x56: {  	_ =	shalt  }
0x57: {  	_ =	shalt  }
0x58: {  	_ =	shalt  }
0x59: {  	_ =	shalt  }
0x5a: {  	_ =	shalt  }
0x5b: {  	_ =	shalt  }
0x5c: {  	_ =	shalt  }
0x5d: {  	_ =	shalt  }
0x5e: {  	_ =	shalt  }
0x5f: {  	_ =	shalt  }
0x60: {  	_ =	shalt  }
0x61: {  	_ =	shalt  }
0x62: {  	_ =	shalt  }
0x63: {  	_ =	shalt  }
0x64: {  	_ =	shalt  }
0x65: {  	_ =	shalt  }
0x66: {  	_ =	shalt  }
0x67: {  	_ =	shalt  }
0x68: {  	_ =	shalt  }
0x69: {  	_ =	shalt  }
0x6a: {  	_ =	shalt  }
0x6b: {  	_ =	shalt  }
0x6c: {  	_ =	shalt  }
0x6d: {  	_ =	shalt  }
0x6e: {  	_ =	shalt  }
0x6f: {  	_ =	shalt  }
0x70: {  	_ =	shalt  }
0x71: {  	_ =	shalt  }
0x72: {  	_ =	shalt  }
0x73: {  	_ =	shalt  }
0x74: {  	_ =	shalt  }
0x75: {  	_ =	shalt  }
0x76: {  	_ =	shalt  }
0x77: {  	_ =	shalt  }
0x78: {  	_ =	shalt  }
0x79: {  	_ =	shalt  }
0x7a: {  	_ =	shalt  }
0x7b: {  	_ =	shalt  }
0x7c: {  	_ =	shalt  }
0x7d: {  	_ =	shalt  }
0x7e: {  	_ =	shalt  }
0x7f: {  	_ =	shalt  }
0x80: {  	_ =	shalt  }
0x81: {  	_ =	shalt  }
0x82: {  	_ =	shalt  }
0x83: {  	_ =	shalt  }
0x84: {  	_ =	shalt  }
0x85: {  	_ =	shalt  }
0x86: {  	_ =	shalt  }
0x87: {  	_ =	shalt  }
.Lfunc_end0:
.L_simem_size_0:
called_computation.1_lowered:
.L_overlay_start_0:
0x88: {  	s2 =	sld [smem:$0x3FD9]  }
0x89: {  	s3 =	sld [smem:$0x3FFE];
	_ =	sdelay $0x1  }
0x8a: {  	s1 =	srdreg.scid  }
0x8b: {  	s0 =	sand.u32 $0x1, s1  }
0x8c: {  	s17 =	sshll.u32 s0, $0xA;
	s2 =	sadd.s32 s3, s2  }
0x8d: {  	s2 =	sadd.s32 s2, s17  }
0x8e: {  	[smem:$0x3FC1] =	sst s2  }
0x8f: {  	_ = 	snop  }
0x90: {  	s2 =	sld [smem:$0x3FC7];
	(tm) =	ssettm $0x1  }
0x91: {  	s18 =	sld [smem:$0x3FFB];
	_ =	sdelay $0x3  }
0x92: {  	_ =	strace s18  }
0x93: {  	s3 =	sld [smem:$0x3FFC];
	_ =	sdelay $0x3  }
0x94: {  	_ =	strace s3  }
0x95: {  	s3 =	sld [smem:$0x3FFD];
	_ =	sdelay $0x3  }
0x96: {  	_ =	strace s3  }
0x97: {  	_ =	strace $0x8FFFFFFF  }
0x98: {  	s19 =	sld [smem:$0x3FDB];
	_ =	sdelay $0x1  }
0x99: {  	s4 =	simm.s32 $_scs_section_size  }
0x9a: {  	s5 =	simm.s32 $_size__tile_overlayer_lowered;
	s6 =	simm.s32 $_tile_overlayer_lowered  }
0x9b: {  	s22 =	simm.s32 $0x1BFF;
	s21 =	sshll.u32 s6, $0x1;
	s3 =	sadd.s32 s4, s19  }
0x9c: {  	s7 =	simm.s32 $0x0;
	s20 =	sshll.u32 s5, $0x1;
	s5 =	sadd.s32 s21, s3  }
0x9d: {  	[timem:s7], [sflag:s22] =	dma.local [hbm:s5], s20  }
0x9e: {  	_ =	swait.ge [sflag:s22], s20  }
0x9f: {  	s4 =	ssub.s32 $0x0, s20;
	[sflag:s22] =	ssyncset.done $0x0  }
0xa0: {  	[sflag:s22] =	ssyncadd.s32 s4;
	_ =	sdelay $0x1  }
0xa1: {  	s23 =	simm.s32 $0x1B8B  }
0xa2: {  	_ =	swait.ge [sflag:s23], $0x1  }
0xa3: {  	[sflag:s23] =	ssyncset.done $0x0  }
0xa4: {  	s25 =	simm.s32 $0x1B8E;
	s24 =	sld [smem:$0x3FFE];
	[sflag:s23] =	ssyncadd.s32 $0xFFFFFFFF  }
0xa5: {  	s26 =	simm.s32 $execute0_lowered;
	[smem:$0x3FD2] =	sst s25  }
0xa6: {  	s5 =	sshll.u32 s26, $0x1;
	_ =	strace $0x80000049;
	[dreg:$0x1] =	wrdreg $0xFFFFFFFF  }
0xa7: {  	s28 =	simm.s32 $_size_execute0_lowered;
	s3 =	sadd.s32 s3, s5;
	[dreg:$0x0] =	wrdreg $0x0  }
0xa8: {  	s5 =	sshll.u32 s28, $0x1;
	[dreg:$0x2] =	wrdreg s3  }
0xa9: {  	[dreg:$0x3] =	wrdreg s5  }
0xaa: {  	[dreg:$0x4] =	wrdreg $0xC0  }
0xab: {  	_ =	task [dreg:s7], $0x5FFFF  }
0xac: {  	[dreg:$0x1] =	wrdreg $0xFFFFFFFF  }
0xad: {  	[dreg:$0x0] =	wrdreg $0x60  }
0xae: {  	[dreg:$0x2] =	wrdreg s24  }
0xaf: {  	[dreg:$0x3] =	wrdreg s2  }
0xb0: {  	[dreg:$0x4] =	wrdreg $0x9  }
0xb1: {  	_ =	task.clear_ibuf [dreg:s7], $0x5FFFF;
	_ =	strace $0x90000049  }
0xb2: {  	s29 =	simm.s32 $0x9;
	_ =	strace $0x8000004B  }
0xb3: {  	_ =	swait.ge [sflag:s29], $0x1  }
0xb4: {  	[sflag:s29] =	ssyncadd.s32 $0xFFFFFFFF  }
0xb5: {  	_ =	strace $0x9000004B  }
0xb6: {  	_ =	sfence  }
0xb7: {  	s30 =	sld [smem:$0x0];
	_ =	sdelay $0x2  }
0xb8: {  	s31 =	sshll.u32 s1, $0xD;
	s1 =	sshrl.u32 s1, $0x2  }
0xb9: {  	s3 =	sand.u32 $0x4000, s31;
	s1 =	sadd.s32 s1, s30  }
0xba: {  	s0 =	sor.u32 s3, s0;
	s1 =	sshll.u32 s1, $0x11  }
0xbb: {  	s0 =	sor.u32 s1, s0  }
0xbc: {  	s0 =	sadd.s32 $0x8F2B, s0  }
0xbd: {  	[sflag:s0] =	ssyncadd.remote.s32 $0x1  }
0xbe: {  	_ =	sfence.sel $0xFFFF  }
0xbf: {  	[dreg:$0x0] =	wrdreg $0xFFFFFFFF;
	(pc) =	sbr.abs _section_cstart, $3  }
0xc0: {  	[dreg:$0x1] =	wrdreg $0xFFFFFFFF  }
0xc1: {  	_ =	task.clear_ibuf [dreg:s7], $0x2FFFF;
	_ =	strace $0x9FFFFFFF  }
0xc2: {  	(tm) =	ssettm $0x7FFFFFFF  }
0xc3: {  	_ =	shalt  }
tec
execute0_lowered:
.L_overlay_start_1:
0x0: {  	(tag) =	ssettag $0x1  }
0x1: {  	s1 =	srdreg.scid;
	s0 =	stileid.u32  }
0x2: {  	s4 =	rddreg [dreg:$0x0];
	s3 =	sand.u32 $0x1, s1;
	s31 =	sshll.u32 s0, $0x1  }
0x3: {  	s6 =	rddreg [dreg:$0x1];
	s2 =	simm.s32 $0x0;
	s1 =	sor.u32 s3, s31  }
0x4: {  	s11 =	simm.s32 $0x7A80;
	[smem:$0x7FF] =	sst s2;
	s5 =	smul.u32 $0xC40, s1  }
0x5: {  	s12 =	simm.s32 $0x0;
	s3 =	ssub.s32 $0x2, s3;
	s1 =	rddreg [dreg:$0x2]  }
0x6: {  	_ =	strace $0x8000004A;
	s9 =	sshrl.u32 s3, $0x1;
	s5 =	smin.u32 s5, $0x17A60  }
0x7: {  	s9 =	ssub.s32 s3, s9;
	s7 =	sshrl.u32 s5, $0x3;
	s10 =	sadd.s32 s5, s4  }
0x8: {  	s8 =	sadd.s32 s7, s4;
	s4 =	sadd.s32 $0xCB200, s10;
	s5 =	sadd.s32 s6, s7  }
0x9: {  	v0 =	vlaneseq.u32;
	s6 =	sadd.s32 $0xE3A00, s10;
	s7 =	smax.u32 s9, $0x1;
	s9 =	simm.s32 $0xC40  }
0xa: {  	v1 =	vor.u32 $0xFFFFFFF8, v0;
	s10 =	simm.s32 $0x6E40;
	s3 =	sadd.s32 $0xC5000, s8;
	s8 =	simm.s32 $0x1  }
.LBB2_1:
0xb: {  	[tilespmem:s2], [sflag:$0x1] =	stream.linear.gather [hbm4b:s3+s2], $0xC40, $0x38;
	[tilespmem:$0xDC80] =	vst v63  }
0xc: {  	_ =	swait.ge [sflag:s8], $0xC40  }
0xd: {  	[sflag:s8] =	ssyncset.done $0x0  }
0xe: {  	[sflag:s8] =	ssyncadd.s32 $0xFFFFF3C0  }
0xf: {  	[tilespmem:s9], [sflag:$0x1] =	stream.linear.gather [hbm4b:s4+s2], $0x6200, $0x38;
	[tilespmem:$0xDC80] =	vst v63  }
0x10: {  	_ =	swait.ge [sflag:s8], $0x6200  }
0x11: {  	v2 =	vor.u32 s2, v0;
	[sflag:s8] =	ssyncset.done $0x0  }
0x12: {  	v3 =	vshll.u32 v2, $0x3;
	[sflag:s8] =	ssyncadd.s32 $0xFFFF9E00  }
0x13: {  	[tilespmem:s10], [sflag:$0x1] =	stream.linear.gather [hbm4b:s5+s2], $0xC40, $0x38;
	[tilespmem:$0xDC80] =	vst v63  }
0x14: {  	_ =	swait.ge [sflag:s8], $0xC40  }
0x15: {  	[sflag:s8] =	ssyncset.done $0x0  }
0x16: {  	[sflag:s8] =	ssyncadd.s32 $0xFFFFF3C0  }
0x17: {  	v4 =	vld.idx.msk [tilespmem:v3+s9+$0x0], $0xffff  }
0x18: {  	v6 =	vld [tilespmem:s2+$0x0];
	_ =	sdelay $0x1  }
0x19: {  	v2 =	vand.u32 v1, v2  }
0x1a: {  	v5 =	vor.u32 $0x1, v3;
	_ =	sdelay $0x1  }
0x1b: {  	v4 =	vmul.f32 v4, v6;
	_ =	sdelay $0x1  }
0x1c: {  	v7 =	vld.idx.msk [tilespmem:v2+s10+$0x0], $0xffff;
	[tilespmem:v3+s11+$0x0] =	vst.idx.msk $0xffff, v4  }
0x1d: {  	v2 =	vld.idx.msk [tilespmem:v5+s9+$0x0], $0xffff;
	_ =	sdelay $0x2  }
0x1e: {  	v8 =	vor.u32 $0x2, v3;
	_ =	sdelay $0x1  }
0x1f: {  	v2 =	vmul.f32 v2, v6;
	_ =	sdelay $0x1  }
0x20: {  	[tilespmem:v5+s11+$0x0] =	vst.idx.msk $0xffff, v2  }
0x21: {  	v2 =	vld.idx.msk [tilespmem:v8+s9+$0x0], $0xffff;
	_ =	sdelay $0x3  }
0x22: {  	v9 =	vor.u32 $0x3, v3  }
0x23: {  	s13 =	simm.s32 $0x10;
	v2 =	vmul.f32 v2, v6  }
0x24: {  	v4 =	vor.u32 $0x4, v3;
	v5 =	vor.u32 s13, v0  }
0x25: {  	[tilespmem:v8+s11+$0x0] =	vst.idx.msk $0xffff, v2;
	v2 =	vshll.u32 v5, $0x3;
	_ =	sdelay $0x1  }
0x26: {  	s14 =	simm.s32 $0x0;
	s13 =	simm.s32 $0x20;
	v3 =	vand.u32 v1, v5;
	v5 =	vcvt.s32.f32 v7;
	[tilespmem:v9+s11+$0x0] =	vst.idx.msk $0xffff, v6  }
.LBB2_2:
0x27: {  	p0 =	sne.s32 s13, $0xC30  }
0x28: {  	[tilespmem:v4+s11+$0x0] =	vst.idx.msk $0xffff, v5;
	s14 =	sadd.s32 $0x10, s14;
	s15 =	smov.u32 s13;
	s13 =	sadd.s32 $0x10, s13  }
0x29: {  	v4 =	vld.idx.msk [tilespmem:v2+s9+$0x0], $0xffff  }
0x2a: {  	v6 =	vld [tilespmem:s14+$0x0];
	_ =	sdelay $0x2  }
0x2b: {  	v5 =	vor.u32 $0x1, v2;
	_ =	sdelay $0x1  }
0x2c: {  	v4 =	vmul.f32 v4, v6  }
0x2d: {  	v7 =	vld.idx.msk [tilespmem:v3+s10+$0x0], $0xffff  }
0x2e: {  	[tilespmem:v2+s11+$0x0] =	vst.idx.msk $0xffff, v4  }
0x2f: {  	v3 =	vld.idx.msk [tilespmem:v5+s9+$0x0], $0xffff;
	_ =	sdelay $0x3  }
0x30: {  	v8 =	vor.u32 $0x2, v2;
	_ =	sdelay $0x1  }
0x31: {  	v3 =	vmul.f32 v3, v6;
	_ =	sdelay $0x1  }
0x32: {  	[tilespmem:v5+s11+$0x0] =	vst.idx.msk $0xffff, v3  }
0x33: {  	v5 =	vld.idx.msk [tilespmem:v8+s9+$0x0], $0xffff;
	_ =	sdelay $0x3  }
0x34: {  	v9 =	vor.u32 $0x3, v2  }
.Ltmp0:
0x35: {  	v10 =	vor.u32 s15, v0;
	v4 =	vor.u32 $0x4, v2;
	(pc) =	sbr.rel @p0 .LBB2_2-.Ltmp0, $3  }
0x36: {  	v2 =	vshll.u32 v10, $0x3;
	v3 =	vand.u32 v1, v10;
	v10 =	vmul.f32 v5, v6;
	_ =	sdelay $0x1  }
0x37: {  	v5 =	vcvt.s32.f32 v7;
	[tilespmem:v8+s11+$0x0] =	vst.idx.msk $0xffff, v10  }
0x38: {  	[tilespmem:v9+s11+$0x0] =	vst.idx.msk $0xffff, v6  }
0x39: {  	_ =	sdelay $0x3  }
0x3a: {  	[tilespmem:v4+s11+$0x0] =	vst.idx.msk $0xffff, v5  }
0x3b: {  	s13 =	sadd.s32 $0x10, s14;
	v4 =	vld.idx.msk [tilespmem:v2+s9+$0x0], $0xffff  }
0x3c: {  	v5 =	vld [tilespmem:s13+$0x0];
	_ =	sdelay $0x2  }
0x3d: {  	v6 =	vor.u32 $0x1, v2;
	_ =	sdelay $0x1  }
0x3e: {  	v4 =	vmul.f32 v4, v5;
	_ =	sdelay $0x1  }
0x3f: {  	v3 =	vld.idx.msk [tilespmem:v3+s10+$0x0], $0xffff;
	[tilespmem:v2+s11+$0x0] =	vst.idx.msk $0xffff, v4  }
0x40: {  	v4 =	vld.idx.msk [tilespmem:v6+s9+$0x0], $0xffff;
	_ =	sdelay $0x2  }
0x41: {  	v7 =	vor.u32 $0x2, v2;
	_ =	sdelay $0x1  }
0x42: {  	v4 =	vmul.f32 v4, v5;
	_ =	sdelay $0x1  }
0x43: {  	[tilespmem:v6+s11+$0x0] =	vst.idx.msk $0xffff, v4  }
0x44: {  	v4 =	vld.idx.msk [tilespmem:v7+s9+$0x0], $0xffff;
	_ =	sdelay $0x2  }
0x45: {  	v63 =	vor.u32 $0x3, v2  }
0x46: {  	v2 =	vor.u32 $0x4, v2  }
0x47: {  	v4 =	vmul.f32 v4, v5;
	_ =	sdelay $0x1  }
0x48: {  	s12 =	sadd.s32 $0x1, s12;
	v3 =	vcvt.s32.f32 v3;
	[tilespmem:v7+s11+$0x0] =	vst.idx.msk $0xffff, v4  }
0x49: {  	p0 =	sne.s32 s12, s7;
	[tilespmem:v63+s11+$0x0] =	vst.idx.msk $0xffff, v5  }
.Ltmp1:
0x4a: {  	[tilespmem:v2+s11+$0x0] =	vst.idx.msk $0xffff, v3;
	(pc) =	sbr.rel @p0 .LBB2_1-.Ltmp1, $4  }
0x4b: {  	[hbm4b:s6+s2] =	stream.linear.scatter [tilespmem:s11], [sflag:$0x1], $0x6200, $0x38;
	[tilespmem:$0xDC80] =	vst v63  }
0x4c: {  	_ =	swait.ge [sflag:s8], $0x6200  }
0x4d: {  	[sflag:s8] =	ssyncset.done $0x0  }
0x4e: {  	[sflag:s8] =	ssyncadd.s32 $0xFFFF9E00  }
0x4f: {  	_ =	sfence.sel $0x180000  }
0x50: {  	[bflag:$0x0] =	sbarrier.arrive $0xFFFF  }
0x51: {  	p0 =	sne.s32 s0, $0x0;
	_ =	strace $0x9000004A  }
0x52: {  	s0 =	sadd.s32 @!p0 $0x100000, s1;
	[bflag:$0x2] =	sbarrier.arrive $0xFFFF  }
0x53: {  	[sflag:s0] =	ssyncadd.tile.s32 @!p0 $0x1;
	_ =	shalt  }
.Lfunc_end2:
_tile_overlayer_lowered:
.L_overlay_start_2:
0x54: {  	(tag) =	ssettag $0x2  }
0x55: {  	s0 =	rddreg [dreg:$0x0];
	s2 =	stileid.u32  }
0x56: {  	s1 =	rddreg [dreg:$0x1];
	p0 =	sne.s32 s2, $0x0  }
0x57: {  	s3 =	rddreg [dreg:$0x2];
	[bflag:$0x3] =	sbarrier.arrive $0xFFFF;
	s2 =	simm.s32 @!p0 $0x1C01  }
0x58: {  	[timem:s3], [sflag:s2] =	dma.local @!p0 [hbm:s0], s1  }
0x59: {  	s0 =	simm.s32 @!p0 $0x1  }
0x5a: {  	_ =	swait.ge @!p0 [sflag:s0], s1  }
0x5b: {  	s1 =	ssub.s32 @!p0 $0x0, s1;
	[sflag:s0] =	ssyncset.done @!p0 $0x0  }
0x5c: {  	[sflag:s0] =	ssyncadd.s32 @!p0 s1  }
0x5d: {  	[bflag:$0x3] =	sbarrier.arrive $0xFFFF  }
0x5e: {  	_ =	shalt  }

// kernel: kernel.13.cloned.1.call-start
scs
__scs_entry_jumppad:
0x0: {  	(pc) =	sbr.rel $0x88, $3  }
0x1: {  	(tag) =	ssettag $0x0;
	lr =	simm.s32 $0x1  }
0x2: {  	[smem:$0x3F9A] =	sst lr;
	_ =	strace $0xD0000000  }
0x3: {  	_ = 	snop  }
0x4: {  	_ = 	snop  }
0x5: {  	_ = 	snop  }
0x6: {  	_ = 	snop  }
0x7: {  	_ = 	snop  }
__scs_overlays_trampoline_lowered:
0x8: {  	[smem:$0x3FA9] =	sst s0  }
0x9: {  	[smem:$0x3FAA] =	sst s1  }
0xa: {  	[smem:$0x3FAB] =	sst s2  }
0xb: {  	[smem:$0x3FAC] =	sst s3  }
0xc: {  	[smem:$0x3FAD] =	sst s4  }
0xd: {  	[smem:$0x3FAE] =	sst s5  }
0xe: {  	[smem:$0x3FAF] =	sst s6  }
0xf: {  	[smem:$0x3FB0] =	sst s7  }
0x10: {  	[smem:$0x3FB1] =	sst s8  }
0x11: {  	[smem:$0x3FB2] =	sst s9;
	s0 =	simm.s32 @!p0 $0x0  }
0x12: {  	s1 =	sld [smem:$0x3F98];
	s0 =	simm.s32 @p0 $0x1  }
0x13: {  	[smem:$0x3FB3] =	sst s0;
	s0 =	simm.s32 @!p1 $0x0  }
0x14: {  	s2 =	sld [smem:$0x3F97];
	s0 =	simm.s32 @p1 $0x1  }
0x15: {  	[smem:$0x3FB4] =	sst s0;
	s0 =	simm.s32 @!p2 $0x0  }
0x16: {  	s3 =	sld [smem:$0x3FDB];
	s0 =	simm.s32 @p2 $0x1  }
0x17: {  	s4 =	simm.s32 $0x1BF5;
	[smem:$0x3FB6] =	sst s0  }
0x18: {  	s0 =	sld [smem:$0x3F99];
	_ =	swait.ge [sflag:s4], $0x0  }
0x19: {  	s7 =	sld [smem:$0x3F9A]  }
0x1a: {  	s8 =	sadd.s32 $0xFFFFE003, lr  }
0x1b: {  	s9 =	sadd.s32 $0xFFFFFEF7, lr;
	s5 =	simm.s32 $0xFFFFFFFF;
	p2 =	slt.u32 s8, $0xFFFFF086  }
0x1c: {  	p1 =	slt.u32 s9, $0xF7A;
	s5 =	simm.s32 @!p2 $0x0  }
0x1d: {  	s5 =	simm.s32 @p1 $0x1;
	p0 =	seq.s32 s7, s2  }
0x1e: {  	s7 =	smul.u32 @!p0 $0xF7A, s2;
	p2 =	seq.s32 @!p0 s5, $0x0  }
0x1f: {  	s9 =	smul.u32 $0xF7A, s1;
	s8 =	simm.s32 @!p0 $0x1BF5;
	p2 =	por !p2, p0  }
0x20: {  	[sflag:s8] =	ssyncset.s32 @!p0 $0xFFFFF086;
	s6 =	sadd.s32 @!p0 s3, s7;
	s7 =	simm.s32 @!p0 $0x108  }
0x21: {  	s3 =	sadd.s32 s3, s9;
	s6 =	sadd.s32 @!p0 $0x88, s6;
	s7 =	simm.s32 @p2 $0x1082  }
0x22: {  	[simem:s7], [sflag:s8] =	dma.local @!p0 [hbm:s6], $0xF7A  }
0x23: {  	s9 =	sor.u32 $0xD0000000, s2;
	s6 =	simm.s32 $0x108;
	_ =	swait.ge @!p0 [sflag:s8], $0x0  }
0x24: {  	s3 =	sadd.s32 $0x88, s3;
	s6 =	simm.s32 @!p1 $0x1082;
	[sflag:s4] =	ssyncset.s32 $0xFFFFF086  }
0x25: {  	[simem:s6], [sflag:s4] =	dma.local [hbm:s3], $0xF7A  }
0x26: {  	[smem:$0x3F9A] =	sst s1;
	(tag) =	ssettag s2;
	_ =	strace s9  }
0x27: {  	s1 =	sld [smem:$0x3FAA]  }
0x28: {  	s2 =	sld [smem:$0x3FAB]  }
0x29: {  	s4 =	sld [smem:$0x3FAD]  }
0x2a: {  	p0 =	seq.s32 s5, $0x0;
	s5 =	sld [smem:$0x3FAE]  }
0x2b: {  	s6 =	sld [smem:$0x3FAF]  }
0x2c: {  	s7 =	sld [smem:$0x3FB0]  }
0x2d: {  	s3 =	simm.s32 $0x108;
	s8 =	sld [smem:$0x3FB1]  }
0x2e: {  	s3 =	simm.s32 @!p0 $0x1082;
	s9 =	sld [smem:$0x3FB2]  }
0x2f: {  	lr =	sadd.s32 s0, s3;
	s0 =	sld [smem:$0x3FA9]  }
0x30: {  	s3 =	sld [smem:$0x3FAC]  }
0x31: {  	[smem:$0x3FB5] =	sst s10  }
0x32: {  	s10 =	sld [smem:$0x3FB3];
	_ =	sdelay $0x3  }
0x33: {  	p0 =	seq.s32 s10, $0x1;
	s10 =	sld [smem:$0x3FB5];
	_ =	sdelay $0x3  }
0x34: {  	[smem:$0x3FB5] =	sst s10  }
0x35: {  	s10 =	sld [smem:$0x3FB4];
	_ =	sdelay $0x3  }
0x36: {  	p1 =	seq.s32 s10, $0x1;
	s10 =	sld [smem:$0x3FB5];
	_ =	sdelay $0x3  }
0x37: {  	[smem:$0x3FB5] =	sst s10  }
0x38: {  	s10 =	sld [smem:$0x3FB6]  }
0x39: {  	_ = 	snop;
	(pc) =	sbr.ind lr, $3  }
0x3a: {  	_ = 	snop  }
0x3b: {  	_ = 	snop  }
0x3c: {  	p2 =	seq.s32 s10, $0x1;
	s10 =	sld [smem:$0x3FB5]  }
0x3d: {  	_ =	shalt  }
0x3e: {  	_ =	shalt  }
0x3f: {  	_ =	shalt  }
0x40: {  	_ =	shalt  }
0x41: {  	_ =	shalt  }
0x42: {  	_ =	shalt  }
0x43: {  	_ =	shalt  }
0x44: {  	_ =	shalt  }
0x45: {  	_ =	shalt  }
0x46: {  	_ =	shalt  }
0x47: {  	_ =	shalt  }
0x48: {  	_ =	shalt  }
0x49: {  	_ =	shalt  }
0x4a: {  	_ =	shalt  }
0x4b: {  	_ =	shalt  }
0x4c: {  	_ =	shalt  }
0x4d: {  	_ =	shalt  }
0x4e: {  	_ =	shalt  }
0x4f: {  	_ =	shalt  }
0x50: {  	_ =	shalt  }
0x51: {  	_ =	shalt  }
0x52: {  	_ =	shalt  }
0x53: {  	_ =	shalt  }
0x54: {  	_ =	shalt  }
0x55: {  	_ =	shalt  }
0x56: {  	_ =	shalt  }
0x57: {  	_ =	shalt  }
0x58: {  	_ =	shalt  }
0x59: {  	_ =	shalt  }
0x5a: {  	_ =	shalt  }
0x5b: {  	_ =	shalt  }
0x5c: {  	_ =	shalt  }
0x5d: {  	_ =	shalt  }
0x5e: {  	_ =	shalt  }
0x5f: {  	_ =	shalt  }
0x60: {  	_ =	shalt  }
0x61: {  	_ =	shalt  }
0x62: {  	_ =	shalt  }
0x63: {  	_ =	shalt  }
0x64: {  	_ =	shalt  }
0x65: {  	_ =	shalt  }
0x66: {  	_ =	shalt  }
0x67: {  	_ =	shalt  }
0x68: {  	_ =	shalt  }
0x69: {  	_ =	shalt  }
0x6a: {  	_ =	shalt  }
0x6b: {  	_ =	shalt  }
0x6c: {  	_ =	shalt  }
0x6d: {  	_ =	shalt  }
0x6e: {  	_ =	shalt  }
0x6f: {  	_ =	shalt  }
0x70: {  	_ =	shalt  }
0x71: {  	_ =	shalt  }
0x72: {  	_ =	shalt  }
0x73: {  	_ =	shalt  }
0x74: {  	_ =	shalt  }
0x75: {  	_ =	shalt  }
0x76: {  	_ =	shalt  }
0x77: {  	_ =	shalt  }
0x78: {  	_ =	shalt  }
0x79: {  	_ =	shalt  }
0x7a: {  	_ =	shalt  }
0x7b: {  	_ =	shalt  }
0x7c: {  	_ =	shalt  }
0x7d: {  	_ =	shalt  }
0x7e: {  	_ =	shalt  }
0x7f: {  	_ =	shalt  }
0x80: {  	_ =	shalt  }
0x81: {  	_ =	shalt  }
0x82: {  	_ =	shalt  }
0x83: {  	_ =	shalt  }
0x84: {  	_ =	shalt  }
0x85: {  	_ =	shalt  }
0x86: {  	_ =	shalt  }
0x87: {  	_ =	shalt  }
.Lfunc_end0:
.L_simem_size_0:
called_computation.2_lowered:
.L_overlay_start_0:
0x88: {  	s2 =	sld [smem:$0x3FD9]  }
0x89: {  	s3 =	sld [smem:$0x3FFE];
	_ =	sdelay $0x1  }
0x8a: {  	s1 =	srdreg.scid  }
0x8b: {  	s0 =	sand.u32 $0x1, s1  }
0x8c: {  	s16 =	sshll.u32 s0, $0xA;
	s2 =	sadd.s32 s3, s2  }
0x8d: {  	s2 =	sadd.s32 s2, s16  }
0x8e: {  	[smem:$0x3FC1] =	sst s2  }
0x8f: {  	_ = 	snop  }
0x90: {  	(tm) =	ssettm $0x1  }
0x91: {  	s17 =	sld [smem:$0x3FFB];
	_ =	sdelay $0x3  }
0x92: {  	_ =	strace s17  }
0x93: {  	s2 =	sld [smem:$0x3FFC];
	_ =	sdelay $0x3  }
0x94: {  	_ =	strace s2  }
0x95: {  	s2 =	sld [smem:$0x3FFD];
	_ =	sdelay $0x3  }
0x96: {  	_ =	strace s2  }
0x97: {  	_ =	strace $0x8FFFFFFF  }
0x98: {  	s18 =	sld [smem:$0x3FDB];
	_ =	sdelay $0x1  }
0x99: {  	s19 =	simm.s32 $_scs_section_size  }
0x9a: {  	s4 =	simm.s32 $_size__tile_overlayer_lowered;
	s5 =	simm.s32 $_tile_overlayer_lowered  }
0x9b: {  	s22 =	simm.s32 $0x1BFF;
	s21 =	sshll.u32 s5, $0x1;
	s2 =	sadd.s32 s19, s18  }
0x9c: {  	s6 =	simm.s32 $0x0;
	s20 =	sshll.u32 s4, $0x1;
	s4 =	sadd.s32 s21, s2  }
0x9d: {  	[timem:s6], [sflag:s22] =	dma.local [hbm:s4], s20  }
0x9e: {  	_ =	swait.ge [sflag:s22], s20  }
0x9f: {  	s3 =	ssub.s32 $0x0, s20;
	[sflag:s22] =	ssyncset.done $0x0  }
0xa0: {  	[sflag:s22] =	ssyncadd.s32 s3;
	_ =	sdelay $0x1  }
0xa1: {  	s23 =	simm.s32 $0x1B8B  }
0xa2: {  	_ =	swait.ge [sflag:s23], $0x1  }
0xa3: {  	[sflag:s23] =	ssyncset.done $0x0  }
0xa4: {  	s25 =	simm.s32 $0x1B8E;
	s24 =	sld [smem:$0x3FFE];
	[sflag:s23] =	ssyncadd.s32 $0xFFFFFFFF  }
0xa5: {  	s26 =	simm.s32 $execute0_lowered;
	[smem:$0x3FD2] =	sst s25  }
0xa6: {  	s4 =	sshll.u32 s26, $0x1;
	_ =	strace $0x8000004C;
	[dreg:$0x1] =	wrdreg $0xFFFFFFFF  }
0xa7: {  	s28 =	simm.s32 $_size_execute0_lowered;
	s2 =	sadd.s32 s2, s4;
	[dreg:$0x0] =	wrdreg $0x0  }
0xa8: {  	s4 =	sshll.u32 s28, $0x1;
	[dreg:$0x2] =	wrdreg s2  }
0xa9: {  	[dreg:$0x3] =	wrdreg s4  }
0xaa: {  	[dreg:$0x4] =	wrdreg $0xC0  }
0xab: {  	_ =	task [dreg:s6], $0x5FFFF  }
0xac: {  	[dreg:$0x1] =	wrdreg $0xFFFFFFFF  }
0xad: {  	[dreg:$0x0] =	wrdreg $0x60  }
0xae: {  	[dreg:$0x2] =	wrdreg s24  }
0xaf: {  	[dreg:$0x3] =	wrdreg $0x9  }
0xb0: {  	_ =	task.clear_ibuf [dreg:s6], $0x4FFFF;
	_ =	strace $0x9000004C  }
0xb1: {  	s29 =	simm.s32 $0x9;
	_ =	strace $0x8000004E  }
0xb2: {  	_ =	swait.ge [sflag:s29], $0x1  }
0xb3: {  	[sflag:s29] =	ssyncadd.s32 $0xFFFFFFFF  }
0xb4: {  	_ =	strace $0x9000004E  }
0xb5: {  	_ =	sfence  }
0xb6: {  	s30 =	sld [smem:$0x0];
	_ =	sdelay $0x2  }
0xb7: {  	s31 =	sshll.u32 s1, $0xD;
	s1 =	sshrl.u32 s1, $0x2  }
0xb8: {  	s3 =	sand.u32 $0x4000, s31;
	s1 =	sadd.s32 s1, s30  }
0xb9: {  	s0 =	sor.u32 s3, s0;
	s1 =	sshll.u32 s1, $0x11  }
0xba: {  	s0 =	sor.u32 s1, s0  }
0xbb: {  	s0 =	sadd.s32 $0x8F2B, s0  }
0xbc: {  	[sflag:s0] =	ssyncadd.remote.s32 $0x1  }
0xbd: {  	_ =	sfence.sel $0xFFFF  }
0xbe: {  	[dreg:$0x0] =	wrdreg $0xFFFFFFFF;
	(pc) =	sbr.abs _section_cstart, $3  }
0xbf: {  	[dreg:$0x1] =	wrdreg $0xFFFFFFFF  }
0xc0: {  	_ =	task.clear_ibuf [dreg:s6], $0x2FFFF;
	_ =	strace $0x9FFFFFFF  }
0xc1: {  	(tm) =	ssettm $0x7FFFFFFF  }
tec
execute0_lowered:
.L_overlay_start_1:
0x0: {  	(tag) =	ssettag $0x1  }
0x1: {  	s13 =	stileid.u32  }
0x2: {  	s0 =	rddreg [dreg:$0x0];
	s19 =	simm.s32 $0x0;
	s9 =	smul.u32 $0xC2, s13  }
0x3: {  	s1 =	srdreg.scid;
	s8 =	simm.s32 $0x60;
	s12 =	smul.u32 $0x610000, s13  }
0x4: {  	s29 =	simm.s32 $0x1;
	s1 =	sand.u32 $0x1, s1;
	s18 =	smul.u32 $0xC2000, s13  }
0x5: {  	s30 =	simm.s32 $0x12000;
	[smem:$0x7FF] =	sst s19;
	s10 =	smul.u32 $0x61, s1  }
0x6: {  	s2 =	sshll.u32 s13, $0x1;
	s3 =	sadd.s32 $0xE3A00, s0;
	s28 =	smul.u32 $0x308000, s1  }
0x7: {  	s15 =	sadd.s32 $0x1A00, s0;
	_ =	strace $0x8000004D;
	s21 =	smul.u32 $0x61000, s1  }
0x8: {  	s2 =	sor.u32 s1, s2;
	s4 =	ssub.s32 $0x2, s1;
	s1 =	smul.u32 $0xC40, s1  }
0x9: {  	[dreg:$0x2] =	wrdreg s15;
	s5 =	sshll.u32 s2, $0xB;
	s6 =	sshrl.u32 s4, $0x1  }
0xa: {  	s26 =	smul.u32 $0x61, s2;
	s7 =	smin.u32 s2, $0x15;
	p0 =	slt.u32 s2, $0x15  }
0xb: {  	s2 =	smul.u32 $0xC40, s2;
	s0 =	sadd.s32 s5, s0;
	s4 =	ssub.s32 s4, s6  }
0xc: {  	s8 =	simm.s32 @!p0 $0x5F;
	s31 =	sadd.s32 s9, s7;
	s9 =	sadd.s32 s28, s12  }
0xd: {  	s24 =	sadd.s32 s21, s18;
	s25 =	sshll.u32 s7, $0xC;
	s14 =	sadd.s32 s7, s26  }
0xe: {  	s11 =	smin.u32 s2, $0x17A60;
	s0 =	sadd.s32 $0xC5000, s0;
	s4 =	smax.u32 s4, $0x1  }
0xf: {  	s26 =	smul.u32 $0x1880, s13;
	s18 =	sshll.u32 s8, $0xA;
	[dreg:$0x7] =	wrdreg s0  }
0x10: {  	s6 =	sadd.s32 s14, s8;
	s5 =	sshll.u32 s14, $0x7;
	[dreg:$0x9] =	wrdreg s4  }
0x11: {  	s2 =	ssub.s32 s2, s11;
	s11 =	sadd.s32 s3, s11;
	[dreg:$0x3] =	wrdreg s14  }
0x12: {  	s16 =	sadd.s32 s15, s5;
	s5 =	sadd.s32 $0x100, s5;
	[dreg:$0x6] =	wrdreg s11  }
0x13: {  	s11 =	sadd.s32 s10, s31;
	s10 =	sshll.u32 s7, $0xF;
	[dreg:$0x4] =	wrdreg s16  }
0x14: {  	p0 =	sgt.u32 s2, $0xC3F;
	s2 =	ssub.s32 $0x18000, s18;
	[dreg:$0x8] =	wrdreg s11  }
0x15: {  	s5 =	sand.u32 $0x1FFFFF80, s5;
	s22 =	sadd.s32 s8, s11;
	[dreg:$0x17] =	wrdreg s2  }
0x16: {  	s12 =	sshll.u32 s11, $0x3;
	s21 =	sadd.s32 $0x61B80, s16;
	[dreg:$0xb] =	wrdreg s22  }
0x17: {  	s0 =	sadd.s32 s10, s9;
	s5 =	sadd.s32 s15, s5;
	[dreg:$0x1a] =	wrdreg s21  }
0x18: {  	s20 =	sshll.u32 s11, $0x6;
	s4 =	sadd.s32 $0xFFFFFFFF, s12;
	[dreg:$0x5] =	wrdreg s5  }
0x19: {  	s10 =	sshll.u32 s8, $0x3;
	s9 =	sadd.s32 $0xFFFFFFFF, s20;
	[dreg:$0xa] =	wrdreg s4  }
0x1a: {  	s1 =	sadd.s32 s1, s26;
	s12 =	ssub.s32 $0x2FF, s10;
	[dreg:$0xc] =	wrdreg s9  }
0x1b: {  	s17 =	sadd.s32 $0x20000, s0;
	s20 =	sadd.s32 $0x61A80, s16;
	[dreg:$0x14] =	wrdreg s12  }
0x1c: {  	s22 =	sadd.s32 $0x4, s14;
	s4 =	sshrl.u32 s17, $0x2;
	[dreg:$0x19] =	wrdreg s20  }
0x1d: {  	s0 =	sadd.s32 $0x30000, s0;
	[dreg:$0x1b] =	wrdreg s22;
	s23 =	sadd.s32 $0xA000, s4  }
0x1e: {  	s0 =	sshrl.u32 s0, $0x2;
	s4 =	sadd.s32 $0x2000, s4;
	[dreg:$0xd] =	wrdreg s23  }
0x1f: {  	s13 =	smax.u32 s1, $0x17A60;
	s31 =	sadd.s32 $0xE000, s0;
	[dreg:$0xe] =	wrdreg s4  }
0x20: {  	s17 =	sshll.u32 s8, $0x6;
	s0 =	sadd.s32 $0x6000, s0;
	[dreg:$0x10] =	wrdreg s31  }
0x21: {  	s16 =	simm.s32 $0x80;
	s1 =	ssub.s32 $0x17FF, s17;
	[dreg:$0x11] =	wrdreg s0  }
0x22: {  	s21 =	simm.s32 $0xE000;
	[dreg:$0x16] =	wrdreg s1;
	s23 =	sadd.s32 $0x6, s14  }
0x23: {  	s4 =	sadd.s32 s25, s24;
	s24 =	sshll.u32 s11, $0xA;
	[dreg:$0x1c] =	wrdreg s23  }
0x24: {  	s22 =	simm.s32 $0x2;
	s25 =	sadd.s32 $0x4, s11;
	[dreg:$0x1d] =	wrdreg s24  }
0x25: {  	s31 =	sadd.s32 $0x6, s11;
	s28 =	sadd.s32 $0x4000, s4;
	[dreg:$0x1e] =	wrdreg s25  }
0x26: {  	s4 =	sadd.s32 $0x6000, s4;
	[smem:$0x7FD] =	sst s31;
	s7 =	sshrl.u32 s28, $0x2  }
0x27: {  	s9 =	sshrl.u32 s4, $0x2;
	s28 =	sadd.s32 $0x2, s11;
	[dreg:$0xf] =	wrdreg s7  }
0x28: {  	s17 =	simm.s32 $0x2000;
	s4 =	sadd.s32 $0x800, s9;
	[smem:$0x7FB] =	sst s28  }
0x29: {  	s23 =	simm.s32 $0xA000;
	s0 =	sadd.s32 $0x1800, s9;
	[dreg:$0x12] =	wrdreg s4  }
.Ltmp0:
0x2a: {  	[dreg:$0x13] =	wrdreg s0;
	s0 =	sadd.s32 $0xFFFE85A0, s13;
	(pc) =	sbr.rel .LBB2_1-.Ltmp0, $4  }
0x2b: {  	v2 =	vlaneseq.u32;
	s26 =	sadd.s32 $0x1000, s7;
	[dreg:$0x15] =	wrdreg s0;
	s0 =	sshrl.u32 s0, $0x4  }
0x2c: {  	v0 =	vmul.u32 $0x100, v2;
	s25 =	simm.s32 $0x6000;
	[dreg:$0x1f] =	wrdreg s26;
	s0 =	sadd.s32 $0xFFFFFFFF, s0  }
0x2d: {  	v1 =	vimm.f32 $0.0e+00;
	v6 =	vimm.f32 $1.000000000e+00;
	v2 =	vmul.u32 $0x8, v2;
	s7 =	simm.s32 $0x16000;
	[dreg:$0x18] =	wrdreg s0;
	s0 =	sshll.u32 s28, $0xA  }
0x2e: {  	v3 =	vor.u32 $0x1000, v0;
	v4 =	vor.u32 $0x2000, v0;
	v5 =	vor.u32 $0x3000, v0;
	s13 =	simm.s32 $0x3;
	s4 =	simm.s32 $0x0;
	[smem:$0x7FC] =	sst s0  }
.LBB2_42:
0x2f: {  	_ = 	snop  }
.LBB2_45:
0x30: {  	_ =	sdelay $0x3  }
0x31: {  	[tilespmem:v10+s30+$0x0] =	vst.idx.add.f32.msk @p1 $0xffff, v6  }
0x32: {  	v9 =	vld.idx.msk [tilespmem:v9+s7+$0x0], $0xffff;
	_ =	sdelay $0x4  }
0x33: {  	v10 =	vld.idx.msk [tilespmem:v7+s7+$0x0], $0xffff;
	v9 =	vtrunc.f32 v9  }
0x34: {  	v8 =	vld.idx.msk [tilespmem:v8+s7+$0x0], $0xffff;
	v9 =	vcvt.f32.s32 v9;
	_ =	sdelay $0x1  }
0x35: {  	v11 =	vadd.s32 v0, v9  }
0x36: {  	v12 =	vor.u32 $0x1, v7;
	_ =	sdelay $0x1  }
0x37: {  	v10 =	vmul.f32 v10, v8;
	_ =	sdelay $0x1  }
0x38: {  	[tilespmem:v11+s30+$0x0] =	vst.idx.add.f32.msk $0xffff, v10  }
0x39: {  	v10 =	vld.idx.msk [tilespmem:v12+s7+$0x0], $0xffff;
	_ =	sdelay $0x1  }
0x3a: {  	v62 =	vadd.s32 v3, v9  }
0x3b: {  	v7 =	vor.u32 $0x2, v7;
	_ =	sdelay $0x1  }
0x3c: {  	v10 =	vmul.f32 v10, v8;
	_ =	sdelay $0x1  }
0x3d: {  	[tilespmem:v62+s30+$0x0] =	vst.idx.add.f32.msk $0xffff, v10  }
0x3e: {  	v7 =	vld.idx.msk [tilespmem:v7+s7+$0x0], $0xffff;
	_ =	sdelay $0x1  }
0x3f: {  	v63 =	vadd.s32 v4, v9  }
0x40: {  	v9 =	vadd.s32 v5, v9;
	_ =	sdelay $0x1  }
0x41: {  	v7 =	vmul.f32 v7, v8;
	_ =	sdelay $0x1  }
0x42: {  	[tilespmem:v63+s30+$0x0] =	vst.idx.add.f32.msk $0xffff, v7  }
0x43: {  	[tilespmem:v9+s30+$0x0] =	vst.idx.add.f32.msk $0xffff, v6  }
.LBB2_46:
0x44: {  	s0 =	rddreg [dreg:$0x7]  }
0x45: {  	[hbm4b:s0+s19] =	stream.linear.scatter [tilespmem:s30], [sflag:$0x3], $0x4000, $0x38;
	[tilespmem:$0x1C200] =	vst v63  }
0x46: {  	_ =	swait.ge [sflag:s13], $0x4000  }
0x47: {  	s4 =	sadd.s32 $0x1, s4;
	s31 =	rddreg [dreg:$0x9]  }
0x48: {  	p1 =	sne.s32 s4, s31  }
.Ltmp1:
0x49: {  	_ = 	snop;
	(pc) =	sbr.rel @!p1 .LBB2_47-.Ltmp1, $3  }
0x4a: {  	_ =	sdelay $0x1  }
0x4b: {  	[sflag:s13] =	ssyncset.done $0x0  }
0x4c: {  	[sflag:s13] =	ssyncadd.s32 $0xFFFFC000  }
.LBB2_1:
0x4d: {  	s0 =	sand.u32 $0xFC00, s19  }
0x4e: {  	[smem:$0x7FA] =	sst s4;
	s1 =	sand.u32 $0xF0, s19;
	s2 =	sshrl.u32 s0, $0x2  }
0x4f: {  	s0 =	simm.s32 $0x40;
	s2 =	sor.u32 s1, s2;
	s1 =	simm.s32 $0x0  }
.LBB2_2:
0x50: {  	p1 =	sne.s32 s0, $0xFFC0  }
0x51: {  	[tilespmem:s2+$0x12000] =	vst v1;
	s1 =	sadd.s32 $0x10, s1;
	s2 =	smov.u32 s0;
	s0 =	sadd.s32 $0x40, s0  }
.Ltmp2:
0x52: {  	(pc) =	sbr.rel @p1 .LBB2_2-.Ltmp2, $4  }
0x53: {  	_ = 	snop  }
0x54: {  	s2 =	sand.u32 $0xFC00, s2  }
0x55: {  	s4 =	sand.u32 $0xF0, s1;
	s2 =	sshrl.u32 s2, $0x2  }
0x56: {  	s2 =	sor.u32 s4, s2  }
0x57: {  	[tilespmem:s2+$0x12000] =	vst v1;
	s28 =	simm.s32 $0x0;
	s0 =	rddreg [dreg:$0x4]  }
0x58: {  	[tilespmem:s28], [sflag:$0x3] =	stream.linear.gather [hbm4b:s0+s28], $0x800, $0x38;
	[tilespmem:$0x1C200] =	vst v63  }
0x59: {  	_ =	swait.ge [sflag:s13], $0x800  }
0x5a: {  	[sflag:s13] =	ssyncset.done $0x0  }
0x5b: {  	s1 =	simm.s32 $0x1000;
	s8 =	rddreg [dreg:$0x19];
	[sflag:s13] =	ssyncadd.s32 $0xFFFFF800  }
0x5c: {  	[tilespmem:s1], [sflag:$0x3] =	stream.linear.gather [hbm4b:s8+s28], $0x800, $0x38;
	[tilespmem:$0x1C200] =	vst v63  }
0x5d: {  	_ =	swait.ge [sflag:s13], $0x800  }
0x5e: {  	[sflag:s13] =	ssyncset.done $0x0  }
0x5f: {  	[sflag:s13] =	ssyncadd.s32 $0xFFFFF800  }
0x60: {  	[tilespmem:s17], [sflag:$0x1] =	stream.indirect.gather [hbm4b:s3+s16], $0x8, s28, s16, $0xb8;
	[tilespmem:$0x1C200] =	vst v63  }
0x61: {  	_ = 	snop  }
0x62: {  	[tilespmem:s23], [sflag:$0x1] =	stream.indirect.gather [hbm4b:s3+s16], $0x8, s1, s16, $0xb8;
	[tilespmem:$0x1C200] =	vst v63  }
0x63: {  	s9 =	simm.s32 $0x2400  }
0x64: {  	[tilespmem:s9], [sflag:$0x1] =	stream.indirect.gather [hbm4b:s3+s16], $0x8, s16, s16, $0xb8;
	[tilespmem:$0x1C200] =	vst v63  }
0x65: {  	s10 =	simm.s32 $0x1080;
	s11 =	simm.s32 $0xA400  }
0x66: {  	[tilespmem:s11], [sflag:$0x1] =	stream.indirect.gather [hbm4b:s3+s16], $0x8, s10, s16, $0xb8;
	[tilespmem:$0x1C200] =	vst v63  }
0x67: {  	s12 =	simm.s32 $0x100;
	s14 =	simm.s32 $0x2800  }
0x68: {  	[tilespmem:s14], [sflag:$0x1] =	stream.indirect.gather [hbm4b:s3+s16], $0x8, s12, s16, $0xb8;
	[tilespmem:$0x1C200] =	vst v63  }
0x69: {  	s18 =	simm.s32 $0x1100;
	s20 =	simm.s32 $0xA800  }
0x6a: {  	[tilespmem:s20], [sflag:$0x1] =	stream.indirect.gather [hbm4b:s3+s16], $0x8, s18, s16, $0xb8;
	[tilespmem:$0x1C200] =	vst v63  }
0x6b: {  	s24 =	simm.s32 $0x180;
	s26 =	simm.s32 $0x2C00  }
0x6c: {  	[tilespmem:s26], [sflag:$0x1] =	stream.indirect.gather [hbm4b:s3+s16], $0x8, s24, s16, $0xb8;
	[tilespmem:$0x1C200] =	vst v63  }
0x6d: {  	s2 =	simm.s32 $0xAC00;
	s1 =	simm.s32 $0x1180  }
0x6e: {  	[tilespmem:s2], [sflag:$0x1] =	stream.indirect.gather [hbm4b:s3+s16], $0x8, s1, s16, $0xb8;
	[tilespmem:$0x1C200] =	vst v63  }
0x6f: {  	s4 =	simm.s32 $0x200;
	s5 =	simm.s32 $0x3000  }
0x70: {  	[tilespmem:s5], [sflag:$0x1] =	stream.indirect.gather [hbm4b:s3+s16], $0x8, s4, s16, $0xb8;
	[tilespmem:$0x1C200] =	vst v63  }
0x71: {  	s8 =	simm.s32 $0x1200;
	s9 =	simm.s32 $0xB000  }
0x72: {  	[tilespmem:s9], [sflag:$0x1] =	stream.indirect.gather [hbm4b:s3+s16], $0x8, s8, s16, $0xb8;
	[tilespmem:$0x1C200] =	vst v63  }
0x73: {  	s10 =	simm.s32 $0x280;
	s11 =	simm.s32 $0x3400  }
0x74: {  	[tilespmem:s11], [sflag:$0x1] =	stream.indirect.gather [hbm4b:s3+s16], $0x8, s10, s16, $0xb8;
	[tilespmem:$0x1C200] =	vst v63  }
0x75: {  	s12 =	simm.s32 $0x1280;
	s14 =	simm.s32 $0xB400  }
0x76: {  	[tilespmem:s14], [sflag:$0x1] =	stream.indirect.gather [hbm4b:s3+s16], $0x8, s12, s16, $0xb8;
	[tilespmem:$0x1C200] =	vst v63  }
0x77: {  	s18 =	simm.s32 $0x300;
	s20 =	simm.s32 $0x3800  }
0x78: {  	[tilespmem:s20], [sflag:$0x1] =	stream.indirect.gather [hbm4b:s3+s16], $0x8, s18, s16, $0xb8;
	[tilespmem:$0x1C200] =	vst v63  }
0x79: {  	s24 =	simm.s32 $0x1300;
	s26 =	simm.s32 $0xB800  }
0x7a: {  	[tilespmem:s26], [sflag:$0x1] =	stream.indirect.gather [hbm4b:s3+s16], $0x8, s24, s16, $0xb8;
	[tilespmem:$0x1C200] =	vst v63  }
0x7b: {  	s1 =	simm.s32 $0x380;
	s2 =	simm.s32 $0x3C00  }
0x7c: {  	[tilespmem:s2], [sflag:$0x1] =	stream.indirect.gather [hbm4b:s3+s16], $0x8, s1, s16, $0xb8;
	[tilespmem:$0x1C200] =	vst v63  }
0x7d: {  	s4 =	simm.s32 $0x1380;
	s5 =	simm.s32 $0xBC00  }
0x7e: {  	[tilespmem:s5], [sflag:$0x1] =	stream.indirect.gather [hbm4b:s3+s16], $0x8, s4, s16, $0xb8;
	[tilespmem:$0x1C200] =	vst v63  }
0x7f: {  	s8 =	simm.s32 $0x400;
	s9 =	simm.s32 $0x4000  }
0x80: {  	[tilespmem:s9], [sflag:$0x1] =	stream.indirect.gather [hbm4b:s3+s16], $0x8, s8, s16, $0xb8;
	[tilespmem:$0x1C200] =	vst v63  }
0x81: {  	s10 =	simm.s32 $0x1400;
	s11 =	simm.s32 $0xC000  }
0x82: {  	[tilespmem:s11], [sflag:$0x1] =	stream.indirect.gather [hbm4b:s3+s16], $0x8, s10, s16, $0xb8;
	[tilespmem:$0x1C200] =	vst v63  }
0x83: {  	s12 =	simm.s32 $0x480;
	s14 =	simm.s32 $0x4400  }
0x84: {  	[tilespmem:s14], [sflag:$0x1] =	stream.indirect.gather [hbm4b:s3+s16], $0x8, s12, s16, $0xb8;
	[tilespmem:$0x1C200] =	vst v63  }
0x85: {  	s18 =	simm.s32 $0x1480;
	s20 =	simm.s32 $0xC400  }
0x86: {  	[tilespmem:s20], [sflag:$0x1] =	stream.indirect.gather [hbm4b:s3+s16], $0x8, s18, s16, $0xb8;
	[tilespmem:$0x1C200] =	vst v63  }
0x87: {  	s24 =	simm.s32 $0x500;
	s26 =	simm.s32 $0x4800  }
0x88: {  	[tilespmem:s26], [sflag:$0x1] =	stream.indirect.gather [hbm4b:s3+s16], $0x8, s24, s16, $0xb8;
	[tilespmem:$0x1C200] =	vst v63  }
0x89: {  	s1 =	simm.s32 $0x1500;
	s2 =	simm.s32 $0xC800  }
0x8a: {  	[tilespmem:s2], [sflag:$0x1] =	stream.indirect.gather [hbm4b:s3+s16], $0x8, s1, s16, $0xb8;
	[tilespmem:$0x1C200] =	vst v63  }
0x8b: {  	s4 =	simm.s32 $0x580;
	s5 =	simm.s32 $0x4C00  }
0x8c: {  	[tilespmem:s5], [sflag:$0x1] =	stream.indirect.gather [hbm4b:s3+s16], $0x8, s4, s16, $0xb8;
	[tilespmem:$0x1C200] =	vst v63  }
0x8d: {  	s8 =	simm.s32 $0x1580;
	s9 =	simm.s32 $0xCC00  }
0x8e: {  	[tilespmem:s9], [sflag:$0x1] =	stream.indirect.gather [hbm4b:s3+s16], $0x8, s8, s16, $0xb8;
	[tilespmem:$0x1C200] =	vst v63  }
0x8f: {  	s10 =	simm.s32 $0x600;
	s11 =	simm.s32 $0x5000  }
0x90: {  	[tilespmem:s11], [sflag:$0x1] =	stream.indirect.gather [hbm4b:s3+s16], $0x8, s10, s16, $0xb8;
	[tilespmem:$0x1C200] =	vst v63  }
0x91: {  	s12 =	simm.s32 $0x1600;
	s14 =	simm.s32 $0xD000  }
0x92: {  	[tilespmem:s14], [sflag:$0x1] =	stream.indirect.gather [hbm4b:s3+s16], $0x8, s12, s16, $0xb8;
	[tilespmem:$0x1C200] =	vst v63  }
0x93: {  	s18 =	simm.s32 $0x680;
	s20 =	simm.s32 $0x5400  }
0x94: {  	[tilespmem:s20], [sflag:$0x1] =	stream.indirect.gather [hbm4b:s3+s16], $0x8, s18, s16, $0xb8;
	[tilespmem:$0x1C200] =	vst v63  }
0x95: {  	s24 =	simm.s32 $0x1680;
	s26 =	simm.s32 $0xD400  }
0x96: {  	[tilespmem:s26], [sflag:$0x1] =	stream.indirect.gather [hbm4b:s3+s16], $0x8, s24, s16, $0xb8;
	[tilespmem:$0x1C200] =	vst v63  }
0x97: {  	s1 =	simm.s32 $0x700;
	s2 =	simm.s32 $0x5800  }
0x98: {  	[tilespmem:s2], [sflag:$0x1] =	stream.indirect.gather [hbm4b:s3+s16], $0x8, s1, s16, $0xb8;
	[tilespmem:$0x1C200] =	vst v63  }
0x99: {  	s4 =	simm.s32 $0x1700;
	s5 =	simm.s32 $0xD800  }
0x9a: {  	[tilespmem:s5], [sflag:$0x1] =	stream.indirect.gather [hbm4b:s3+s16], $0x8, s4, s16, $0xb8;
	[tilespmem:$0x1C200] =	vst v63  }
0x9b: {  	s8 =	simm.s32 $0x780;
	s9 =	simm.s32 $0x5C00  }
0x9c: {  	[tilespmem:s9], [sflag:$0x1] =	stream.indirect.gather [hbm4b:s3+s16], $0x8, s8, s16, $0xb8;
	[tilespmem:$0x1C200] =	vst v63  }
0x9d: {  	s10 =	simm.s32 $0x1780;
	s11 =	simm.s32 $0xDC00  }
0x9e: {  	[tilespmem:s11], [sflag:$0x1] =	stream.indirect.gather [hbm4b:s3+s16], $0x8, s10, s16, $0xb8;
	[tilespmem:$0x1C200] =	vst v63  }
0x9f: {  	s12 =	rddreg [dreg:$0x5];
	s14 =	simm.s32 $0x800  }
0xa0: {  	[tilespmem:s14], [sflag:$0x3] =	stream.linear.gather [hbm4b:s12+s28], $0x800, $0x38;
	[tilespmem:$0x1C200] =	vst v63  }
0xa1: {  	_ =	swait.ge [sflag:s13], $0x800  }
0xa2: {  	[sflag:s13] =	ssyncset.done $0x0  }
0xa3: {  	s20 =	simm.s32 $0x1800;
	s18 =	rddreg [dreg:$0x1a];
	[sflag:s13] =	ssyncadd.s32 $0xFFFFF800  }
0xa4: {  	[tilespmem:s20], [sflag:$0x3] =	stream.linear.gather [hbm4b:s18+s28], $0x800, $0x38;
	[tilespmem:$0x1C200] =	vst v63  }
0xa5: {  	_ =	swait.ge [sflag:s13], $0x800  }
0xa6: {  	[sflag:s13] =	ssyncset.done $0x0  }
0xa7: {  	[sflag:s13] =	ssyncadd.s32 $0xFFFFF800  }
0xa8: {  	[tilespmem:s25], [sflag:$0x2] =	stream.indirect.gather [hbm4b:s3+s16], $0x8, s14, s16, $0xb8;
	[tilespmem:$0x1C200] =	vst v63  }
0xa9: {  	_ = 	snop  }
0xaa: {  	[tilespmem:s21], [sflag:$0x2] =	stream.indirect.gather [hbm4b:s3+s16], $0x8, s20, s16, $0xb8;
	[tilespmem:$0x1C200] =	vst v63  }
0xab: {  	s24 =	simm.s32 $0x880;
	s26 =	simm.s32 $0x6400  }
0xac: {  	[tilespmem:s26], [sflag:$0x2] =	stream.indirect.gather [hbm4b:s3+s16], $0x8, s24, s16, $0xb8;
	[tilespmem:$0x1C200] =	vst v63  }
0xad: {  	s1 =	simm.s32 $0x1880;
	s2 =	simm.s32 $0xE400  }
0xae: {  	[tilespmem:s2], [sflag:$0x2] =	stream.indirect.gather [hbm4b:s3+s16], $0x8, s1, s16, $0xb8;
	[tilespmem:$0x1C200] =	vst v63  }
0xaf: {  	s4 =	simm.s32 $0x900;
	s5 =	simm.s32 $0x6800  }
0xb0: {  	[tilespmem:s5], [sflag:$0x2] =	stream.indirect.gather [hbm4b:s3+s16], $0x8, s4, s16, $0xb8;
	[tilespmem:$0x1C200] =	vst v63  }
0xb1: {  	s8 =	simm.s32 $0x1900;
	s9 =	simm.s32 $0xE800  }
0xb2: {  	[tilespmem:s9], [sflag:$0x2] =	stream.indirect.gather [hbm4b:s3+s16], $0x8, s8, s16, $0xb8;
	[tilespmem:$0x1C200] =	vst v63  }
0xb3: {  	s10 =	simm.s32 $0x980;
	s11 =	simm.s32 $0x6C00  }
0xb4: {  	[tilespmem:s11], [sflag:$0x2] =	stream.indirect.gather [hbm4b:s3+s16], $0x8, s10, s16, $0xb8;
	[tilespmem:$0x1C200] =	vst v63  }
0xb5: {  	s12 =	simm.s32 $0x1980;
	s14 =	simm.s32 $0xEC00  }
0xb6: {  	[tilespmem:s14], [sflag:$0x2] =	stream.indirect.gather [hbm4b:s3+s16], $0x8, s12, s16, $0xb8;
	[tilespmem:$0x1C200] =	vst v63  }
0xb7: {  	s18 =	simm.s32 $0xA00;
	s20 =	simm.s32 $0x7000  }
0xb8: {  	[tilespmem:s20], [sflag:$0x2] =	stream.indirect.gather [hbm4b:s3+s16], $0x8, s18, s16, $0xb8;
	[tilespmem:$0x1C200] =	vst v63  }
0xb9: {  	s24 =	simm.s32 $0x1A00;
	s26 =	simm.s32 $0xF000  }
0xba: {  	[tilespmem:s26], [sflag:$0x2] =	stream.indirect.gather [hbm4b:s3+s16], $0x8, s24, s16, $0xb8;
	[tilespmem:$0x1C200] =	vst v63  }
0xbb: {  	s1 =	simm.s32 $0xA80;
	s2 =	simm.s32 $0x7400  }
0xbc: {  	[tilespmem:s2], [sflag:$0x2] =	stream.indirect.gather [hbm4b:s3+s16], $0x8, s1, s16, $0xb8;
	[tilespmem:$0x1C200] =	vst v63  }
0xbd: {  	s4 =	simm.s32 $0x1A80;
	s5 =	simm.s32 $0xF400  }
0xbe: {  	[tilespmem:s5], [sflag:$0x2] =	stream.indirect.gather [hbm4b:s3+s16], $0x8, s4, s16, $0xb8;
	[tilespmem:$0x1C200] =	vst v63  }
0xbf: {  	s8 =	simm.s32 $0xB00;
	s9 =	simm.s32 $0x7800  }
0xc0: {  	[tilespmem:s9], [sflag:$0x2] =	stream.indirect.gather [hbm4b:s3+s16], $0x8, s8, s16, $0xb8;
	[tilespmem:$0x1C200] =	vst v63  }
0xc1: {  	s10 =	simm.s32 $0x1B00;
	s11 =	simm.s32 $0xF800  }
0xc2: {  	[tilespmem:s11], [sflag:$0x2] =	stream.indirect.gather [hbm4b:s3+s16], $0x8, s10, s16, $0xb8;
	[tilespmem:$0x1C200] =	vst v63  }
0xc3: {  	s12 =	simm.s32 $0xB80;
	s14 =	simm.s32 $0x7C00  }
0xc4: {  	[tilespmem:s14], [sflag:$0x2] =	stream.indirect.gather [hbm4b:s3+s16], $0x8, s12, s16, $0xb8;
	[tilespmem:$0x1C200] =	vst v63  }
0xc5: {  	s18 =	simm.s32 $0x1B80;
	s20 =	simm.s32 $0xFC00  }
0xc6: {  	[tilespmem:s20], [sflag:$0x2] =	stream.indirect.gather [hbm4b:s3+s16], $0x8, s18, s16, $0xb8;
	[tilespmem:$0x1C200] =	vst v63  }
0xc7: {  	s24 =	simm.s32 $0xC00;
	s26 =	simm.s32 $0x8000  }
0xc8: {  	[tilespmem:s26], [sflag:$0x2] =	stream.indirect.gather [hbm4b:s3+s16], $0x8, s24, s16, $0xb8;
	[tilespmem:$0x1C200] =	vst v63  }
0xc9: {  	s1 =	simm.s32 $0x1C00;
	s2 =	simm.s32 $0x10000  }
0xca: {  	[tilespmem:s2], [sflag:$0x2] =	stream.indirect.gather [hbm4b:s3+s16], $0x8, s1, s16, $0xb8;
	[tilespmem:$0x1C200] =	vst v63  }
0xcb: {  	s4 =	simm.s32 $0xC80;
	s5 =	simm.s32 $0x8400  }
0xcc: {  	[tilespmem:s5], [sflag:$0x2] =	stream.indirect.gather [hbm4b:s3+s16], $0x8, s4, s16, $0xb8;
	[tilespmem:$0x1C200] =	vst v63  }
0xcd: {  	s8 =	simm.s32 $0x1C80;
	s9 =	simm.s32 $0x10400  }
0xce: {  	[tilespmem:s9], [sflag:$0x2] =	stream.indirect.gather [hbm4b:s3+s16], $0x8, s8, s16, $0xb8;
	[tilespmem:$0x1C200] =	vst v63  }
0xcf: {  	s10 =	simm.s32 $0xD00;
	s11 =	simm.s32 $0x8800  }
0xd0: {  	[tilespmem:s11], [sflag:$0x2] =	stream.indirect.gather [hbm4b:s3+s16], $0x8, s10, s16, $0xb8;
	[tilespmem:$0x1C200] =	vst v63  }
0xd1: {  	s12 =	simm.s32 $0x1D00;
	s14 =	simm.s32 $0x10800  }
0xd2: {  	[tilespmem:s14], [sflag:$0x2] =	stream.indirect.gather [hbm4b:s3+s16], $0x8, s12, s16, $0xb8;
	[tilespmem:$0x1C200] =	vst v63  }
0xd3: {  	s18 =	simm.s32 $0xD80;
	s20 =	simm.s32 $0x8C00  }
0xd4: {  	[tilespmem:s20], [sflag:$0x2] =	stream.indirect.gather [hbm4b:s3+s16], $0x8, s18, s16, $0xb8;
	[tilespmem:$0x1C200] =	vst v63  }
0xd5: {  	s24 =	simm.s32 $0x1D80;
	s26 =	simm.s32 $0x10C00  }
0xd6: {  	[tilespmem:s26], [sflag:$0x2] =	stream.indirect.gather [hbm4b:s3+s16], $0x8, s24, s16, $0xb8;
	[tilespmem:$0x1C200] =	vst v63  }
0xd7: {  	s1 =	simm.s32 $0xE00;
	s2 =	simm.s32 $0x9000  }
0xd8: {  	[tilespmem:s2], [sflag:$0x2] =	stream.indirect.gather [hbm4b:s3+s16], $0x8, s1, s16, $0xb8;
	[tilespmem:$0x1C200] =	vst v63  }
0xd9: {  	s31 =	rddreg [dreg:$0xc];
	s4 =	simm.s32 $0x1E00;
	s5 =	simm.s32 $0x11000  }
0xda: {  	[tilespmem:s5], [sflag:$0x2] =	stream.indirect.gather [hbm4b:s3+s16], $0x8, s4, s16, $0xb8;
	[tilespmem:$0x1C200] =	vst v63  }
0xdb: {  	s4 =	rddreg [dreg:$0x13]  }
0xdc: {  	s5 =	rddreg [dreg:$0x12]  }
0xdd: {  	[smem:$0x7F4] =	sst s4  }
0xde: {  	[smem:$0x7F5] =	sst s5  }
0xdf: {  	s8 =	simm.s32 $0xE80;
	s9 =	simm.s32 $0x9400;
	s5 =	rddreg [dreg:$0xa]  }
0xe0: {  	[tilespmem:s9], [sflag:$0x2] =	stream.indirect.gather [hbm4b:s3+s16], $0x8, s8, s16, $0xb8;
	[tilespmem:$0x1C200] =	vst v63  }
0xe1: {  	s9 =	sld [smem:$0x7FB]  }
0xe2: {  	s10 =	simm.s32 $0x1E80;
	s11 =	simm.s32 $0x11400;
	s8 =	sld [smem:$0x7FC]  }
0xe3: {  	[tilespmem:s11], [sflag:$0x2] =	stream.indirect.gather [hbm4b:s3+s16], $0x8, s10, s16, $0xb8;
	[tilespmem:$0x1C200] =	vst v63  }
0xe4: {  	s10 =	rddreg [dreg:$0x1f]  }
0xe5: {  	s11 =	rddreg [dreg:$0xf]  }
0xe6: {  	[smem:$0x7F6] =	sst s8  }
0xe7: {  	[smem:$0x7F7] =	sst s10  }
0xe8: {  	s12 =	simm.s32 $0xF00;
	s14 =	simm.s32 $0x9800;
	[smem:$0x7F8] =	sst s11  }
0xe9: {  	[tilespmem:s14], [sflag:$0x2] =	stream.indirect.gather [hbm4b:s3+s16], $0x8, s12, s16, $0xb8;
	[tilespmem:$0x1C200] =	vst v63  }
0xea: {  	s12 =	rddreg [dreg:$0x11]  }
0xeb: {  	s14 =	rddreg [dreg:$0x1d]  }
0xec: {  	s18 =	simm.s32 $0x1F00;
	s20 =	simm.s32 $0x11800;
	[smem:$0x7F9] =	sst s14  }
0xed: {  	[tilespmem:s20], [sflag:$0x2] =	stream.indirect.gather [hbm4b:s3+s16], $0x8, s18, s16, $0xb8;
	[tilespmem:$0x1C200] =	vst v63  }
0xee: {  	s18 =	rddreg [dreg:$0x10]  }
0xef: {  	s24 =	simm.s32 $0xF80;
	s26 =	simm.s32 $0x9C00;
	s20 =	rddreg [dreg:$0x1e]  }
0xf0: {  	[tilespmem:s26], [sflag:$0x2] =	stream.indirect.gather [hbm4b:s3+s16], $0x8, s24, s16, $0xb8;
	[tilespmem:$0x1C200] =	vst v63  }
.Ltmp3:
0xf1: {  	s24 =	sld [smem:$0x7FD];
	(pc) =	sbr.rel .LBB2_4-.Ltmp3, $4  }
0xf2: {  	s1 =	simm.s32 $0x1F80;
	s2 =	simm.s32 $0x11C00;
	s26 =	rddreg [dreg:$0xe]  }
0xf3: {  	[tilespmem:s2], [sflag:$0x2] =	stream.indirect.gather [hbm4b:s3+s16], $0x8, s1, s16, $0xb8;
	[tilespmem:$0x1C200] =	vst v63  }
0xf4: {  	s1 =	rddreg [dreg:$0xd]  }
0xf5: {  	s2 =	rddreg [dreg:$0x8]  }
.LBB2_32:
0xf6: {  	s15 =	rddreg [dreg:$0x2]  }
.LBB2_33:
0xf7: {  	s0 =	sld [smem:$0x7F9]  }
0xf8: {  	s4 =	sld [smem:$0x7F8]  }
0xf9: {  	s8 =	sld [smem:$0x7F7]  }
0xfa: {  	s28 =	sadd.s32 $0x1, s28;
	s10 =	sld [smem:$0x7F6]  }
0xfb: {  	s5 =	sadd.s32 $0x20, s5;
	s2 =	sadd.s32 $0x4, s2;
	s11 =	sld [smem:$0x7F5]  }
0xfc: {  	s31 =	sadd.s32 $0x100, s31;
	s14 =	sld [smem:$0x7F4];
	s0 =	sadd.s32 $0x1000, s0  }
0xfd: {  	s20 =	sadd.s32 $0x4, s20;
	[smem:$0x7F9] =	sst s0;
	s0 =	sadd.s32 $0x1000, s4  }
0xfe: {  	s1 =	sadd.s32 $0x8000, s1;
	[smem:$0x7F8] =	sst s0;
	s0 =	sadd.s32 $0x1000, s8  }
0xff: {  	s26 =	sadd.s32 $0x8000, s26;
	[smem:$0x7F7] =	sst s0;
	s0 =	sadd.s32 $0x1000, s10  }
0x100: {  	s9 =	sadd.s32 $0x4, s9;
	[smem:$0x7F6] =	sst s0;
	s0 =	sadd.s32 $0x1000, s11  }
0x101: {  	s24 =	sadd.s32 $0x4, s24;
	[smem:$0x7F5] =	sst s0;
	s0 =	sadd.s32 $0x1000, s14  }
0x102: {  	s18 =	sadd.s32 $0x8000, s18;
	s12 =	sadd.s32 $0x8000, s12;
	[smem:$0x7F4] =	sst s0  }
.LBB2_4:
0x103: {  	s4 =	sshll.u32 s28, $0x2;
	s0 =	rddreg [dreg:$0x3]  }
0x104: {  	s8 =	sadd.s32 s0, s4  }
0x105: {  	s8 =	smax.u32 s8, s6  }
0x106: {  	s14 =	ssub.s32 s8, s6  }
0x107: {  	s10 =	sshll.u32 s14, $0x3  }
0x108: {  	p2 =	sgt.s32 s10, $0xF  }
.Ltmp4:
0x109: {  	_ = 	snop;
	(pc) =	sbr.rel @p2 .LBB2_8-.Ltmp4, $4  }
0x10a: {  	_ = 	snop  }
0x10b: {  	s8 =	rddreg [dreg:$0xb]  }
0x10c: {  	p1 =	slt.s32 s2, s8  }
0x10d: {  	s8 =	smov.u32 @p1 s2  }
0x10e: {  	s10 =	sshll.u32 s8, $0x3  }
0x10f: {  	s10 =	ssub.s32 s5, s10  }
0x110: {  	s10 =	sadd.s32 $0x1, s10  }
0x111: {  	p1 =	slt.s32 s10, $0xF  }
.Ltmp5:
0x112: {  	_ =	swait.ge [sflag:s29], $0x400;
	(pc) =	sbr.rel @!p1 .LBB2_7-.Ltmp5, $4  }
0x113: {  	[sflag:s29] =	ssyncset.done $0x0  }
0x114: {  	[sflag:s29] =	ssyncadd.s32 $0xFFFFFC00  }
0x115: {  	_ =	swait.ge [sflag:s29], $0x400  }
0x116: {  	[sflag:s29] =	ssyncset.done $0x0  }
.LBB2_6:
0x117: {  	s10 =	sadd.s32 $0x1, s10  }
0x118: {  	[sflag:s29] =	ssyncadd.s32 $0xFFFFFC00;
	p1 =	slt.s32 s10, $0xF  }
.Ltmp6:
0x119: {  	_ =	swait.ge [sflag:s29], $0x400;
	(pc) =	sbr.rel @p1 .LBB2_6-.Ltmp6, $4  }
0x11a: {  	[sflag:s29] =	ssyncset.done $0x0  }
0x11b: {  	[sflag:s29] =	ssyncadd.s32 $0xFFFFFC00  }
0x11c: {  	_ =	swait.ge [sflag:s29], $0x400  }
0x11d: {  	[sflag:s29] =	ssyncset.done $0x0  }
.LBB2_7:
0x11e: {  	[sflag:s29] =	ssyncadd.s32 $0xFFFFFC00  }
.LBB2_8:
0x11f: {  	s10 =	sshll.u32 s14, $0x6  }
0x120: {  	p1 =	sgt.s32 s10, $0x7F  }
.Ltmp7:
0x121: {  	_ = 	snop;
	(pc) =	sbr.rel @p1 .LBB2_14-.Ltmp7, $1  }
0x122: {  	_ =	sdelay $0x3  }
0x123: {  	s0 =	sld [smem:$0x7F9]  }
0x124: {  	s11 =	sshll.u32 s8, $0x6  }
0x125: {  	s10 =	sshll.u32 s8, $0xA;
	s14 =	ssub.s32 s31, s11  }
0x126: {  	s8 =	ssub.s32 s0, s10;
	s10 =	sadd.s32 $0x1, s14  }
0x127: {  	p2 =	slt.s32 s10, $0x7F  }
.Ltmp8:
0x128: {  	_ = 	snop;
	(pc) =	sbr.rel @!p2 .LBB2_10-.Ltmp8, $4  }
0x129: {  	v7 =	vmov s8  }
0x12a: {  	v7 =	vshll.u32 v7, $0x3  }
0x12b: {  	v7 =	vor.u32 v2, v7  }
0x12c: {  	p1 =	por $0x0, $0x0;
	v8 =	vor.u32 $0x3, v7;
	v9 =	vor.u32 $0x4, v7  }
0x12d: {  	_ =	sdelay $0x3  }
0x12e: {  	v9 =	vld.idx.msk [tilespmem:v9+s23+$0x0], $0xffff;
	_ =	sdelay $0x4  }
0x12f: {  	v10 =	vld.idx.msk [tilespmem:v7+s17+$0x0], $0xffff;
	v9 =	vtrunc.f32 v9  }
0x130: {  	v11 =	vld.idx.msk [tilespmem:v8+s23+$0x0], $0xffff;
	v8 =	vcvt.f32.s32 v9;
	_ =	sdelay $0x1  }
0x131: {  	v9 =	vadd.s32 v0, v8  }
0x132: {  	v12 =	vor.u32 $0x1, v7;
	_ =	sdelay $0x1  }
0x133: {  	v10 =	vmul.f32 v10, v11;
	_ =	sdelay $0x1  }
0x134: {  	[tilespmem:v9+s30+$0x0] =	vst.idx.add.f32.msk $0xffff, v10  }
0x135: {  	v9 =	vld.idx.msk [tilespmem:v12+s17+$0x0], $0xffff;
	_ =	sdelay $0x1  }
0x136: {  	v10 =	vadd.s32 v3, v8  }
0x137: {  	v7 =	vor.u32 $0x2, v7;
	_ =	sdelay $0x1  }
0x138: {  	v9 =	vmul.f32 v9, v11;
	_ =	sdelay $0x1  }
0x139: {  	s14 =	sadd.s32 $0x10, s8;
	s8 =	sadd.s32 $0x1, s10;
	[tilespmem:v10+s30+$0x0] =	vst.idx.add.f32.msk $0xffff, v9  }
0x13a: {  	p2 =	slt.s32 s8, $0x7F;
	v63 =	vld.idx.msk [tilespmem:v7+s17+$0x0], $0xffff;
	v7 =	vmov s14  }
.Ltmp9:
0x13b: {  	v7 =	vshll.u32 v7, $0x3;
	(pc) =	sbr.rel @!p2 .LBB2_13-.Ltmp9, $3  }
0x13c: {  	v10 =	vadd.s32 v4, v8;
	v7 =	vor.u32 v2, v7  }
0x13d: {  	v9 =	vor.u32 $0x4, v7;
	_ =	sdelay $0x1  }
0x13e: {  	p1 =	por $0x1, $0x1;
	v8 =	vor.u32 $0x3, v7;
	v11 =	vmul.f32 v63, v11  }
.LBB2_12:
0x13f: {  	_ = 	snop  }
0x140: {  	s8 =	sadd.s32 $0x1, s8;
	[tilespmem:v10+s30+$0x0] =	vst.idx.add.f32.msk $0xffff, v11  }
0x141: {  	p2 =	slt.s32 s8, $0x7F;
	v9 =	vld.idx.msk [tilespmem:v9+s23+$0x0], $0xffff;
	_ =	sdelay $0x4  }
0x142: {  	v10 =	vld.idx.msk [tilespmem:v7+s17+$0x0], $0xffff  }
0x143: {  	v11 =	vld.idx.msk [tilespmem:v8+s23+$0x0], $0xffff;
	v8 =	vtrunc.f32 v9  }
0x144: {  	v8 =	vcvt.f32.s32 v8;
	_ =	sdelay $0x1  }
0x145: {  	v9 =	vadd.s32 v0, v8  }
0x146: {  	v12 =	vor.u32 $0x1, v7;
	_ =	sdelay $0x1  }
0x147: {  	v10 =	vmul.f32 v10, v11;
	_ =	sdelay $0x1  }
0x148: {  	[tilespmem:v9+s30+$0x0] =	vst.idx.add.f32.msk $0xffff, v10  }
0x149: {  	v9 =	vld.idx.msk [tilespmem:v12+s17+$0x0], $0xffff;
	_ =	sdelay $0x2  }
0x14a: {  	v10 =	vadd.s32 v3, v8  }
0x14b: {  	v7 =	vor.u32 $0x2, v7;
	_ =	sdelay $0x1  }
0x14c: {  	v9 =	vmul.f32 v9, v11;
	_ =	sdelay $0x1  }
0x14d: {  	[tilespmem:v10+s30+$0x0] =	vst.idx.add.f32.msk $0xffff, v9  }
0x14e: {  	s14 =	sadd.s32 $0x10, s14;
	v12 =	vld.idx.msk [tilespmem:v7+s17+$0x0], $0xffff  }
0x14f: {  	v7 =	vmov s14  }
.Ltmp10:
0x150: {  	v7 =	vshll.u32 v7, $0x3;
	(pc) =	sbr.rel @p2 .LBB2_12-.Ltmp10, $3  }
0x151: {  	v10 =	vadd.s32 v4, v8;
	v7 =	vor.u32 v2, v7  }
0x152: {  	v8 =	vor.u32 $0x3, v7;
	v9 =	vor.u32 $0x4, v7;
	_ =	sdelay $0x1  }
0x153: {  	v11 =	vmul.f32 v12, v11  }
.LBB2_13:
0x154: {  	_ =	sdelay $0x3  }
0x155: {  	[tilespmem:v10+s30+$0x0] =	vst.idx.add.f32.msk @p1 $0xffff, v11  }
0x156: {  	v9 =	vld.idx.msk [tilespmem:v9+s23+$0x0], $0xffff;
	_ =	sdelay $0x4  }
0x157: {  	v10 =	vld.idx.msk [tilespmem:v7+s17+$0x0], $0xffff;
	v9 =	vtrunc.f32 v9  }
0x158: {  	v8 =	vld.idx.msk [tilespmem:v8+s23+$0x0], $0xffff;
	v9 =	vcvt.f32.s32 v9;
	_ =	sdelay $0x1  }
0x159: {  	v62 =	vadd.s32 v0, v9  }
0x15a: {  	v12 =	vor.u32 $0x1, v7;
	_ =	sdelay $0x1  }
0x15b: {  	v10 =	vmul.f32 v10, v8;
	_ =	sdelay $0x1  }
0x15c: {  	[tilespmem:v62+s30+$0x0] =	vst.idx.add.f32.msk $0xffff, v10  }
0x15d: {  	v10 =	vld.idx.msk [tilespmem:v12+s17+$0x0], $0xffff;
	_ =	sdelay $0x1  }
0x15e: {  	v63 =	vadd.s32 v3, v9  }
0x15f: {  	v7 =	vor.u32 $0x2, v7;
	_ =	sdelay $0x1  }
0x160: {  	v10 =	vmul.f32 v10, v8;
	_ =	sdelay $0x1  }
0x161: {  	[tilespmem:v63+s30+$0x0] =	vst.idx.add.f32.msk $0xffff, v10  }
0x162: {  	v7 =	vld.idx.msk [tilespmem:v7+s17+$0x0], $0xffff;
	_ =	sdelay $0x1  }
0x163: {  	v9 =	vadd.s32 v4, v9;
	_ =	sdelay $0x2  }
0x164: {  	v7 =	vmul.f32 v7, v8;
	_ =	sdelay $0x1  }
0x165: {  	[tilespmem:v9+s30+$0x0] =	vst.idx.add.f32.msk $0xffff, v7  }
.LBB2_14:
0x166: {  	s0 =	rddreg [dreg:$0x1b]  }
0x167: {  	s8 =	sadd.s32 s4, s0  }
0x168: {  	s10 =	smin.u32 s8, s6  }
0x169: {  	s11 =	sshll.u32 s10, $0x7  }
0x16a: {  	s0 =	sshll.u32 s10, $0xA;
	s11 =	sadd.s32 s15, s11  }
0x16b: {  	[tilespmem:s19], [sflag:$0x3] =	stream.linear.gather [hbm4b:s11+s19], $0x800, $0x38;
	[tilespmem:$0x1C200] =	vst v63  }
0x16c: {  	s11 =	sadd.s32 $0x30D400, s0;
	_ =	swait.ge [sflag:s13], $0x800  }
0x16d: {  	s14 =	simm.s32 $0x1000;
	s11 =	sshrl.u32 s11, $0x3;
	[sflag:s13] =	ssyncset.done $0x0  }
0x16e: {  	s8 =	ssub.s32 s8, s10;
	s11 =	sadd.s32 s15, s11;
	[sflag:s13] =	ssyncadd.s32 $0xFFFFF800  }
0x16f: {  	[tilespmem:s14], [sflag:$0x3] =	stream.linear.gather [hbm4b:s11+s19], $0x800, $0x38;
	[tilespmem:$0x1C200] =	vst v63  }
0x170: {  	s11 =	sshll.u32 s8, $0x3  }
0x171: {  	p1 =	sgt.s32 s11, $0xF  }
.Ltmp11:
0x172: {  	_ = 	snop;
	(pc) =	sbr.rel @p1 .LBB2_18-.Ltmp11, $4  }
0x173: {  	_ = 	snop  }
0x174: {  	_ =	swait.ge [sflag:s13], $0x800  }
0x175: {  	[sflag:s13] =	ssyncset.done $0x0  }
0x176: {  	[sflag:s13] =	ssyncadd.s32 $0xFFFFF800  }
0x177: {  	s8 =	rddreg [dreg:$0xb]  }
0x178: {  	p1 =	slt.s32 s20, s8  }
0x179: {  	s8 =	smov.u32 @p1 s20  }
0x17a: {  	s0 =	sld [smem:$0x7F8];
	s10 =	sshll.u32 s8, $0xF;
	s8 =	sshll.u32 s8, $0xC  }
0x17b: {  	s10 =	ssub.s32 $0x0, s10;
	s8 =	ssub.s32 $0x0, s8  }
0x17c: {  	s15 =	sshra.s32 s8, $0x2;
	s8 =	sshra.s32 s10, $0x2  }
0x17d: {  	s14 =	sadd.s32 s15, s0;
	s10 =	sadd.s32 s8, s26  }
0x17e: {  	[tilespmem:s10], [sflag:$0x1] =	stream.indirect.gather [hbm4b:s3+s16], $0x8, s14, s16, $0xb8;
	[tilespmem:$0x1C200] =	vst v63  }
0x17f: {  	p1 =	slt.s32 s11, $0xF;
	s10 =	sld [smem:$0x7F7]  }
.Ltmp12:
0x180: {  	_ = 	snop;
	(pc) =	sbr.rel @!p1 .LBB2_17-.Ltmp12, $4  }
0x181: {  	_ = 	snop  }
0x182: {  	s19 =	sadd.s32 s8, s1;
	s10 =	sadd.s32 s15, s10  }
0x183: {  	[tilespmem:s19], [sflag:$0x1] =	stream.indirect.gather [hbm4b:s3+s16], $0x8, s10, s16, $0xb8;
	[tilespmem:$0x1C200] =	vst v63  }
0x184: {  	s11 =	sadd.s32 $0x1, s11;
	s15 =	smov.u32 s26;
	s19 =	smov.u32 s1  }
.LBB2_16:
0x185: {  	p1 =	slt.s32 s11, $0xF;
	s15 =	sadd.s32 $0x400, s15;
	s19 =	sadd.s32 $0x400, s19  }
.Ltmp13:
0x186: {  	s14 =	sadd.s32 $0x80, s14;
	s0 =	sadd.s32 s8, s15;
	(pc) =	sbr.rel @p1 .LBB2_16-.Ltmp13, $4  }
0x187: {  	[tilespmem:s0], [sflag:$0x1] =	stream.indirect.gather [hbm4b:s3+s16], $0x8, s14, s16, $0xb8;
	[tilespmem:$0x1C200] =	vst v63  }
0x188: {  	s10 =	sadd.s32 $0x80, s10;
	s0 =	sadd.s32 s8, s19  }
0x189: {  	[tilespmem:s0], [sflag:$0x1] =	stream.indirect.gather [hbm4b:s3+s16], $0x8, s10, s16, $0xb8;
	[tilespmem:$0x1C200] =	vst v63  }
0x18a: {  	s11 =	sadd.s32 $0x1, s11  }
.LBB2_17:
0x18b: {  	s19 =	simm.s32 $0x0;
	s15 =	rddreg [dreg:$0x2]  }
.LBB2_18:
0x18c: {  	s0 =	rddreg [dreg:$0x3]  }
0x18d: {  	s0 =	sadd.s32 s4, s0  }
0x18e: {  	s0 =	sadd.s32 $0x2, s0  }
0x18f: {  	s0 =	smax.u32 s0, s6  }
0x190: {  	s8 =	ssub.s32 s0, s6  }
0x191: {  	s10 =	sshll.u32 s8, $0x3  }
0x192: {  	p1 =	sgt.s32 s10, $0xF  }
.Ltmp14:
0x193: {  	_ = 	snop;
	(pc) =	sbr.rel @p1 .LBB2_22-.Ltmp14, $1  }
0x194: {  	_ =	sdelay $0x3  }
0x195: {  	p1 =	slt.s32 s10, $0xF  }
.Ltmp15:
0x196: {  	_ =	swait.ge [sflag:s22], $0x400;
	(pc) =	sbr.rel @!p1 .LBB2_21-.Ltmp15, $4  }
0x197: {  	[sflag:s22] =	ssyncset.done $0x0  }
0x198: {  	[sflag:s22] =	ssyncadd.s32 $0xFFFFFC00  }
0x199: {  	_ =	swait.ge [sflag:s22], $0x400  }
0x19a: {  	s10 =	sadd.s32 $0x1, s10;
	[sflag:s22] =	ssyncset.done $0x0  }
.LBB2_20:
0x19b: {  	p1 =	slt.s32 s10, $0xF;
	s10 =	sadd.s32 $0x1, s10;
	[sflag:s22] =	ssyncadd.s32 $0xFFFFFC00  }
.Ltmp16:
0x19c: {  	_ =	swait.ge [sflag:s22], $0x400;
	(pc) =	sbr.rel @p1 .LBB2_20-.Ltmp16, $4  }
0x19d: {  	[sflag:s22] =	ssyncset.done $0x0  }
0x19e: {  	[sflag:s22] =	ssyncadd.s32 $0xFFFFFC00  }
0x19f: {  	_ =	swait.ge [sflag:s22], $0x400  }
0x1a0: {  	[sflag:s22] =	ssyncset.done $0x0  }
.LBB2_21:
0x1a1: {  	[sflag:s22] =	ssyncadd.s32 $0xFFFFFC00  }
.LBB2_22:
0x1a2: {  	s8 =	sshll.u32 s8, $0x6  }
0x1a3: {  	p1 =	sgt.s32 s8, $0x7F  }
.Ltmp17:
0x1a4: {  	_ = 	snop;
	(pc) =	sbr.rel @p1 .LBB2_28-.Ltmp17, $1  }
0x1a5: {  	_ =	sdelay $0x3  }
0x1a6: {  	s0 =	rddreg [dreg:$0xb]  }
0x1a7: {  	s10 =	sld [smem:$0x7F6];
	p1 =	slt.s32 s9, s0  }
0x1a8: {  	s0 =	smov.u32 @p1 s9  }
0x1a9: {  	p2 =	slt.s32 s8, $0x7F;
	s0 =	sshll.u32 s0, $0xA  }
.Ltmp18:
0x1aa: {  	s10 =	ssub.s32 s10, s0;
	(pc) =	sbr.rel @!p2 .LBB2_24-.Ltmp18, $4  }
0x1ab: {  	v7 =	vmov s10  }
0x1ac: {  	v7 =	vshll.u32 v7, $0x3  }
0x1ad: {  	v7 =	vor.u32 v2, v7  }
0x1ae: {  	s8 =	sadd.s32 $0x1, s8;
	p1 =	por $0x0, $0x0;
	v8 =	vor.u32 $0x3, v7;
	v9 =	vor.u32 $0x4, v7  }
0x1af: {  	_ =	sdelay $0x3  }
0x1b0: {  	v9 =	vld.idx.msk [tilespmem:v9+s21+$0x0], $0xffff;
	_ =	sdelay $0x4  }
0x1b1: {  	v10 =	vld.idx.msk [tilespmem:v7+s25+$0x0], $0xffff;
	v9 =	vtrunc.f32 v9  }
0x1b2: {  	v11 =	vld.idx.msk [tilespmem:v8+s21+$0x0], $0xffff;
	v8 =	vcvt.f32.s32 v9;
	_ =	sdelay $0x1  }
0x1b3: {  	v9 =	vadd.s32 v0, v8  }
0x1b4: {  	v12 =	vor.u32 $0x1, v7;
	_ =	sdelay $0x1  }
0x1b5: {  	v10 =	vmul.f32 v10, v11;
	_ =	sdelay $0x1  }
0x1b6: {  	[tilespmem:v9+s30+$0x0] =	vst.idx.add.f32.msk $0xffff, v10  }
0x1b7: {  	v9 =	vld.idx.msk [tilespmem:v12+s25+$0x0], $0xffff;
	_ =	sdelay $0x1  }
0x1b8: {  	v10 =	vadd.s32 v3, v8  }
0x1b9: {  	v7 =	vor.u32 $0x2, v7;
	_ =	sdelay $0x1  }
0x1ba: {  	v9 =	vmul.f32 v9, v11;
	_ =	sdelay $0x1  }
0x1bb: {  	s14 =	sadd.s32 $0x10, s10;
	[tilespmem:v10+s30+$0x0] =	vst.idx.add.f32.msk $0xffff, v9  }
0x1bc: {  	p2 =	slt.s32 s8, $0x7F;
	v63 =	vld.idx.msk [tilespmem:v7+s25+$0x0], $0xffff;
	v7 =	vmov s14  }
.Ltmp19:
0x1bd: {  	v7 =	vshll.u32 v7, $0x3;
	(pc) =	sbr.rel @!p2 .LBB2_27-.Ltmp19, $3  }
0x1be: {  	v10 =	vadd.s32 v4, v8;
	v7 =	vor.u32 v2, v7  }
0x1bf: {  	v9 =	vor.u32 $0x4, v7;
	_ =	sdelay $0x1  }
0x1c0: {  	s8 =	sadd.s32 $0x1, s8;
	p1 =	por $0x1, $0x1;
	v8 =	vor.u32 $0x3, v7;
	v11 =	vmul.f32 v63, v11  }
.LBB2_26:
0x1c1: {  	_ = 	snop  }
0x1c2: {  	p2 =	slt.s32 s8, $0x7F;
	s8 =	sadd.s32 $0x1, s8;
	[tilespmem:v10+s30+$0x0] =	vst.idx.add.f32.msk $0xffff, v11  }
0x1c3: {  	v9 =	vld.idx.msk [tilespmem:v9+s21+$0x0], $0xffff;
	_ =	sdelay $0x4  }
0x1c4: {  	v10 =	vld.idx.msk [tilespmem:v7+s25+$0x0], $0xffff  }
0x1c5: {  	v11 =	vld.idx.msk [tilespmem:v8+s21+$0x0], $0xffff;
	v8 =	vtrunc.f32 v9  }
0x1c6: {  	v8 =	vcvt.f32.s32 v8;
	_ =	sdelay $0x1  }
0x1c7: {  	v9 =	vadd.s32 v0, v8  }
0x1c8: {  	v12 =	vor.u32 $0x1, v7;
	_ =	sdelay $0x1  }
0x1c9: {  	v10 =	vmul.f32 v10, v11;
	_ =	sdelay $0x1  }
0x1ca: {  	[tilespmem:v9+s30+$0x0] =	vst.idx.add.f32.msk $0xffff, v10  }
0x1cb: {  	v9 =	vld.idx.msk [tilespmem:v12+s25+$0x0], $0xffff;
	_ =	sdelay $0x2  }
0x1cc: {  	v10 =	vadd.s32 v3, v8  }
0x1cd: {  	v7 =	vor.u32 $0x2, v7;
	_ =	sdelay $0x1  }
0x1ce: {  	v9 =	vmul.f32 v9, v11;
	_ =	sdelay $0x1  }
0x1cf: {  	[tilespmem:v10+s30+$0x0] =	vst.idx.add.f32.msk $0xffff, v9  }
0x1d0: {  	s14 =	sadd.s32 $0x10, s14;
	v12 =	vld.idx.msk [tilespmem:v7+s25+$0x0], $0xffff  }
0x1d1: {  	v7 =	vmov s14  }
.Ltmp20:
0x1d2: {  	v7 =	vshll.u32 v7, $0x3;
	(pc) =	sbr.rel @p2 .LBB2_26-.Ltmp20, $3  }
0x1d3: {  	v10 =	vadd.s32 v4, v8;
	v7 =	vor.u32 v2, v7  }
0x1d4: {  	v8 =	vor.u32 $0x3, v7;
	v9 =	vor.u32 $0x4, v7;
	_ =	sdelay $0x1  }
0x1d5: {  	v11 =	vmul.f32 v12, v11  }
.LBB2_27:
0x1d6: {  	_ =	sdelay $0x3  }
0x1d7: {  	[tilespmem:v10+s30+$0x0] =	vst.idx.add.f32.msk @p1 $0xffff, v11  }
0x1d8: {  	v9 =	vld.idx.msk [tilespmem:v9+s21+$0x0], $0xffff;
	_ =	sdelay $0x4  }
0x1d9: {  	v10 =	vld.idx.msk [tilespmem:v7+s25+$0x0], $0xffff;
	v9 =	vtrunc.f32 v9  }
0x1da: {  	v8 =	vld.idx.msk [tilespmem:v8+s21+$0x0], $0xffff;
	v9 =	vcvt.f32.s32 v9;
	_ =	sdelay $0x1  }
0x1db: {  	v62 =	vadd.s32 v0, v9  }
0x1dc: {  	v12 =	vor.u32 $0x1, v7;
	_ =	sdelay $0x1  }
0x1dd: {  	v10 =	vmul.f32 v10, v8;
	_ =	sdelay $0x1  }
0x1de: {  	[tilespmem:v62+s30+$0x0] =	vst.idx.add.f32.msk $0xffff, v10  }
0x1df: {  	v10 =	vld.idx.msk [tilespmem:v12+s25+$0x0], $0xffff;
	_ =	sdelay $0x1  }
0x1e0: {  	v63 =	vadd.s32 v3, v9  }
0x1e1: {  	v7 =	vor.u32 $0x2, v7;
	_ =	sdelay $0x1  }
0x1e2: {  	v10 =	vmul.f32 v10, v8;
	_ =	sdelay $0x1  }
0x1e3: {  	[tilespmem:v63+s30+$0x0] =	vst.idx.add.f32.msk $0xffff, v10  }
0x1e4: {  	v7 =	vld.idx.msk [tilespmem:v7+s25+$0x0], $0xffff;
	_ =	sdelay $0x1  }
0x1e5: {  	v9 =	vadd.s32 v4, v9;
	_ =	sdelay $0x2  }
0x1e6: {  	v7 =	vmul.f32 v7, v8;
	_ =	sdelay $0x1  }
0x1e7: {  	[tilespmem:v9+s30+$0x0] =	vst.idx.add.f32.msk $0xffff, v7  }
.LBB2_28:
0x1e8: {  	p1 =	seq.s32 s28, $0x17  }
.Ltmp21:
0x1e9: {  	_ = 	snop;
	(pc) =	sbr.rel @p1 .LBB2_34-.Ltmp21, $1  }
0x1ea: {  	_ =	sdelay $0x3  }
0x1eb: {  	s0 =	rddreg [dreg:$0x1c]  }
0x1ec: {  	s0 =	sadd.s32 s4, s0  }
0x1ed: {  	s4 =	smin.u32 s0, s6  }
0x1ee: {  	s8 =	sshll.u32 s4, $0x7  }
0x1ef: {  	s10 =	simm.s32 $0x800;
	s8 =	sadd.s32 s15, s8  }
0x1f0: {  	[tilespmem:s10], [sflag:$0x3] =	stream.linear.gather [hbm4b:s8+s19], $0x800, $0x38;
	[tilespmem:$0x1C200] =	vst v63  }
0x1f1: {  	s10 =	sshll.u32 s4, $0xA  }
0x1f2: {  	_ =	swait.ge [sflag:s13], $0x800;
	s8 =	sadd.s32 $0x30D400, s10  }
0x1f3: {  	s14 =	simm.s32 $0x1800;
	[sflag:s13] =	ssyncset.done $0x0;
	s8 =	sshrl.u32 s8, $0x3  }
0x1f4: {  	s0 =	ssub.s32 s0, s4;
	[sflag:s13] =	ssyncadd.s32 $0xFFFFF800;
	s11 =	sadd.s32 s15, s8  }
0x1f5: {  	[tilespmem:s14], [sflag:$0x3] =	stream.linear.gather [hbm4b:s11+s19], $0x800, $0x38;
	[tilespmem:$0x1C200] =	vst v63  }
0x1f6: {  	s11 =	sshll.u32 s0, $0x3  }
0x1f7: {  	p1 =	sgt.s32 s11, $0xF  }
.Ltmp22:
0x1f8: {  	_ = 	snop;
	(pc) =	sbr.rel @p1 .LBB2_33-.Ltmp22, $4  }
0x1f9: {  	_ = 	snop  }
0x1fa: {  	_ =	swait.ge [sflag:s13], $0x800  }
0x1fb: {  	[sflag:s13] =	ssyncset.done $0x0  }
0x1fc: {  	[sflag:s13] =	ssyncadd.s32 $0xFFFFF800  }
0x1fd: {  	s0 =	rddreg [dreg:$0xb]  }
0x1fe: {  	p1 =	slt.s32 s24, s0  }
0x1ff: {  	s0 =	smov.u32 @p1 s24  }
0x200: {  	s8 =	sld [smem:$0x7F5];
	s4 =	sshll.u32 s0, $0xF;
	s0 =	sshll.u32 s0, $0xC  }
0x201: {  	s14 =	sld [smem:$0x7F4];
	s4 =	ssub.s32 $0x0, s4;
	s0 =	ssub.s32 $0x0, s0  }
0x202: {  	p1 =	slt.s32 s11, $0xF;
	s0 =	sshra.s32 s0, $0x2;
	s4 =	sshra.s32 s4, $0x2  }
.Ltmp23:
0x203: {  	s8 =	sadd.s32 s0, s8;
	s10 =	sadd.s32 s4, s12;
	(pc) =	sbr.rel @!p1 .LBB2_32-.Ltmp23, $4  }
0x204: {  	[tilespmem:s10], [sflag:$0x2] =	stream.indirect.gather [hbm4b:s3+s16], $0x8, s8, s16, $0xb8;
	[tilespmem:$0x1C200] =	vst v63  }
0x205: {  	s15 =	sadd.s32 s4, s18;
	s10 =	sadd.s32 s0, s14  }
0x206: {  	[tilespmem:s15], [sflag:$0x2] =	stream.indirect.gather [hbm4b:s3+s16], $0x8, s10, s16, $0xb8;
	[tilespmem:$0x1C200] =	vst v63  }
0x207: {  	s11 =	sadd.s32 $0x1, s11;
	s14 =	smov.u32 s12;
	s15 =	smov.u32 s18  }
.LBB2_31:
0x208: {  	p1 =	slt.s32 s11, $0xF;
	s14 =	sadd.s32 $0x400, s14;
	s15 =	sadd.s32 $0x400, s15  }
.Ltmp24:
0x209: {  	s8 =	sadd.s32 $0x80, s8;
	s0 =	sadd.s32 s4, s14;
	(pc) =	sbr.rel @p1 .LBB2_31-.Ltmp24, $4  }
0x20a: {  	[tilespmem:s0], [sflag:$0x2] =	stream.indirect.gather [hbm4b:s3+s16], $0x8, s8, s16, $0xb8;
	[tilespmem:$0x1C200] =	vst v63  }
0x20b: {  	s10 =	sadd.s32 $0x80, s10;
	s0 =	sadd.s32 s4, s15  }
0x20c: {  	[tilespmem:s0], [sflag:$0x2] =	stream.indirect.gather [hbm4b:s3+s16], $0x8, s10, s16, $0xb8;
	[tilespmem:$0x1C200] =	vst v63  }
0x20d: {  	s11 =	sadd.s32 $0x1, s11  }
.Ltmp25:
0x20e: {  	_ = 	snop;
	(pc) =	sbr.rel .LBB2_32-.Ltmp25, $1  }
0x20f: {  	_ =	sdelay $0x3  }
.LBB2_10:
.Ltmp26:
0x210: {  	(pc) =	sbr.rel .LBB2_13-.Ltmp26, $2  }
0x211: {  	_ =	sdelay $0x2  }
0x212: {  	_ = 	snop  }
.LBB2_24:
.Ltmp27:
0x213: {  	(pc) =	sbr.rel .LBB2_27-.Ltmp27, $2  }
0x214: {  	_ =	sdelay $0x2  }
0x215: {  	_ = 	snop  }
.LBB2_34:
0x216: {  	_ =	swait.ge [sflag:s29], $0x400  }
0x217: {  	s0 =	rddreg [dreg:$0x14]  }
0x218: {  	s0 =	sadd.s32 $0x1, s0  }
0x219: {  	p1 =	slt.u32 s0, $0xF  }
.Ltmp28:
0x21a: {  	_ = 	snop;
	(pc) =	sbr.rel @!p1 .LBB2_36-.Ltmp28, $4  }
0x21b: {  	[sflag:s29] =	ssyncset.done $0x0  }
0x21c: {  	[sflag:s29] =	ssyncadd.s32 $0xFFFFFC00  }
0x21d: {  	_ =	swait.ge [sflag:s29], $0x400  }
0x21e: {  	[sflag:s29] =	ssyncset.done $0x0  }
.LBB2_35:
0x21f: {  	s0 =	sadd.s32 $0x1, s0  }
0x220: {  	[sflag:s29] =	ssyncadd.s32 $0xFFFFFC00;
	p1 =	slt.u32 s0, $0xF  }
.Ltmp29:
0x221: {  	_ =	swait.ge [sflag:s29], $0x400;
	(pc) =	sbr.rel @p1 .LBB2_35-.Ltmp29, $4  }
0x222: {  	[sflag:s29] =	ssyncset.done $0x0  }
0x223: {  	[sflag:s29] =	ssyncadd.s32 $0xFFFFFC00  }
0x224: {  	_ =	swait.ge [sflag:s29], $0x400  }
0x225: {  	[sflag:s29] =	ssyncset.done $0x0  }
.LBB2_36:
0x226: {  	s0 =	rddreg [dreg:$0x16]  }
0x227: {  	s1 =	sadd.s32 $0x1, s0  }
0x228: {  	p2 =	slt.u32 s1, $0x7F  }
.Ltmp30:
0x229: {  	s2 =	rddreg [dreg:$0x17];
	(pc) =	sbr.rel @!p2 .LBB2_37-.Ltmp30, $4  }
0x22a: {  	v7 =	vmov s2  }
0x22b: {  	v7 =	vshll.u32 v7, $0x3  }
0x22c: {  	v7 =	vor.u32 v2, v7  }
0x22d: {  	[sflag:s29] =	ssyncadd.s32 $0xFFFFFC00;
	p1 =	por $0x0, $0x0;
	s4 =	sld [smem:$0x7FA];
	v8 =	vor.u32 $0x3, v7;
	v9 =	vor.u32 $0x4, v7  }
0x22e: {  	_ =	sdelay $0x3  }
0x22f: {  	v9 =	vld.idx.msk [tilespmem:v9+s23+$0x0], $0xffff;
	_ =	sdelay $0x4  }
0x230: {  	v10 =	vld.idx.msk [tilespmem:v7+s17+$0x0], $0xffff;
	v9 =	vtrunc.f32 v9  }
0x231: {  	v11 =	vld.idx.msk [tilespmem:v8+s23+$0x0], $0xffff;
	v8 =	vcvt.f32.s32 v9;
	_ =	sdelay $0x1  }
0x232: {  	v9 =	vadd.s32 v0, v8  }
0x233: {  	v12 =	vor.u32 $0x1, v7;
	_ =	sdelay $0x1  }
0x234: {  	v10 =	vmul.f32 v10, v11;
	_ =	sdelay $0x1  }
0x235: {  	[tilespmem:v9+s30+$0x0] =	vst.idx.add.f32.msk $0xffff, v10  }
0x236: {  	v9 =	vld.idx.msk [tilespmem:v12+s17+$0x0], $0xffff;
	_ =	sdelay $0x1  }
0x237: {  	v10 =	vadd.s32 v3, v8  }
0x238: {  	v7 =	vor.u32 $0x2, v7;
	_ =	sdelay $0x1  }
0x239: {  	v9 =	vmul.f32 v9, v11;
	_ =	sdelay $0x1  }
0x23a: {  	s0 =	sadd.s32 $0x10, s2;
	s1 =	sadd.s32 $0x1, s1;
	[tilespmem:v10+s30+$0x0] =	vst.idx.add.f32.msk $0xffff, v9  }
0x23b: {  	p2 =	slt.u32 s1, $0x7F;
	v63 =	vld.idx.msk [tilespmem:v7+s17+$0x0], $0xffff;
	v7 =	vmov s0  }
.Ltmp31:
0x23c: {  	v7 =	vshll.u32 v7, $0x3;
	(pc) =	sbr.rel @!p2 .LBB2_40-.Ltmp31, $3  }
0x23d: {  	v10 =	vadd.s32 v4, v8;
	v7 =	vor.u32 v2, v7  }
0x23e: {  	v9 =	vor.u32 $0x4, v7;
	_ =	sdelay $0x1  }
0x23f: {  	p1 =	por $0x1, $0x1;
	v8 =	vor.u32 $0x3, v7;
	v11 =	vmul.f32 v63, v11  }
.LBB2_39:
0x240: {  	_ = 	snop  }
0x241: {  	s1 =	sadd.s32 $0x1, s1;
	[tilespmem:v10+s30+$0x0] =	vst.idx.add.f32.msk $0xffff, v11  }
0x242: {  	p2 =	slt.u32 s1, $0x7F;
	v9 =	vld.idx.msk [tilespmem:v9+s23+$0x0], $0xffff;
	_ =	sdelay $0x4  }
0x243: {  	v10 =	vld.idx.msk [tilespmem:v7+s17+$0x0], $0xffff  }
0x244: {  	v11 =	vld.idx.msk [tilespmem:v8+s23+$0x0], $0xffff;
	v8 =	vtrunc.f32 v9  }
0x245: {  	v8 =	vcvt.f32.s32 v8;
	_ =	sdelay $0x1  }
0x246: {  	v9 =	vadd.s32 v0, v8  }
0x247: {  	v12 =	vor.u32 $0x1, v7;
	_ =	sdelay $0x1  }
0x248: {  	v10 =	vmul.f32 v10, v11;
	_ =	sdelay $0x1  }
0x249: {  	[tilespmem:v9+s30+$0x0] =	vst.idx.add.f32.msk $0xffff, v10  }
0x24a: {  	v9 =	vld.idx.msk [tilespmem:v12+s17+$0x0], $0xffff;
	_ =	sdelay $0x2  }
0x24b: {  	v10 =	vadd.s32 v3, v8  }
0x24c: {  	v7 =	vor.u32 $0x2, v7;
	_ =	sdelay $0x1  }
0x24d: {  	v9 =	vmul.f32 v9, v11;
	_ =	sdelay $0x1  }
0x24e: {  	[tilespmem:v10+s30+$0x0] =	vst.idx.add.f32.msk $0xffff, v9  }
0x24f: {  	s0 =	sadd.s32 $0x10, s0;
	v12 =	vld.idx.msk [tilespmem:v7+s17+$0x0], $0xffff  }
0x250: {  	v7 =	vmov s0  }
.Ltmp32:
0x251: {  	v7 =	vshll.u32 v7, $0x3;
	(pc) =	sbr.rel @p2 .LBB2_39-.Ltmp32, $3  }
0x252: {  	v10 =	vadd.s32 v4, v8;
	v7 =	vor.u32 v2, v7  }
0x253: {  	v8 =	vor.u32 $0x3, v7;
	v9 =	vor.u32 $0x4, v7;
	_ =	sdelay $0x1  }
0x254: {  	v11 =	vmul.f32 v12, v11  }
.LBB2_40:
0x255: {  	_ =	sdelay $0x3  }
0x256: {  	[tilespmem:v10+s30+$0x0] =	vst.idx.add.f32.msk @p1 $0xffff, v11  }
0x257: {  	v9 =	vld.idx.msk [tilespmem:v9+s23+$0x0], $0xffff;
	_ =	sdelay $0x4  }
0x258: {  	v10 =	vld.idx.msk [tilespmem:v7+s17+$0x0], $0xffff;
	v9 =	vtrunc.f32 v9  }
0x259: {  	v8 =	vld.idx.msk [tilespmem:v8+s23+$0x0], $0xffff;
	v9 =	vcvt.f32.s32 v9;
	_ =	sdelay $0x1  }
0x25a: {  	v62 =	vadd.s32 v0, v9  }
0x25b: {  	v12 =	vor.u32 $0x1, v7;
	_ =	sdelay $0x1  }
0x25c: {  	v10 =	vmul.f32 v10, v8;
	_ =	sdelay $0x1  }
0x25d: {  	[tilespmem:v62+s30+$0x0] =	vst.idx.add.f32.msk $0xffff, v10  }
0x25e: {  	v10 =	vld.idx.msk [tilespmem:v12+s17+$0x0], $0xffff;
	_ =	sdelay $0x1  }
0x25f: {  	v63 =	vadd.s32 v3, v9  }
0x260: {  	v7 =	vor.u32 $0x2, v7;
	_ =	sdelay $0x1  }
0x261: {  	v10 =	vmul.f32 v10, v8;
	_ =	sdelay $0x1  }
0x262: {  	[tilespmem:v63+s30+$0x0] =	vst.idx.add.f32.msk $0xffff, v10  }
0x263: {  	v7 =	vld.idx.msk [tilespmem:v7+s17+$0x0], $0xffff;
	_ =	sdelay $0x1  }
0x264: {  	v9 =	vadd.s32 v4, v9;
	_ =	sdelay $0x2  }
0x265: {  	v7 =	vmul.f32 v7, v8;
	_ =	sdelay $0x1  }
.Ltmp33:
0x266: {  	s0 =	rddreg [dreg:$0x6];
	[tilespmem:v9+s30+$0x0] =	vst.idx.add.f32.msk $0xffff, v7;
	(pc) =	sbr.rel @p0 .LBB2_46-.Ltmp33, $4  }
0x267: {  	[tilespmem:s7], [sflag:$0x3] =	stream.linear.gather [hbm4b:s0+s19], $0x6200, $0x38;
	[tilespmem:$0x1C200] =	vst v63  }
0x268: {  	_ =	swait.ge [sflag:s13], $0x6200  }
0x269: {  	[sflag:s13] =	ssyncset.done $0x0  }
0x26a: {  	[sflag:s13] =	ssyncadd.s32 $0xFFFF9E00  }
0x26b: {  	s1 =	rddreg [dreg:$0x18]  }
0x26c: {  	s1 =	sadd.s32 $0x1, s1  }
0x26d: {  	p2 =	slt.u32 s1, $0xC3  }
.Ltmp34:
0x26e: {  	s0 =	rddreg [dreg:$0x15];
	(pc) =	sbr.rel @!p2 .LBB2_42-.Ltmp34, $4  }
0x26f: {  	v7 =	vmov s0  }
0x270: {  	v7 =	vshll.u32 v7, $0x3  }
0x271: {  	v7 =	vor.u32 v2, v7  }
0x272: {  	p1 =	por $0x0, $0x0;
	v8 =	vor.u32 $0x3, v7;
	v9 =	vor.u32 $0x4, v7  }
0x273: {  	_ =	sdelay $0x3  }
0x274: {  	v9 =	vld.idx.msk [tilespmem:v9+s7+$0x0], $0xffff;
	_ =	sdelay $0x4  }
0x275: {  	v10 =	vld.idx.msk [tilespmem:v7+s7+$0x0], $0xffff;
	v9 =	vtrunc.f32 v9  }
0x276: {  	v8 =	vld.idx.msk [tilespmem:v8+s7+$0x0], $0xffff;
	v9 =	vcvt.f32.s32 v9;
	_ =	sdelay $0x1  }
0x277: {  	v11 =	vadd.s32 v0, v9  }
0x278: {  	v12 =	vor.u32 $0x1, v7;
	_ =	sdelay $0x1  }
0x279: {  	v10 =	vmul.f32 v10, v8;
	_ =	sdelay $0x1  }
0x27a: {  	[tilespmem:v11+s30+$0x0] =	vst.idx.add.f32.msk $0xffff, v10  }
0x27b: {  	v10 =	vld.idx.msk [tilespmem:v12+s7+$0x0], $0xffff;
	_ =	sdelay $0x1  }
0x27c: {  	v11 =	vadd.s32 v3, v9  }
0x27d: {  	v7 =	vor.u32 $0x2, v7;
	_ =	sdelay $0x1  }
0x27e: {  	v10 =	vmul.f32 v10, v8;
	_ =	sdelay $0x1  }
0x27f: {  	[tilespmem:v11+s30+$0x0] =	vst.idx.add.f32.msk $0xffff, v10  }
0x280: {  	v7 =	vld.idx.msk [tilespmem:v7+s7+$0x0], $0xffff;
	_ =	sdelay $0x1  }
0x281: {  	s0 =	sadd.s32 $0x10, s0  }
0x282: {  	s1 =	sadd.s32 $0x1, s1;
	v10 =	vmov s0  }
0x283: {  	p2 =	slt.u32 s1, $0xC3;
	v11 =	vadd.s32 v4, v9;
	v10 =	vshll.u32 v10, $0x3  }
.Ltmp35:
0x284: {  	v63 =	vmul.f32 v7, v8;
	v7 =	vor.u32 v2, v10;
	v10 =	vadd.s32 v5, v9;
	(pc) =	sbr.rel @!p2 .LBB2_45-.Ltmp35, $2  }
0x285: {  	v9 =	vor.u32 $0x4, v7;
	_ =	sdelay $0x2  }
0x286: {  	p1 =	por $0x1, $0x1;
	v8 =	vor.u32 $0x3, v7;
	[tilespmem:v11+s30+$0x0] =	vst.idx.add.f32.msk $0xffff, v63  }
.LBB2_44:
0x287: {  	s1 =	sadd.s32 $0x1, s1;
	[tilespmem:v10+s30+$0x0] =	vst.idx.add.f32.msk $0xffff, v6  }
0x288: {  	p2 =	slt.u32 s1, $0xC3;
	v9 =	vld.idx.msk [tilespmem:v9+s7+$0x0], $0xffff;
	_ =	sdelay $0x4  }
0x289: {  	v10 =	vld.idx.msk [tilespmem:v7+s7+$0x0], $0xffff  }
0x28a: {  	v11 =	vld.idx.msk [tilespmem:v8+s7+$0x0], $0xffff;
	v8 =	vtrunc.f32 v9  }
0x28b: {  	v8 =	vcvt.f32.s32 v8;
	_ =	sdelay $0x1  }
0x28c: {  	v9 =	vadd.s32 v0, v8  }
0x28d: {  	v12 =	vor.u32 $0x1, v7;
	_ =	sdelay $0x1  }
0x28e: {  	v10 =	vmul.f32 v10, v11;
	_ =	sdelay $0x1  }
0x28f: {  	[tilespmem:v9+s30+$0x0] =	vst.idx.add.f32.msk $0xffff, v10  }
0x290: {  	v9 =	vld.idx.msk [tilespmem:v12+s7+$0x0], $0xffff;
	_ =	sdelay $0x2  }
0x291: {  	v10 =	vadd.s32 v3, v8  }
0x292: {  	v7 =	vor.u32 $0x2, v7;
	_ =	sdelay $0x1  }
0x293: {  	v9 =	vmul.f32 v9, v11;
	_ =	sdelay $0x1  }
0x294: {  	[tilespmem:v10+s30+$0x0] =	vst.idx.add.f32.msk $0xffff, v9  }
0x295: {  	v12 =	vld.idx.msk [tilespmem:v7+s7+$0x0], $0xffff  }
0x296: {  	s0 =	sadd.s32 $0x10, s0  }
0x297: {  	v7 =	vmov s0  }
0x298: {  	v13 =	vadd.s32 v4, v8;
	v7 =	vshll.u32 v7, $0x3  }
.Ltmp36:
0x299: {  	v10 =	vadd.s32 v5, v8;
	v7 =	vor.u32 v2, v7;
	(pc) =	sbr.rel @p2 .LBB2_44-.Ltmp36, $3  }
0x29a: {  	v8 =	vor.u32 $0x3, v7;
	v9 =	vor.u32 $0x4, v7  }
0x29b: {  	v11 =	vmul.f32 v12, v11;
	_ =	sdelay $0x1  }
0x29c: {  	[tilespmem:v13+s30+$0x0] =	vst.idx.add.f32.msk $0xffff, v11  }
.Ltmp37:
0x29d: {  	_ = 	snop;
	(pc) =	sbr.rel .LBB2_45-.Ltmp37, $1  }
0x29e: {  	_ =	sdelay $0x3  }
.LBB2_37:
.Ltmp38:
0x29f: {  	(pc) =	sbr.rel .LBB2_40-.Ltmp38, $2  }
0x2a0: {  	_ =	sdelay $0x2  }
0x2a1: {  	_ = 	snop  }
.LBB2_47:
0x2a2: {  	_ =	sfence.sel $0x180000  }
0x2a3: {  	[bflag:$0x0] =	sbarrier.arrive $0xFFFF  }
0x2a4: {  	_ =	strace $0x9000004D  }
0x2a5: {  	s0 =	stileid.u32;
	[bflag:$0x2] =	sbarrier.arrive $0xFFFF  }
0x2a6: {  	p0 =	sne.s32 s0, $0x0;
	s0 =	rddreg [dreg:$0x1]  }
0x2a7: {  	s0 =	sadd.s32 @!p0 $0x100000, s0  }
0x2a8: {  	[sflag:s0] =	ssyncadd.tile.s32 @!p0 $0x1;
	_ =	shalt  }
.Lfunc_end2:
_tile_overlayer_lowered:
.L_overlay_start_2:
0x2a9: {  	(tag) =	ssettag $0x2  }
0x2aa: {  	s0 =	rddreg [dreg:$0x0];
	s2 =	stileid.u32  }
0x2ab: {  	s1 =	rddreg [dreg:$0x1];
	p0 =	sne.s32 s2, $0x0  }
0x2ac: {  	s3 =	rddreg [dreg:$0x2];
	[bflag:$0x3] =	sbarrier.arrive $0xFFFF;
	s2 =	simm.s32 @!p0 $0x1C03  }
0x2ad: {  	[timem:s3], [sflag:s2] =	dma.local @!p0 [hbm:s0], s1  }
0x2ae: {  	s0 =	simm.s32 @!p0 $0x3  }
0x2af: {  	_ =	swait.ge @!p0 [sflag:s0], s1  }
0x2b0: {  	s1 =	ssub.s32 @!p0 $0x0, s1;
	[sflag:s0] =	ssyncset.done @!p0 $0x0  }
0x2b1: {  	[sflag:s0] =	ssyncadd.s32 @!p0 s1  }
0x2b2: {  	[bflag:$0x3] =	sbarrier.arrive $0xFFFF  }
0x2b3: {  	_ =	shalt  }

// kernel: kernel.7.cloned.1.call-start
scs
__scs_entry_jumppad:
0x0: {  	(pc) =	sbr.rel $0x88, $3  }
0x1: {  	(tag) =	ssettag $0x0;
	lr =	simm.s32 $0x1  }
0x2: {  	[smem:$0x3F9A] =	sst lr;
	_ =	strace $0xD0000000  }
0x3: {  	_ = 	snop  }
0x4: {  	_ = 	snop  }
0x5: {  	_ = 	snop  }
0x6: {  	_ = 	snop  }
0x7: {  	_ = 	snop  }
__scs_overlays_trampoline_lowered:
0x8: {  	[smem:$0x3FA9] =	sst s0  }
0x9: {  	[smem:$0x3FAA] =	sst s1  }
0xa: {  	[smem:$0x3FAB] =	sst s2  }
0xb: {  	[smem:$0x3FAC] =	sst s3  }
0xc: {  	[smem:$0x3FAD] =	sst s4  }
0xd: {  	[smem:$0x3FAE] =	sst s5  }
0xe: {  	[smem:$0x3FAF] =	sst s6  }
0xf: {  	[smem:$0x3FB0] =	sst s7  }
0x10: {  	[smem:$0x3FB1] =	sst s8  }
0x11: {  	[smem:$0x3FB2] =	sst s9;
	s0 =	simm.s32 @!p0 $0x0  }
0x12: {  	s1 =	sld [smem:$0x3F98];
	s0 =	simm.s32 @p0 $0x1  }
0x13: {  	[smem:$0x3FB3] =	sst s0;
	s0 =	simm.s32 @!p1 $0x0  }
0x14: {  	s2 =	sld [smem:$0x3F97];
	s0 =	simm.s32 @p1 $0x1  }
0x15: {  	[smem:$0x3FB4] =	sst s0;
	s0 =	simm.s32 @!p2 $0x0  }
0x16: {  	s3 =	sld [smem:$0x3FDB];
	s0 =	simm.s32 @p2 $0x1  }
0x17: {  	s4 =	simm.s32 $0x1BF5;
	[smem:$0x3FB6] =	sst s0  }
0x18: {  	s0 =	sld [smem:$0x3F99];
	_ =	swait.ge [sflag:s4], $0x0  }
0x19: {  	s7 =	sld [smem:$0x3F9A]  }
0x1a: {  	s8 =	sadd.s32 $0xFFFFE003, lr  }
0x1b: {  	s9 =	sadd.s32 $0xFFFFFEF7, lr;
	s5 =	simm.s32 $0xFFFFFFFF;
	p2 =	slt.u32 s8, $0xFFFFF086  }
0x1c: {  	p1 =	slt.u32 s9, $0xF7A;
	s5 =	simm.s32 @!p2 $0x0  }
0x1d: {  	s5 =	simm.s32 @p1 $0x1;
	p0 =	seq.s32 s7, s2  }
0x1e: {  	s7 =	smul.u32 @!p0 $0xF7A, s2;
	p2 =	seq.s32 @!p0 s5, $0x0  }
0x1f: {  	s9 =	smul.u32 $0xF7A, s1;
	s8 =	simm.s32 @!p0 $0x1BF5;
	p2 =	por !p2, p0  }
0x20: {  	[sflag:s8] =	ssyncset.s32 @!p0 $0xFFFFF086;
	s6 =	sadd.s32 @!p0 s3, s7;
	s7 =	simm.s32 @!p0 $0x108  }
0x21: {  	s3 =	sadd.s32 s3, s9;
	s6 =	sadd.s32 @!p0 $0x88, s6;
	s7 =	simm.s32 @p2 $0x1082  }
0x22: {  	[simem:s7], [sflag:s8] =	dma.local @!p0 [hbm:s6], $0xF7A  }
0x23: {  	s9 =	sor.u32 $0xD0000000, s2;
	s6 =	simm.s32 $0x108;
	_ =	swait.ge @!p0 [sflag:s8], $0x0  }
0x24: {  	s3 =	sadd.s32 $0x88, s3;
	s6 =	simm.s32 @!p1 $0x1082;
	[sflag:s4] =	ssyncset.s32 $0xFFFFF086  }
0x25: {  	[simem:s6], [sflag:s4] =	dma.local [hbm:s3], $0xF7A  }
0x26: {  	[smem:$0x3F9A] =	sst s1;
	(tag) =	ssettag s2;
	_ =	strace s9  }
0x27: {  	s1 =	sld [smem:$0x3FAA]  }
0x28: {  	s2 =	sld [smem:$0x3FAB]  }
0x29: {  	s4 =	sld [smem:$0x3FAD]  }
0x2a: {  	p0 =	seq.s32 s5, $0x0;
	s5 =	sld [smem:$0x3FAE]  }
0x2b: {  	s6 =	sld [smem:$0x3FAF]  }
0x2c: {  	s7 =	sld [smem:$0x3FB0]  }
0x2d: {  	s3 =	simm.s32 $0x108;
	s8 =	sld [smem:$0x3FB1]  }
0x2e: {  	s3 =	simm.s32 @!p0 $0x1082;
	s9 =	sld [smem:$0x3FB2]  }
0x2f: {  	lr =	sadd.s32 s0, s3;
	s0 =	sld [smem:$0x3FA9]  }
0x30: {  	s3 =	sld [smem:$0x3FAC]  }
0x31: {  	[smem:$0x3FB5] =	sst s10  }
0x32: {  	s10 =	sld [smem:$0x3FB3];
	_ =	sdelay $0x3  }
0x33: {  	p0 =	seq.s32 s10, $0x1;
	s10 =	sld [smem:$0x3FB5];
	_ =	sdelay $0x3  }
0x34: {  	[smem:$0x3FB5] =	sst s10  }
0x35: {  	s10 =	sld [smem:$0x3FB4];
	_ =	sdelay $0x3  }
0x36: {  	p1 =	seq.s32 s10, $0x1;
	s10 =	sld [smem:$0x3FB5];
	_ =	sdelay $0x3  }
0x37: {  	[smem:$0x3FB5] =	sst s10  }
0x38: {  	s10 =	sld [smem:$0x3FB6]  }
0x39: {  	_ = 	snop;
	(pc) =	sbr.ind lr, $3  }
0x3a: {  	_ = 	snop  }
0x3b: {  	_ = 	snop  }
0x3c: {  	p2 =	seq.s32 s10, $0x1;
	s10 =	sld [smem:$0x3FB5]  }
0x3d: {  	_ =	shalt  }
0x3e: {  	_ =	shalt  }
0x3f: {  	_ =	shalt  }
0x40: {  	_ =	shalt  }
0x41: {  	_ =	shalt  }
0x42: {  	_ =	shalt  }
0x43: {  	_ =	shalt  }
0x44: {  	_ =	shalt  }
0x45: {  	_ =	shalt  }
0x46: {  	_ =	shalt  }
0x47: {  	_ =	shalt  }
0x48: {  	_ =	shalt  }
0x49: {  	_ =	shalt  }
0x4a: {  	_ =	shalt  }
0x4b: {  	_ =	shalt  }
0x4c: {  	_ =	shalt  }
0x4d: {  	_ =	shalt  }
0x4e: {  	_ =	shalt  }
0x4f: {  	_ =	shalt  }
0x50: {  	_ =	shalt  }
0x51: {  	_ =	shalt  }
0x52: {  	_ =	shalt  }
0x53: {  	_ =	shalt  }
0x54: {  	_ =	shalt  }
0x55: {  	_ =	shalt  }
0x56: {  	_ =	shalt  }
0x57: {  	_ =	shalt  }
0x58: {  	_ =	shalt  }
0x59: {  	_ =	shalt  }
0x5a: {  	_ =	shalt  }
0x5b: {  	_ =	shalt  }
0x5c: {  	_ =	shalt  }
0x5d: {  	_ =	shalt  }
0x5e: {  	_ =	shalt  }
0x5f: {  	_ =	shalt  }
0x60: {  	_ =	shalt  }
0x61: {  	_ =	shalt  }
0x62: {  	_ =	shalt  }
0x63: {  	_ =	shalt  }
0x64: {  	_ =	shalt  }
0x65: {  	_ =	shalt  }
0x66: {  	_ =	shalt  }
0x67: {  	_ =	shalt  }
0x68: {  	_ =	shalt  }
0x69: {  	_ =	shalt  }
0x6a: {  	_ =	shalt  }
0x6b: {  	_ =	shalt  }
0x6c: {  	_ =	shalt  }
0x6d: {  	_ =	shalt  }
0x6e: {  	_ =	shalt  }
0x6f: {  	_ =	shalt  }
0x70: {  	_ =	shalt  }
0x71: {  	_ =	shalt  }
0x72: {  	_ =	shalt  }
0x73: {  	_ =	shalt  }
0x74: {  	_ =	shalt  }
0x75: {  	_ =	shalt  }
0x76: {  	_ =	shalt  }
0x77: {  	_ =	shalt  }
0x78: {  	_ =	shalt  }
0x79: {  	_ =	shalt  }
0x7a: {  	_ =	shalt  }
0x7b: {  	_ =	shalt  }
0x7c: {  	_ =	shalt  }
0x7d: {  	_ =	shalt  }
0x7e: {  	_ =	shalt  }
0x7f: {  	_ =	shalt  }
0x80: {  	_ =	shalt  }
0x81: {  	_ =	shalt  }
0x82: {  	_ =	shalt  }
0x83: {  	_ =	shalt  }
0x84: {  	_ =	shalt  }
0x85: {  	_ =	shalt  }
0x86: {  	_ =	shalt  }
0x87: {  	_ =	shalt  }
.Lfunc_end0:
.L_simem_size_0:
called_computation_lowered:
.L_overlay_start_0:
0x88: {  	s2 =	sld [smem:$0x3FD9]  }
0x89: {  	s3 =	sld [smem:$0x3FFE];
	_ =	sdelay $0x1  }
0x8a: {  	s1 =	srdreg.scid  }
0x8b: {  	s0 =	sand.u32 $0x1, s1  }
0x8c: {  	s16 =	sshll.u32 s0, $0xA;
	s2 =	sadd.s32 s3, s2  }
0x8d: {  	s2 =	sadd.s32 s2, s16  }
0x8e: {  	[smem:$0x3FC1] =	sst s2  }
0x8f: {  	_ = 	snop  }
0x90: {  	(tm) =	ssettm $0x1  }
0x91: {  	s17 =	sld [smem:$0x3FFB];
	_ =	sdelay $0x3  }
0x92: {  	_ =	strace s17  }
0x93: {  	s2 =	sld [smem:$0x3FFC];
	_ =	sdelay $0x3  }
0x94: {  	_ =	strace s2  }
0x95: {  	s2 =	sld [smem:$0x3FFD];
	_ =	sdelay $0x3  }
0x96: {  	_ =	strace s2  }
0x97: {  	_ =	strace $0x8FFFFFFF  }
0x98: {  	s18 =	sld [smem:$0x3FDB];
	_ =	sdelay $0x1  }
0x99: {  	s19 =	simm.s32 $_scs_section_size  }
0x9a: {  	s4 =	simm.s32 $_size__tile_overlayer_lowered;
	s5 =	simm.s32 $_tile_overlayer_lowered  }
0x9b: {  	s22 =	simm.s32 $0x1BFF;
	s21 =	sshll.u32 s5, $0x1;
	s2 =	sadd.s32 s19, s18  }
0x9c: {  	s6 =	simm.s32 $0x0;
	s20 =	sshll.u32 s4, $0x1;
	s4 =	sadd.s32 s21, s2  }
0x9d: {  	[timem:s6], [sflag:s22] =	dma.local [hbm:s4], s20  }
0x9e: {  	_ =	swait.ge [sflag:s22], s20  }
0x9f: {  	s3 =	ssub.s32 $0x0, s20;
	[sflag:s22] =	ssyncset.done $0x0  }
0xa0: {  	[sflag:s22] =	ssyncadd.s32 s3;
	_ =	sdelay $0x1  }
0xa1: {  	s23 =	simm.s32 $0x1B8B  }
0xa2: {  	_ =	swait.ge [sflag:s23], $0x1  }
0xa3: {  	[sflag:s23] =	ssyncset.done $0x0  }
0xa4: {  	s25 =	simm.s32 $0x1B8E;
	s24 =	sld [smem:$0x3FFE];
	[sflag:s23] =	ssyncadd.s32 $0xFFFFFFFF  }
0xa5: {  	s26 =	simm.s32 $execute0_lowered;
	[smem:$0x3FD2] =	sst s25  }
0xa6: {  	s4 =	sshll.u32 s26, $0x1;
	_ =	strace $0x80000046;
	[dreg:$0x1] =	wrdreg $0xFFFFFFFF  }
0xa7: {  	s28 =	simm.s32 $_size_execute0_lowered;
	s2 =	sadd.s32 s2, s4;
	[dreg:$0x0] =	wrdreg $0x0  }
0xa8: {  	s4 =	sshll.u32 s28, $0x1;
	[dreg:$0x2] =	wrdreg s2  }
0xa9: {  	[dreg:$0x3] =	wrdreg s4  }
0xaa: {  	[dreg:$0x4] =	wrdreg $0xC0  }
0xab: {  	_ =	task [dreg:s6], $0x5FFFF  }
0xac: {  	[dreg:$0x1] =	wrdreg $0xFFFFFFFF  }
0xad: {  	[dreg:$0x0] =	wrdreg $0x60  }
0xae: {  	[dreg:$0x2] =	wrdreg s24  }
0xaf: {  	[dreg:$0x3] =	wrdreg $0x28F00  }
0xb0: {  	[dreg:$0x4] =	wrdreg $0x9  }
0xb1: {  	_ =	task.clear_ibuf [dreg:s6], $0x5FFFF;
	_ =	strace $0x90000046  }
0xb2: {  	s29 =	simm.s32 $0x9;
	_ =	strace $0x80000048  }
0xb3: {  	_ =	swait.ge [sflag:s29], $0x1  }
0xb4: {  	[sflag:s29] =	ssyncadd.s32 $0xFFFFFFFF  }
0xb5: {  	_ =	strace $0x90000048  }
0xb6: {  	_ =	sfence  }
0xb7: {  	s30 =	sld [smem:$0x0];
	_ =	sdelay $0x2  }
0xb8: {  	s31 =	sshll.u32 s1, $0xD;
	s1 =	sshrl.u32 s1, $0x2  }
0xb9: {  	s3 =	sand.u32 $0x4000, s31;
	s1 =	sadd.s32 s1, s30  }
0xba: {  	s0 =	sor.u32 s3, s0;
	s1 =	sshll.u32 s1, $0x11  }
0xbb: {  	s0 =	sor.u32 s1, s0  }
0xbc: {  	s0 =	sadd.s32 $0x8F2B, s0  }
0xbd: {  	[sflag:s0] =	ssyncadd.remote.s32 $0x1  }
0xbe: {  	_ =	sfence.sel $0xFFFF  }
0xbf: {  	[dreg:$0x0] =	wrdreg $0xFFFFFFFF;
	(pc) =	sbr.abs _section_cstart, $3  }
0xc0: {  	[dreg:$0x1] =	wrdreg $0xFFFFFFFF  }
0xc1: {  	_ =	task.clear_ibuf [dreg:s6], $0x2FFFF;
	_ =	strace $0x9FFFFFFF  }
0xc2: {  	(tm) =	ssettm $0x7FFFFFFF  }
0xc3: {  	_ =	shalt  }
tec
execute0_lowered:
.L_overlay_start_1:
0x0: {  	(tag) =	ssettag $0x1  }
0x1: {  	s13 =	stileid.u32  }
0x2: {  	s0 =	srdreg.scid;
	s3 =	smul.u32 $0x61, s13  }
0x3: {  	s4 =	rddreg [dreg:$0x0];
	s6 =	smul.u32 $0x1870, s13  }
0x4: {  	s2 =	rddreg [dreg:$0x1];
	s0 =	sand.u32 $0x1, s0;
	s19 =	smul.u32 $0x61000, s13  }
0x5: {  	s11 =	simm.s32 $0x60;
	s28 =	simm.s32 $0x800;
	s1 =	smul.u32 $0x61A, s0  }
0x6: {  	s5 =	sor.u32 $0xA, s0;
	s15 =	smul.u32 $0x18700, s0;
	s10 =	ssub.s32 $0x2, s0  }
0x7: {  	s0 =	smul.u32 $0x61A000, s0;
	s9 =	smin.u32 s13, s5;
	p0 =	slt.u32 s13, s5  }
0x8: {  	s16 =	sshrl.u32 s10, $0x1;
	s5 =	sadd.s32 s6, s2;
	s13 =	sadd.s32 $0x63480, s4  }
0x9: {  	s8 =	sadd.s32 s3, s1;
	s3 =	simm.s32 $0x0;
	s1 =	sadd.s32 s6, s15  }
0xa: {  	s11 =	simm.s32 @!p0 $0x5F;
	s10 =	ssub.s32 s10, s16;
	s0 =	sadd.s32 s19, s0  }
0xb: {  	s21 =	sshll.u32 s9, $0xC;
	s19 =	simm.s32 $0x1080;
	s23 =	sadd.s32 s9, s8  }
0xc: {  	[smem:$0x7FF] =	sst s3;
	s1 =	sshrl.u32 s1, $0x3;
	s14 =	sshll.u32 s11, $0x3  }
0xd: {  	s10 =	smax.u32 s10, $0x1;
	s0 =	sadd.s32 s21, s0;
	s24 =	sadd.s32 s9, s11  }
0xe: {  	s21 =	simm.s32 $0x80;
	s7 =	sshll.u32 s23, $0x7;
	_ =	strace $0x80000047  }
0xf: {  	s12 =	sadd.s32 s1, s4;
	s6 =	sadd.s32 s23, s11;
	s1 =	sadd.s32 $0x4, s23  }
0x10: {  	s30 =	sadd.s32 $0x6, s23;
	[dreg:$0x6] =	wrdreg s10;
	s20 =	sshll.u32 s23, $0x3  }
0x11: {  	s25 =	sadd.s32 $0x4000, s0;
	s26 =	sadd.s32 $0x6000, s0;
	s15 =	sadd.s32 s24, s8  }
0x12: {  	s24 =	simm.s32 $0x1;
	s7 =	sadd.s32 s7, s4;
	s12 =	sadd.s32 $0xC5000, s12  }
0x13: {  	s22 =	sadd.s32 $0xFFFFFFFF, s20;
	s0 =	sshrl.u32 s25, $0x2;
	s29 =	sshrl.u32 s26, $0x2  }
0x14: {  	s20 =	simm.s32 $0x3;
	s25 =	simm.s32 $0x2;
	[dreg:$0x5] =	wrdreg s12  }
0x15: {  	s26 =	simm.s32 $0x0;
	s17 =	sadd.s32 $0x63480, s7;
	[dreg:$0x7] =	wrdreg s22  }
0x16: {  	s18 =	sadd.s32 $0x63580, s7;
	s31 =	sadd.s32 $0x800, s29;
	[dreg:$0x3] =	wrdreg s17  }
0x17: {  	v0 =	vimm.f32 $0.0e+00;
	v1 =	vimm.f32 $1.000000000e+00;
	s22 =	simm.s32 $0x1000;
	[dreg:$0x4] =	wrdreg s18;
	s18 =	sadd.s32 $0xFFFFFD10, s14  }
.LBB2_1:
0x18: {  	s4 =	simm.s32 $0x40;
	s8 =	simm.s32 $0x0  }
.LBB2_2:
0x19: {  	p0 =	sne.s32 s4, $0x6180;
	[tilespmem:s8+$0x1080] =	vst v0;
	s8 =	smov.u32 s4;
	s4 =	sadd.s32 $0x40, s4  }
.Ltmp0:
0x1a: {  	(pc) =	sbr.rel @p0 .LBB2_2-.Ltmp0, $2  }
0x1b: {  	_ =	sdelay $0x2  }
0x1c: {  	s8 =	sshra.s32 s8, $0x2  }
0x1d: {  	[tilespmem:s8+$0x1080] =	vst v0  }
0x1e: {  	[tilespmem:$0x1000] =	vst v1  }
0x1f: {  	[tilespmem:$0x1010] =	vst v1  }
0x20: {  	[tilespmem:$0x1020] =	vst v1  }
0x21: {  	[tilespmem:$0x1030] =	vst v1  }
0x22: {  	[tilespmem:$0x1040] =	vst v1  }
0x23: {  	[tilespmem:$0x1050] =	vst v1  }
0x24: {  	[tilespmem:$0x1060] =	vst v1  }
0x25: {  	[tilespmem:$0x1070] =	vst v1  }
0x26: {  	[spmem:s5] =	stream.linear.scatter [tilespmem:s19], [sflag:$0x3], $0x1870, $0x38;
	[tilespmem:$0x4160] =	vst v63  }
0x27: {  	_ =	swait.ge [sflag:s20], $0x1870  }
0x28: {  	[sflag:s20] =	ssyncset.done $0x0  }
0x29: {  	[sflag:s20] =	ssyncadd.s32 $0xFFFFE790  }
0x2a: {  	[bflag:$0x0] =	sbarrier.arrive $0xFFFF  }
0x2b: {  	s29 =	simm.s32 $0x0;
	s4 =	rddreg [dreg:$0x3]  }
0x2c: {  	[tilespmem:s29], [sflag:$0x3] =	stream.linear.gather [hbm4b:s4+s29], $0x800, $0x38;
	[tilespmem:$0x4160] =	vst v63  }
0x2d: {  	_ =	swait.ge [sflag:s20], $0x800  }
0x2e: {  	[sflag:s20] =	ssyncset.done $0x0  }
0x2f: {  	[sflag:s20] =	ssyncadd.s32 $0xFFFFF800  }
0x30: {  	[spmem:s2] =	stream.indirect.scatter.add.f32 [tilespmem:s22], [sflag:$0x1], $0x1, s29, s21, $0xb8;
	[tilespmem:$0x4160] =	vst v63  }
0x31: {  	_ = 	snop  }
0x32: {  	[spmem:s2] =	stream.indirect.scatter.add.f32 [tilespmem:s22], [sflag:$0x1], $0x1, s21, s21, $0xb8;
	[tilespmem:$0x4160] =	vst v63  }
0x33: {  	s14 =	simm.s32 $0x100  }
0x34: {  	[spmem:s2] =	stream.indirect.scatter.add.f32 [tilespmem:s22], [sflag:$0x1], $0x1, s14, s21, $0xb8;
	[tilespmem:$0x4160] =	vst v63  }
0x35: {  	s16 =	simm.s32 $0x180  }
0x36: {  	[spmem:s2] =	stream.indirect.scatter.add.f32 [tilespmem:s22], [sflag:$0x1], $0x1, s16, s21, $0xb8;
	[tilespmem:$0x4160] =	vst v63  }
0x37: {  	s17 =	simm.s32 $0x200  }
0x38: {  	[spmem:s2] =	stream.indirect.scatter.add.f32 [tilespmem:s22], [sflag:$0x1], $0x1, s17, s21, $0xb8;
	[tilespmem:$0x4160] =	vst v63  }
0x39: {  	s7 =	simm.s32 $0x280  }
0x3a: {  	[spmem:s2] =	stream.indirect.scatter.add.f32 [tilespmem:s22], [sflag:$0x1], $0x1, s7, s21, $0xb8;
	[tilespmem:$0x4160] =	vst v63  }
0x3b: {  	s8 =	simm.s32 $0x300  }
0x3c: {  	[spmem:s2] =	stream.indirect.scatter.add.f32 [tilespmem:s22], [sflag:$0x1], $0x1, s8, s21, $0xb8;
	[tilespmem:$0x4160] =	vst v63  }
0x3d: {  	s9 =	simm.s32 $0x380  }
0x3e: {  	[spmem:s2] =	stream.indirect.scatter.add.f32 [tilespmem:s22], [sflag:$0x1], $0x1, s9, s21, $0xb8;
	[tilespmem:$0x4160] =	vst v63  }
0x3f: {  	s10 =	simm.s32 $0x400  }
0x40: {  	[spmem:s2] =	stream.indirect.scatter.add.f32 [tilespmem:s22], [sflag:$0x1], $0x1, s10, s21, $0xb8;
	[tilespmem:$0x4160] =	vst v63  }
0x41: {  	s11 =	simm.s32 $0x480  }
0x42: {  	[spmem:s2] =	stream.indirect.scatter.add.f32 [tilespmem:s22], [sflag:$0x1], $0x1, s11, s21, $0xb8;
	[tilespmem:$0x4160] =	vst v63  }
0x43: {  	s12 =	simm.s32 $0x500  }
0x44: {  	[spmem:s2] =	stream.indirect.scatter.add.f32 [tilespmem:s22], [sflag:$0x1], $0x1, s12, s21, $0xb8;
	[tilespmem:$0x4160] =	vst v63  }
0x45: {  	s14 =	simm.s32 $0x580  }
0x46: {  	[spmem:s2] =	stream.indirect.scatter.add.f32 [tilespmem:s22], [sflag:$0x1], $0x1, s14, s21, $0xb8;
	[tilespmem:$0x4160] =	vst v63  }
0x47: {  	s16 =	simm.s32 $0x600  }
0x48: {  	[spmem:s2] =	stream.indirect.scatter.add.f32 [tilespmem:s22], [sflag:$0x1], $0x1, s16, s21, $0xb8;
	[tilespmem:$0x4160] =	vst v63  }
0x49: {  	s17 =	simm.s32 $0x680  }
0x4a: {  	[spmem:s2] =	stream.indirect.scatter.add.f32 [tilespmem:s22], [sflag:$0x1], $0x1, s17, s21, $0xb8;
	[tilespmem:$0x4160] =	vst v63  }
0x4b: {  	s7 =	simm.s32 $0x700  }
0x4c: {  	[spmem:s2] =	stream.indirect.scatter.add.f32 [tilespmem:s22], [sflag:$0x1], $0x1, s7, s21, $0xb8;
	[tilespmem:$0x4160] =	vst v63  }
0x4d: {  	s8 =	simm.s32 $0x780  }
0x4e: {  	[spmem:s2] =	stream.indirect.scatter.add.f32 [tilespmem:s22], [sflag:$0x1], $0x1, s8, s21, $0xb8;
	[tilespmem:$0x4160] =	vst v63  }
0x4f: {  	s9 =	rddreg [dreg:$0x4]  }
0x50: {  	[tilespmem:s28], [sflag:$0x3] =	stream.linear.gather [hbm4b:s9+s29], $0x800, $0x38;
	[tilespmem:$0x4160] =	vst v63  }
0x51: {  	_ =	swait.ge [sflag:s20], $0x800  }
0x52: {  	[sflag:s20] =	ssyncset.done $0x0  }
0x53: {  	[sflag:s20] =	ssyncadd.s32 $0xFFFFF800  }
0x54: {  	[spmem:s2] =	stream.indirect.scatter.add.f32 [tilespmem:s22], [sflag:$0x2], $0x1, s28, s21, $0xb8;
	[tilespmem:$0x4160] =	vst v63  }
0x55: {  	s10 =	simm.s32 $0x880  }
0x56: {  	[spmem:s2] =	stream.indirect.scatter.add.f32 [tilespmem:s22], [sflag:$0x2], $0x1, s10, s21, $0xb8;
	[tilespmem:$0x4160] =	vst v63  }
0x57: {  	s11 =	simm.s32 $0x900  }
0x58: {  	[spmem:s2] =	stream.indirect.scatter.add.f32 [tilespmem:s22], [sflag:$0x2], $0x1, s11, s21, $0xb8;
	[tilespmem:$0x4160] =	vst v63  }
0x59: {  	s12 =	simm.s32 $0x980  }
0x5a: {  	[spmem:s2] =	stream.indirect.scatter.add.f32 [tilespmem:s22], [sflag:$0x2], $0x1, s12, s21, $0xb8;
	[tilespmem:$0x4160] =	vst v63  }
0x5b: {  	s14 =	simm.s32 $0xA00  }
0x5c: {  	[spmem:s2] =	stream.indirect.scatter.add.f32 [tilespmem:s22], [sflag:$0x2], $0x1, s14, s21, $0xb8;
	[tilespmem:$0x4160] =	vst v63  }
0x5d: {  	s16 =	simm.s32 $0xA80  }
0x5e: {  	[spmem:s2] =	stream.indirect.scatter.add.f32 [tilespmem:s22], [sflag:$0x2], $0x1, s16, s21, $0xb8;
	[tilespmem:$0x4160] =	vst v63  }
0x5f: {  	s17 =	simm.s32 $0xB00  }
0x60: {  	[spmem:s2] =	stream.indirect.scatter.add.f32 [tilespmem:s22], [sflag:$0x2], $0x1, s17, s21, $0xb8;
	[tilespmem:$0x4160] =	vst v63  }
0x61: {  	s7 =	simm.s32 $0xB80  }
0x62: {  	[spmem:s2] =	stream.indirect.scatter.add.f32 [tilespmem:s22], [sflag:$0x2], $0x1, s7, s21, $0xb8;
	[tilespmem:$0x4160] =	vst v63  }
0x63: {  	s8 =	simm.s32 $0xC00  }
0x64: {  	[spmem:s2] =	stream.indirect.scatter.add.f32 [tilespmem:s22], [sflag:$0x2], $0x1, s8, s21, $0xb8;
	[tilespmem:$0x4160] =	vst v63  }
0x65: {  	s9 =	simm.s32 $0xC80  }
0x66: {  	[spmem:s2] =	stream.indirect.scatter.add.f32 [tilespmem:s22], [sflag:$0x2], $0x1, s9, s21, $0xb8;
	[tilespmem:$0x4160] =	vst v63  }
0x67: {  	s10 =	simm.s32 $0xD00  }
0x68: {  	[spmem:s2] =	stream.indirect.scatter.add.f32 [tilespmem:s22], [sflag:$0x2], $0x1, s10, s21, $0xb8;
	[tilespmem:$0x4160] =	vst v63  }
0x69: {  	s11 =	simm.s32 $0xD80  }
0x6a: {  	[spmem:s2] =	stream.indirect.scatter.add.f32 [tilespmem:s22], [sflag:$0x2], $0x1, s11, s21, $0xb8;
	[tilespmem:$0x4160] =	vst v63  }
0x6b: {  	s12 =	simm.s32 $0xE00  }
0x6c: {  	[spmem:s2] =	stream.indirect.scatter.add.f32 [tilespmem:s22], [sflag:$0x2], $0x1, s12, s21, $0xb8;
	[tilespmem:$0x4160] =	vst v63  }
0x6d: {  	s14 =	simm.s32 $0xE80  }
0x6e: {  	[spmem:s2] =	stream.indirect.scatter.add.f32 [tilespmem:s22], [sflag:$0x2], $0x1, s14, s21, $0xb8;
	[tilespmem:$0x4160] =	vst v63  }
.Ltmp1:
0x6f: {  	s4 =	smov.u32 s23;
	s16 =	simm.s32 $0xF00;
	(pc) =	sbr.rel .LBB2_4-.Ltmp1, $4  }
0x70: {  	[spmem:s2] =	stream.indirect.scatter.add.f32 [tilespmem:s22], [sflag:$0x2], $0x1, s16, s21, $0xb8;
	[tilespmem:$0x4160] =	vst v63  }
0x71: {  	s17 =	simm.s32 $0xF80;
	s9 =	smov.u32 s1;
	s10 =	smov.u32 s30  }
0x72: {  	[spmem:s2] =	stream.indirect.scatter.add.f32 [tilespmem:s22], [sflag:$0x2], $0x1, s17, s21, $0xb8;
	[tilespmem:$0x4160] =	vst v63  }
0x73: {  	s14 =	rddreg [dreg:$0x7];
	s16 =	smov.u32 s0;
	s17 =	smov.u32 s31  }
.LBB2_19:
0x74: {  	s29 =	sadd.s32 $0x1, s29  }
0x75: {  	s14 =	sadd.s32 $0x20, s14;
	s4 =	sadd.s32 $0x4, s4;
	s16 =	sadd.s32 $0x1000, s16  }
0x76: {  	s9 =	sadd.s32 $0x4, s9;
	s17 =	sadd.s32 $0x1000, s17;
	s10 =	sadd.s32 $0x4, s10  }
.LBB2_4:
0x77: {  	s8 =	sshll.u32 s29, $0x2  }
0x78: {  	s11 =	sadd.s32 s23, s8  }
0x79: {  	s11 =	smax.u32 s11, s6  }
0x7a: {  	s11 =	ssub.s32 s11, s6  }
0x7b: {  	s11 =	sshll.u32 s11, $0x3  }
0x7c: {  	p0 =	sgt.s32 s11, $0xF  }
.Ltmp2:
0x7d: {  	_ = 	snop;
	(pc) =	sbr.rel @p0 .LBB2_8-.Ltmp2, $1  }
0x7e: {  	_ =	sdelay $0x3  }
0x7f: {  	p0 =	slt.s32 s4, s15;
	s11 =	smov.u32 s15  }
0x80: {  	s11 =	smov.u32 @p0 s4  }
0x81: {  	s11 =	sshll.u32 s11, $0x3  }
0x82: {  	s11 =	ssub.s32 s14, s11  }
0x83: {  	s11 =	sadd.s32 $0x1, s11  }
0x84: {  	p0 =	slt.s32 s11, $0xF  }
.Ltmp3:
0x85: {  	_ = 	snop;
	(pc) =	sbr.rel @!p0 .LBB2_7-.Ltmp3, $3  }
0x86: {  	_ =	sdelay $0x1  }
0x87: {  	_ =	swait.ge [sflag:s24], $0x80  }
0x88: {  	[sflag:s24] =	ssyncset.done $0x0  }
.LBB2_6:
0x89: {  	s11 =	sadd.s32 $0x1, s11  }
0x8a: {  	[sflag:s24] =	ssyncadd.s32 $0xFFFFFF80;
	p0 =	slt.s32 s11, $0xF  }
.Ltmp4:
0x8b: {  	(pc) =	sbr.rel @p0 .LBB2_6-.Ltmp4, $3  }
0x8c: {  	_ =	sdelay $0x1  }
0x8d: {  	_ =	swait.ge [sflag:s24], $0x80  }
0x8e: {  	[sflag:s24] =	ssyncset.done $0x0  }
.LBB2_7:
0x8f: {  	[sflag:s24] =	ssyncadd.s32 $0xFFFFFF80  }
.LBB2_8:
0x90: {  	s11 =	sadd.s32 s8, s1  }
0x91: {  	s12 =	smin.u32 s11, s6  }
0x92: {  	s11 =	ssub.s32 s11, s12  }
0x93: {  	s11 =	sshll.u32 s11, $0x3  }
0x94: {  	s7 =	sshll.u32 s12, $0x7;
	p0 =	sgt.s32 s11, $0xF  }
.Ltmp5:
0x95: {  	s7 =	sadd.s32 s13, s7;
	(pc) =	sbr.rel @p0 .LBB2_11-.Ltmp5, $4  }
0x96: {  	[tilespmem:s3], [sflag:$0x3] =	stream.linear.gather [hbm4b:s7+s3], $0x800, $0x38;
	[tilespmem:$0x4160] =	vst v63  }
0x97: {  	_ =	swait.ge [sflag:s20], $0x800  }
0x98: {  	[sflag:s20] =	ssyncset.done $0x0  }
0x99: {  	[sflag:s20] =	ssyncadd.s32 $0xFFFFF800  }
0x9a: {  	p0 =	slt.s32 s9, s15;
	s7 =	smov.u32 s15  }
0x9b: {  	s7 =	smov.u32 @p0 s9;
	p0 =	slt.s32 s11, $0xF  }
.Ltmp6:
0x9c: {  	s7 =	sshll.u32 s7, $0xC;
	(pc) =	sbr.rel @!p0 .LBB2_11-.Ltmp6, $4  }
0x9d: {  	s7 =	ssub.s32 $0x0, s7  }
0x9e: {  	s7 =	sshra.s32 s7, $0x2  }
0x9f: {  	s11 =	sadd.s32 $0x1, s11;
	s12 =	sadd.s32 s7, s16  }
0xa0: {  	[spmem:s2] =	stream.indirect.scatter.add.f32 [tilespmem:s22], [sflag:$0x1], $0x1, s12, s21, $0xb8;
	[tilespmem:$0x4160] =	vst v63  }
.LBB2_10:
0xa1: {  	p0 =	slt.s32 s11, $0xF  }
.Ltmp7:
0xa2: {  	_ = 	snop;
	(pc) =	sbr.rel @p0 .LBB2_10-.Ltmp7, $3  }
0xa3: {  	_ = 	snop  }
0xa4: {  	s11 =	sadd.s32 $0x1, s11;
	s12 =	sadd.s32 $0x80, s12;
	_ =	sdelay $0x1  }
0xa5: {  	[spmem:s2] =	stream.indirect.scatter.add.f32 [tilespmem:s22], [sflag:$0x1], $0x1, s12, s21, $0xb8;
	[tilespmem:$0x4160] =	vst v63  }
.LBB2_11:
0xa6: {  	s7 =	sadd.s32 s8, s23  }
0xa7: {  	s7 =	sadd.s32 $0x2, s7  }
0xa8: {  	s7 =	smax.u32 s7, s6  }
0xa9: {  	s7 =	ssub.s32 s7, s6  }
0xaa: {  	s11 =	sshll.u32 s7, $0x3  }
0xab: {  	p0 =	sgt.s32 s11, $0xF  }
.Ltmp8:
0xac: {  	_ = 	snop;
	(pc) =	sbr.rel @p0 .LBB2_15-.Ltmp8, $1  }
0xad: {  	_ =	sdelay $0x3  }
0xae: {  	p0 =	slt.s32 s11, $0xF  }
.Ltmp9:
0xaf: {  	_ = 	snop;
	(pc) =	sbr.rel @!p0 .LBB2_14-.Ltmp9, $3  }
0xb0: {  	_ =	sdelay $0x1  }
0xb1: {  	_ =	swait.ge [sflag:s25], $0x80  }
0xb2: {  	s11 =	sadd.s32 $0x1, s11;
	[sflag:s25] =	ssyncset.done $0x0  }
.LBB2_13:
0xb3: {  	p0 =	slt.s32 s11, $0xF;
	s11 =	sadd.s32 $0x1, s11;
	[sflag:s25] =	ssyncadd.s32 $0xFFFFFF80  }
.Ltmp10:
0xb4: {  	(pc) =	sbr.rel @p0 .LBB2_13-.Ltmp10, $3  }
0xb5: {  	_ =	sdelay $0x1  }
0xb6: {  	_ =	swait.ge [sflag:s25], $0x80  }
0xb7: {  	[sflag:s25] =	ssyncset.done $0x0  }
.LBB2_14:
0xb8: {  	[sflag:s25] =	ssyncadd.s32 $0xFFFFFF80  }
.LBB2_15:
0xb9: {  	p0 =	seq.s32 s29, $0x17  }
.Ltmp11:
0xba: {  	_ = 	snop;
	(pc) =	sbr.rel @p0 .LBB2_20-.Ltmp11, $1  }
0xbb: {  	_ =	sdelay $0x3  }
0xbc: {  	s7 =	sadd.s32 s8, s30  }
0xbd: {  	s8 =	smin.u32 s7, s6  }
0xbe: {  	s7 =	ssub.s32 s7, s8  }
0xbf: {  	s11 =	sshll.u32 s8, $0x7;
	s8 =	sshll.u32 s7, $0x3  }
0xc0: {  	p0 =	sgt.s32 s8, $0xF  }
.Ltmp12:
0xc1: {  	s12 =	sadd.s32 s13, s11;
	(pc) =	sbr.rel @p0 .LBB2_19-.Ltmp12, $4  }
0xc2: {  	[tilespmem:s28], [sflag:$0x3] =	stream.linear.gather [hbm4b:s12+s3], $0x800, $0x38;
	[tilespmem:$0x4160] =	vst v63  }
0xc3: {  	_ =	swait.ge [sflag:s20], $0x800  }
0xc4: {  	[sflag:s20] =	ssyncset.done $0x0  }
0xc5: {  	[sflag:s20] =	ssyncadd.s32 $0xFFFFF800  }
0xc6: {  	p0 =	slt.s32 s10, s15;
	s7 =	smov.u32 s15  }
0xc7: {  	s7 =	smov.u32 @p0 s10;
	p0 =	slt.s32 s8, $0xF  }
.Ltmp13:
0xc8: {  	s7 =	sshll.u32 s7, $0xC;
	(pc) =	sbr.rel @!p0 .LBB2_19-.Ltmp13, $4  }
0xc9: {  	s7 =	ssub.s32 $0x0, s7  }
0xca: {  	s7 =	sshra.s32 s7, $0x2  }
0xcb: {  	s8 =	sadd.s32 $0x1, s8;
	s11 =	sadd.s32 s7, s17  }
0xcc: {  	[spmem:s2] =	stream.indirect.scatter.add.f32 [tilespmem:s22], [sflag:$0x2], $0x1, s11, s21, $0xb8;
	[tilespmem:$0x4160] =	vst v63  }
.LBB2_18:
0xcd: {  	p0 =	slt.s32 s8, $0xF  }
.Ltmp14:
0xce: {  	_ = 	snop;
	(pc) =	sbr.rel @p0 .LBB2_18-.Ltmp14, $3  }
0xcf: {  	_ = 	snop  }
0xd0: {  	s8 =	sadd.s32 $0x1, s8;
	s11 =	sadd.s32 $0x80, s11;
	_ =	sdelay $0x1  }
0xd1: {  	[spmem:s2] =	stream.indirect.scatter.add.f32 [tilespmem:s22], [sflag:$0x2], $0x1, s11, s21, $0xb8;
	[tilespmem:$0x4160] =	vst v63  }
.Ltmp15:
0xd2: {  	_ = 	snop;
	(pc) =	sbr.rel .LBB2_19-.Ltmp15, $1  }
0xd3: {  	_ =	sdelay $0x3  }
.LBB2_20:
0xd4: {  	p0 =	sne.s32 s18, $0x1  }
.Ltmp16:
0xd5: {  	_ = 	snop;
	(pc) =	sbr.rel @!p0 .LBB2_22-.Ltmp16, $3  }
0xd6: {  	_ =	sdelay $0x1  }
0xd7: {  	_ =	swait.ge [sflag:s24], $0x80  }
0xd8: {  	s4 =	sadd.s32 $0xFFFFFFFF, s18;
	[sflag:s24] =	ssyncset.done $0x0  }
.LBB2_21:
0xd9: {  	p0 =	sne.s32 s4, $0x1;
	s4 =	sadd.s32 $0xFFFFFFFF, s4;
	[sflag:s24] =	ssyncadd.s32 $0xFFFFFF80  }
.Ltmp17:
0xda: {  	(pc) =	sbr.rel @p0 .LBB2_21-.Ltmp17, $3  }
0xdb: {  	_ =	sdelay $0x1  }
0xdc: {  	_ =	swait.ge [sflag:s24], $0x80  }
0xdd: {  	[sflag:s24] =	ssyncset.done $0x0  }
.LBB2_22:
0xde: {  	[sflag:s24] =	ssyncadd.s32 $0xFFFFFF80  }
0xdf: {  	[bflag:$0x0] =	sbarrier.arrive $0xFFFF  }
0xe0: {  	[tilespmem:s19], [sflag:$0x3] =	stream.linear.gather [spmem:s5], $0x1870, $0x38;
	[tilespmem:$0x4160] =	vst v63  }
0xe1: {  	_ =	swait.ge [sflag:s20], $0x1870  }
0xe2: {  	[sflag:s20] =	ssyncset.done $0x0  }
0xe3: {  	s4 =	rddreg [dreg:$0x5];
	[sflag:s20] =	ssyncadd.s32 $0xFFFFE790  }
0xe4: {  	[hbm4b:s4+s3] =	stream.linear.scatter [tilespmem:s19], [sflag:$0x3], $0x1870, $0x38;
	[tilespmem:$0x4160] =	vst v63  }
0xe5: {  	_ =	swait.ge [sflag:s20], $0x1870  }
0xe6: {  	s26 =	sadd.s32 $0x1, s26;
	s29 =	rddreg [dreg:$0x6]  }
0xe7: {  	p0 =	sne.s32 s26, s29  }
.Ltmp18:
0xe8: {  	_ = 	snop;
	(pc) =	sbr.rel @p0 .LBB2_1-.Ltmp18, $3  }
0xe9: {  	_ =	sdelay $0x1  }
0xea: {  	[sflag:s20] =	ssyncset.done $0x0  }
0xeb: {  	[sflag:s20] =	ssyncadd.s32 $0xFFFFE790  }
0xec: {  	_ =	sfence.sel $0x180000  }
0xed: {  	[bflag:$0x0] =	sbarrier.arrive $0xFFFF  }
0xee: {  	_ =	strace $0x90000047  }
0xef: {  	s0 =	stileid.u32;
	[bflag:$0x2] =	sbarrier.arrive $0xFFFF  }
0xf0: {  	p0 =	sne.s32 s0, $0x0;
	s0 =	rddreg [dreg:$0x2]  }
0xf1: {  	s0 =	sadd.s32 @!p0 $0x100000, s0  }
0xf2: {  	[sflag:s0] =	ssyncadd.tile.s32 @!p0 $0x1;
	_ =	shalt  }
.Lfunc_end2:
_tile_overlayer_lowered:
.L_overlay_start_2:
0xf3: {  	(tag) =	ssettag $0x2  }
0xf4: {  	s0 =	rddreg [dreg:$0x0];
	s2 =	stileid.u32  }
0xf5: {  	s1 =	rddreg [dreg:$0x1];
	p0 =	sne.s32 s2, $0x0  }
0xf6: {  	s3 =	rddreg [dreg:$0x2];
	[bflag:$0x3] =	sbarrier.arrive $0xFFFF;
	s2 =	simm.s32 @!p0 $0x1C03  }
0xf7: {  	[timem:s3], [sflag:s2] =	dma.local @!p0 [hbm:s0], s1  }
0xf8: {  	s0 =	simm.s32 @!p0 $0x3  }
0xf9: {  	_ =	swait.ge @!p0 [sflag:s0], s1  }
0xfa: {  	s1 =	ssub.s32 @!p0 $0x0, s1;
	[sflag:s0] =	ssyncset.done @!p0 $0x0  }
0xfb: {  	[sflag:s0] =	ssyncadd.s32 @!p0 s1  }
0xfc: {  	[bflag:$0x3] =	sbarrier.arrive $0xFFFF  }
0xfd: {  	_ =	shalt  }

</sc_bundles>
